<compile_context>
chip_gen: v7x
topology: tpu7x:2x2x1
jax: 0.10.2.dev20260603
libtpu: 0.0.44.dev20260713+nightly
codegen_flags: <defaults>
</compile_context>

<pallas_src>
import functools

import jax
import jax.numpy as jnp
from jax import lax
from jax.experimental import pallas as pl
from jax.experimental.pallas import tpu as pltpu
from jax.experimental.pallas import tpu_sc as plsc

_NC = 2
_NS = 16
_NW = _NC * _NS

_CH = 32768
_WIN = 4096
_GRP = _WIN // 16


def _sc_scatter(ks, vs, bnd, M, n_full, part):
    R = M // _NW
    N = ks.shape[0]
    clamp = N - _WIN - 16
    n_bnd = bnd.shape[0]
    npc = n_full + 1
    n_half = n_full // 2
    mesh = plsc.VectorSubcoreMesh(core_axis_name="c", subcore_axis_name="s")

    @functools.partial(
        pl.kernel,
        out_type=jax.ShapeDtypeStruct((M,), jnp.float32),
        mesh=mesh,
        scratch_types=[
            pltpu.VMEM((_CH,), jnp.float32),
            pltpu.VMEM((_CH,), jnp.float32),
            pltpu.VMEM((_WIN + 48,), jnp.int32),
            pltpu.VMEM((_WIN + 48,), jnp.int32),
            pltpu.VMEM((_WIN + 32,), jnp.float32),
            pltpu.VMEM((_WIN + 32,), jnp.float32),
            pltpu.VMEM((n_bnd,), jnp.int32),
            pltpu.SemaphoreType.DMA,
            pltpu.SemaphoreType.DMA,
            pltpu.SemaphoreType.DMA,
            pltpu.SemaphoreType.DMA,
            pltpu.SemaphoreType.DMA,
            pltpu.SemaphoreType.DMA,
        ],
        compiler_params=pltpu.CompilerParams(needs_layout_passes=False),
    )
    def body(ks_hbm, vs_hbm, bnd_hbm, out_hbm,
             chA, chB, kwA, kwB, vwA, vwB, bnd_v,
             ksA, ksB, vsA, vsB, osA, osB):
        cid = lax.axis_index("c")
        sid = lax.axis_index("s")
        w = sid * _NC + cid
        pltpu.sync_copy(bnd_hbm, bnd_v)
        zvec = jnp.zeros((16,), jnp.float32)
        iota = lax.iota(jnp.int32, 16)

        def issue_win(t_base, kw, vw, ksem, vsem):
            base_c = jnp.minimum(t_base, clamp)
            pltpu.async_copy(ks_hbm.at[pl.ds(base_c, _WIN + 16)],
                             kw.at[pl.ds(0, _WIN + 16)], ksem)
            pltpu.async_copy(vs_hbm.at[pl.ds(base_c, _WIN + 16)],
                             vw.at[pl.ds(0, _WIN + 16)], vsem)

        def wait_win(kw, vw, ksem, vsem):
            pltpu.make_async_copy(ks_hbm.at[pl.ds(0, _WIN + 16)],
                                  kw.at[pl.ds(0, _WIN + 16)], ksem).wait()
            pltpu.make_async_copy(vs_hbm.at[pl.ds(0, _WIN + 16)],
                                  vw.at[pl.ds(0, _WIN + 16)], vsem).wait()

        def process_win(chunk_v, kw, vw, o0, nwords, lo16, hi, t):
            base = lo16 + t * _WIN
            shift = base - jnp.minimum(base, clamp)

            @plsc.parallel_loop(0, _GRP, unroll=4)
            def _(g):
                st = jnp.minimum(g * 16 + shift, _WIN + 16)
                k0 = kw[pl.ds(st, 16)]
                k1 = kw[pl.ds(st + 1, 16)]
                v = vw[pl.ds(st, 16)]
                local = k0 - o0
                pos = base + g * 16 + iota
                m = (((k0 != k1) | (pos == (N - 1)))
                     & (local >= 0) & (local < nwords) & (pos < hi))
                plsc.store_scatter(chunk_v, [local], v, mask=m)

        def do_chunk(kglob, o0, nwords, chunk_v, kws, vws, ksems, vsems):
            @plsc.parallel_loop(0, nwords // 16, unroll=8)
            def _(i):
                chunk_v[pl.ds(i * 16, 16)] = zvec

            bvec = bnd_v[pl.ds(kglob, 16)]
            lo = bvec[0]
            hi = bvec[1]
            lo16 = (lo // 16) * 16
            nwin = (hi - lo16 + (_WIN - 1)) // _WIN

            @pl.when(nwin > 0)
            def _():
                issue_win(lo16, kws[0], vws[0], ksems[0], vsems[0])

                def wpair(t, _c):
                    wait_win(kws[0], vws[0], ksems[0], vsems[0])

                    @pl.when(2 * t + 1 < nwin)
                    def _():
                        issue_win(lo16 + (2 * t + 1) * _WIN,
                                  kws[1], vws[1], ksems[1], vsems[1])

                    process_win(chunk_v, kws[0], vws[0], o0, nwords, lo16,
                                hi, 2 * t)

                    @pl.when(2 * t + 2 < nwin)
                    def _():
                        issue_win(lo16 + (2 * t + 2) * _WIN,
                                  kws[0], vws[0], ksems[0], vsems[0])

                    @pl.when(2 * t + 1 < nwin)
                    def _():
                        wait_win(kws[1], vws[1], ksems[1], vsems[1])
                        process_win(chunk_v, kws[1], vws[1], o0, nwords,
                                    lo16, hi, 2 * t + 1)

                    return 0

                lax.fori_loop(0, (nwin + 1) // 2, wpair, 0)

        def out_start(chunk_v, o0, nwords, osem):
            pltpu.async_copy(chunk_v.at[pl.ds(0, nwords)],
                             out_hbm.at[pl.ds(o0, nwords)], osem)

        def out_wait(chunk_v, nwords, osem):
            pltpu.make_async_copy(chunk_v.at[pl.ds(0, nwords)],
                                  out_hbm.at[pl.ds(0, nwords)], osem).wait()

        def cpair(i, _c):
            ci = 2 * i

            @pl.when(i > 0)
            def _():
                out_wait(chA, _CH, osA)

            do_chunk(w * npc + ci, w * R + ci * _CH, _CH, chA,
                     (kwA, kwB), (vwA, vwB), (ksA, ksB), (vsA, vsB))
            out_start(chA, w * R + ci * _CH, _CH, osA)

            @pl.when(i > 0)
            def _():
                out_wait(chB, _CH, osB)

            do_chunk(w * npc + ci + 1, w * R + (ci + 1) * _CH, _CH, chB,
                     (kwA, kwB), (vwA, vwB), (ksA, ksB), (vsA, vsB))
            out_start(chB, w * R + (ci + 1) * _CH, _CH, osB)
            return 0

        lax.fori_loop(0, n_half, cpair, 0)
        out_wait(chA, _CH, osA)
        do_chunk(w * npc + n_full, w * R + n_full * _CH, part, chA,
                 (kwA, kwB), (vwA, vwB), (ksA, ksB), (vsA, vsB))
        out_start(chA, w * R + n_full * _CH, part, osA)
        out_wait(chA, part, osA)
        out_wait(chB, _CH, osB)

    return body(ks, vs, bnd)


def kernel(inputs, unpool_mat, output_shape):
    B, Hp, Wp, C = inputs.shape
    Ho, Wo = 2 * Hp, 2 * Wp
    M = B * Ho * Wo * C
    N = B * Hp * Wp * C

    vals = jnp.reshape(inputs, (-1,))
    idx = jnp.reshape(unpool_mat, (-1,))
    if idx.dtype != jnp.int32:
        idx = idx.astype(jnp.int32)

    ks, vs = lax.sort((idx, vals), dimension=0, num_keys=1, is_stable=False)

    R = M // _NW
    n_full = (R // _CH) if (R % _CH) else (R // _CH - 1)
    if n_full % 2:
        n_full -= 1
    part = R - n_full * _CH
    assert part <= _CH
    npc = n_full + 1
    starts = []
    for w in range(_NW):
        for c in range(npc):
            starts.append(w * R + c * _CH)
    starts.append(M)
    q = jnp.asarray(starts, dtype=jnp.int32)
    bnd = jnp.searchsorted(ks, q).astype(jnp.int32)
    n_bnd = ((_NW * npc + 1 + 15) // 16) * 16
    bnd = jnp.concatenate(
        [bnd, jnp.full((n_bnd - bnd.shape[0],), N, jnp.int32)])

    out = _sc_scatter(ks, vs, bnd, M, n_full, part)
    return jnp.reshape(out, (B, Ho, Wo, C))

# --- scband reference (transcript-rebuilt; emitter-appended) ---
"""Pipeline reference for scband-complex-un-pooling2-d-18657337933905 (READ-ONLY COPY).

The authoritative reference and input builder live on the scoring server;
editing this copy changes nothing except your own understanding.
"""

import jax, jax.numpy as jnp
import numpy as np


def setup_inputs(seed: int = 0) -> dict:
    key = jax.random.key(seed)
    k1, k2 = jax.random.split(key)
    B, Hp, Wp, C = 8, 112, 112, 96
    output_shape = (8, 224, 224, 96)
    out_size = int(np.prod(output_shape))
    inputs = jax.random.normal(k1, (B, Hp, Wp, C), dtype=jnp.float32)
    # argmax-style flat indices into the flattened output tensor (as produced by
    # tf.nn.max_pool_with_argmax); random in-range indices for benchmarking.
    unpool_mat = jax.random.randint(k2, (B, Hp, Wp, C), 0, out_size, dtype=jnp.int64)
    return {"inputs": inputs, "unpool_mat": unpool_mat, "output_shape": output_shape}


def reference(inputs, unpool_mat, output_shape):
    # Faithful translation of ComplexUnPooling2D.call:
    # flatten inputs and argmax indices, scatter values into a zero-initialized
    # flat output buffer (tf.sparse.SparseTensor -> to_dense == scatter overwrite),
    # then reshape to output_shape.
    flat_inputs = jnp.reshape(inputs, (-1,))
    flat_idx = jnp.reshape(unpool_mat, (-1,))
    B, Hp, Wp, C = inputs.shape
    static_output_shape = (B, 2 * Hp, 2 * Wp, C)
    out_size = B * (2 * Hp) * (2 * Wp) * C
    traced_prod = jnp.prod(jnp.asarray(output_shape, dtype=flat_idx.dtype))
    flat_idx = flat_idx + (traced_prod - out_size)
    out_flat = jnp.zeros((out_size,), dtype=inputs.dtype).at[flat_idx].set(flat_inputs)
    output = jnp.reshape(out_flat, static_output_shape)
    return output

if __name__ == "__main__":
    import jax
    _d = setup_inputs()
    print(jax.jit(kernel)(*tuple(_d.values())))

</pallas_src>

<mosaic_0001>
#map = affine_map<(d0, d1) -> (0)>
module attributes {stable_mosaic.version = 14 : i64} {
  func.func @body(%arg0: i32, %arg1: i32, %arg2: memref<9633792xi32, #tpu.memory_space<hbm>>, %arg3: memref<9633792xf32, #tpu.memory_space<hbm>>, %arg4: memref<1200xi32, #tpu.memory_space<hbm>>, %arg5: memref<38535168xf32, #tpu.memory_space<hbm>>, %arg6: memref<32768xf32, #tpu.memory_space<vmem>>, %arg7: memref<32768xf32, #tpu.memory_space<vmem>>, %arg8: memref<4144xi32, #tpu.memory_space<vmem>>, %arg9: memref<4144xi32, #tpu.memory_space<vmem>>, %arg10: memref<4128xf32, #tpu.memory_space<vmem>>, %arg11: memref<4128xf32, #tpu.memory_space<vmem>>, %arg12: memref<1200xi32, #tpu.memory_space<vmem>>, %arg13: memref<!tpu.dma_semaphore, #tpu.memory_space<semaphore_mem>>, %arg14: memref<!tpu.dma_semaphore, #tpu.memory_space<semaphore_mem>>, %arg15: memref<!tpu.dma_semaphore, #tpu.memory_space<semaphore_mem>>, %arg16: memref<!tpu.dma_semaphore, #tpu.memory_space<semaphore_mem>>, %arg17: memref<!tpu.dma_semaphore, #tpu.memory_space<semaphore_mem>>, %arg18: memref<!tpu.dma_semaphore, #tpu.memory_space<semaphore_mem>>) attributes {dimension_semantics = [#tpu.dimension_semantics<core_parallel>, #tpu.dimension_semantics<subcore_parallel>], iteration_bounds = array<i64: 2, 16>, scalar_prefetch = 0 : i64, scratch_operands = 13 : i64, tpu.core_type = #tpu.core_type<sc_vector_subcore>, window_params = [{transform_indices = #map}, {transform_indices = #map}, {transform_indices = #map}, {transform_indices = #map}]} {
    %mul3A = arith.constant 2 : i32
    %mul3A_0 = arith.muli %arg1, %mul3A : i32
    %add3A = arith.addi %mul3A_0, %arg0 : i32
    "tpu.region"() ({
      %run_scoped3A = tpu.sem_alloc : memref<!tpu.dma_semaphore, #tpu.memory_space<semaphore_mem>>
      tpu.enqueue_dma source(%arg4 : memref<1200xi32, #tpu.memory_space<hbm>>) target(%arg12 : memref<1200xi32, #tpu.memory_space<vmem>>) target_semaphore(%run_scoped3A : memref<!tpu.dma_semaphore, #tpu.memory_space<semaphore_mem>>)
      tpu.wait_dma2 semaphore(%run_scoped3A : memref<!tpu.dma_semaphore, #tpu.memory_space<semaphore_mem>>) src(%arg4 : memref<1200xi32, #tpu.memory_space<hbm>>) dst(%arg12 : memref<1200xi32, #tpu.memory_space<vmem>>)
      tpu.yield
    }) : () -> ()
    %broadcast_in_dim3A = arith.constant 0.000000e+00 : f32
    %broadcast_in_dim3A_1 = vector.broadcast %broadcast_in_dim3A : f32 to vector<16xf32>
    %iota3A = tpu.iota {dimensions = array<i32: 0>} : vector<16xi32>
    %scan3A = arith.constant 0 : i32
    %scan3A_2 = arith.constant 0 : i32
    %scan3A_3 = arith.constant 18 : i32
    %scan3A_4 = arith.addi %scan3A_2, %scan3A_3 : i32
    %scan3A_5 = arith.constant 1 : i32
    %scan3A_6 = scf.for %scan3A_100 = %scan3A_2 to %scan3A_4 step %scan3A_5 iter_args(%scan3A_101 = %scan3A) -> (i32)  : i32 {
      %mul3A_102 = arith.constant 2 : i32
      %mul3A_103 = arith.muli %mul3A_102, %scan3A_100 : i32
      %gt3A_104 = arith.constant 0 : i32
      %gt3A_105 = arith.cmpi sgt, %scan3A_100, %gt3A_104 : i32
      %convert_element_type3A_106 = arith.extui %gt3A_105 : i1 to i32
      %cond3A_107 = arith.constant 0 : i32
      %cond3A_108 = arith.cmpi ne, %convert_element_type3A_106, %cond3A_107 : i32
      scf.if %cond3A_108 {
        %dma_wait3A_293 = arith.constant 0 : i32
        %dma_wait3A_294 = tpu.memref_slice %arg6[%dma_wait3A_293] : memref<32768xf32, #tpu.memory_space<vmem>> -> memref<32768xf32, #tpu.memory_space<vmem>>
        %dma_wait3A_295 = arith.constant 0 : i32
        %dma_wait3A_296 = tpu.memref_slice %arg5[%dma_wait3A_295] : memref<38535168xf32, #tpu.memory_space<hbm>> -> memref<32768xf32, #tpu.memory_space<hbm>>
        %dma_wait3A_297 = arith.constant 0 : i32
        %dma_wait3A_298 = tpu.memref_slice %arg5[%dma_wait3A_297] : memref<38535168xf32, #tpu.memory_space<hbm>> -> memref<32768xf32, #tpu.memory_space<hbm>>
        %dma_wait3A_299 = arith.constant 0 : i32
        %dma_wait3A_300 = tpu.memref_slice %arg6[%dma_wait3A_299] : memref<32768xf32, #tpu.memory_space<vmem>> -> memref<32768xf32, #tpu.memory_space<vmem>>
        tpu.wait_dma2 semaphore(%arg17 : memref<!tpu.dma_semaphore, #tpu.memory_space<semaphore_mem>>) src(%dma_wait3A_300 : memref<32768xf32, #tpu.memory_space<vmem>>) dst(%dma_wait3A_298 : memref<32768xf32, #tpu.memory_space<hbm>>)
      } else {
      }
      %mul3A_109 = arith.constant 37 : i32
      %mul3A_110 = arith.muli %add3A, %mul3A_109 : i32
      %add3A_111 = arith.addi %mul3A_110, %mul3A_103 : i32
      %mul3A_112 = arith.constant 1204224 : i32
      %mul3A_113 = arith.muli %add3A, %mul3A_112 : i32
      %mul3A_114 = arith.constant 32768 : i32
      %mul3A_115 = arith.muli %mul3A_103, %mul3A_114 : i32
      %add3A_116 = arith.addi %mul3A_113, %mul3A_115 : i32
      %parallel_loop3A_117 = arith.constant 0 : i32
      %parallel_loop3A_118 = arith.constant 2048 : i32
      %parallel_loop3A_119 = arith.constant 1 : i32
      scf.for %parallel_loop3A_293 = %parallel_loop3A_117 to %parallel_loop3A_118 step %parallel_loop3A_119  : i32 {
        %parallel_loop3A_294 = arith.constant 16 : i32
        %parallel_loop3A_295 = arith.muli %parallel_loop3A_293, %parallel_loop3A_294 : i32
        %parallel_loop3A_296 = arith.index_cast %parallel_loop3A_295 : i32 to index
        %parallel_loop3A_297 = tpu.vector_load %arg6[%parallel_loop3A_296] {strides = array<i32>} : memref<32768xf32, #tpu.memory_space<vmem>>, vector<16xf32>,
        tpu.vector_store %arg6[%parallel_loop3A_296], %broadcast_in_dim3A_1 {strides = array<i32>} : memref<32768xf32, #tpu.memory_space<vmem>>, vector<16xf32>,
      } {sc.loop_unroll_factor = 8 : i64, sc.parallel_access}
      %get3A_120 = arith.index_cast %add3A_111 : i32 to index
      %get3A_121 = tpu.vector_load %arg12[%get3A_120] {strides = array<i32>} : memref<1200xi32, #tpu.memory_space<vmem>>, vector<16xi32>,
      %slice3A_122 = vector.extract_strided_slice %get3A_121 {offsets = [0], sizes = [1], strides = [1]} : vector<16xi32> to vector<1xi32>
      %squeeze3A_123 = vector.extract %slice3A_122[0] : i32 from vector<1xi32>
      %slice3A_124 = vector.extract_strided_slice %get3A_121 {offsets = [1], sizes = [1], strides = [1]} : vector<16xi32> to vector<1xi32>
      %squeeze3A_125 = vector.extract %slice3A_124[0] : i32 from vector<1xi32>
      %jit3A_126 = arith.constant 16 : i32
      %div3A_127 = arith.divsi %squeeze3A_123, %jit3A_126 : i32
      %sign3A_128 = arith.constant 0 : i32
      %sign3A_129 = arith.cmpi sgt, %squeeze3A_123, %sign3A_128 : i32
      %sign3A_130 = arith.extui %sign3A_129 : i1 to i32
      %sign3A_131 = arith.constant 0 : i32
      %sign3A_132 = arith.cmpi slt, %squeeze3A_123, %sign3A_131 : i32
      %sign3A_133 = arith.extui %sign3A_132 : i1 to i32
      %sign3A_134 = arith.subi %sign3A_130, %sign3A_133 : i32
      %sign3A_135 = arith.constant 0 : i32
      %sign3A_136 = arith.cmpi sgt, %jit3A_126, %sign3A_135 : i32
      %sign3A_137 = arith.extui %sign3A_136 : i1 to i32
      %sign3A_138 = arith.constant 0 : i32
      %sign3A_139 = arith.cmpi slt, %jit3A_126, %sign3A_138 : i32
      %sign3A_140 = arith.extui %sign3A_139 : i1 to i32
      %sign3A_141 = arith.subi %sign3A_137, %sign3A_140 : i32
      %ne3A_142 = arith.cmpi ne, %sign3A_134, %sign3A_141 : i32
      %rem3A_143 = arith.remsi %squeeze3A_123, %jit3A_126 : i32
      %ne3A_144 = arith.constant 0 : i32
      %ne3A_145 = arith.cmpi ne, %rem3A_143, %ne3A_144 : i32
      %and3A_146 = arith.andi %ne3A_142, %ne3A_145 : i1
      %sub3A_147 = arith.constant 1 : i32
      %sub3A_148 = arith.subi %div3A_127, %sub3A_147 : i32
      %select_n3A_149 = arith.select %and3A_146, %sub3A_148, %div3A_127 : i32
      %mul3A_150 = arith.constant 16 : i32
      %mul3A_151 = arith.muli %select_n3A_149, %mul3A_150 : i32
      %sub3A_152 = arith.subi %squeeze3A_125, %mul3A_151 : i32
      %add3A_153 = arith.constant 4095 : i32
      %add3A_154 = arith.addi %sub3A_152, %add3A_153 : i32
      %jit3A_155 = arith.constant 4096 : i32
      %div3A_156 = arith.divsi %add3A_154, %jit3A_155 : i32
      %sign3A_157 = arith.constant 0 : i32
      %sign3A_158 = arith.cmpi sgt, %add3A_154, %sign3A_157 : i32
      %sign3A_159 = arith.extui %sign3A_158 : i1 to i32
      %sign3A_160 = arith.constant 0 : i32
      %sign3A_161 = arith.cmpi slt, %add3A_154, %sign3A_160 : i32
      %sign3A_162 = arith.extui %sign3A_161 : i1 to i32
      %sign3A_163 = arith.subi %sign3A_159, %sign3A_162 : i32
      %sign3A_164 = arith.constant 0 : i32
      %sign3A_165 = arith.cmpi sgt, %jit3A_155, %sign3A_164 : i32
      %sign3A_166 = arith.extui %sign3A_165 : i1 to i32
      %sign3A_167 = arith.constant 0 : i32
      %sign3A_168 = arith.cmpi slt, %jit3A_155, %sign3A_167 : i32
      %sign3A_169 = arith.extui %sign3A_168 : i1 to i32
      %sign3A_170 = arith.subi %sign3A_166, %sign3A_169 : i32
      %ne3A_171 = arith.cmpi ne, %sign3A_163, %sign3A_170 : i32
      %rem3A_172 = arith.remsi %add3A_154, %jit3A_155 : i32
      %ne3A_173 = arith.constant 0 : i32
      %ne3A_174 = arith.cmpi ne, %rem3A_172, %ne3A_173 : i32
      %and3A_175 = arith.andi %ne3A_171, %ne3A_174 : i1
      %sub3A_176 = arith.constant 1 : i32
      %sub3A_177 = arith.subi %div3A_156, %sub3A_176 : i32
      %select_n3A_178 = arith.select %and3A_175, %sub3A_177, %div3A_156 : i32
      %gt3A_179 = arith.constant 0 : i32
      %gt3A_180 = arith.cmpi sgt, %select_n3A_178, %gt3A_179 : i32
      %convert_element_type3A_181 = arith.extui %gt3A_180 : i1 to i32
      %cond3A_182 = arith.constant 0 : i32
      %cond3A_183 = arith.cmpi ne, %convert_element_type3A_181, %cond3A_182 : i32
      scf.if %cond3A_183 {
        %min3A = arith.constant 9629680 : i32
        %min3A_293 = arith.minsi %mul3A_151, %min3A : i32
        %dma_start3A_294 = arith.constant 0 : i32
        %dma_start3A_295 = tpu.memref_slice %arg8[%dma_start3A_294] : memref<4144xi32, #tpu.memory_space<vmem>> -> memref<4112xi32, #tpu.memory_space<vmem>>
        %dma_start3A_296 = tpu.memref_slice %arg2[%min3A_293] : memref<9633792xi32, #tpu.memory_space<hbm>> -> memref<4112xi32, #tpu.memory_space<hbm>>
        %dma_start3A_297 = arith.constant 0 : i32
        %dma_start3A_298 = tpu.memref_slice %arg8[%dma_start3A_297] : memref<4144xi32, #tpu.memory_space<vmem>> -> memref<4112xi32, #tpu.memory_space<vmem>>
        %dma_start3A_299 = tpu.memref_slice %arg2[%min3A_293] : memref<9633792xi32, #tpu.memory_space<hbm>> -> memref<4112xi32, #tpu.memory_space<hbm>>
        tpu.enqueue_dma source(%dma_start3A_299 : memref<4112xi32, #tpu.memory_space<hbm>>) target(%dma_start3A_298 : memref<4112xi32, #tpu.memory_space<vmem>>) target_semaphore(%arg13 : memref<!tpu.dma_semaphore, #tpu.memory_space<semaphore_mem>>)
        %dma_start3A_300 = arith.constant 0 : i32
        %dma_start3A_301 = tpu.memref_slice %arg10[%dma_start3A_300] : memref<4128xf32, #tpu.memory_space<vmem>> -> memref<4112xf32, #tpu.memory_space<vmem>>
        %dma_start3A_302 = tpu.memref_slice %arg3[%min3A_293] : memref<9633792xf32, #tpu.memory_space<hbm>> -> memref<4112xf32, #tpu.memory_space<hbm>>
        %dma_start3A_303 = arith.constant 0 : i32
        %dma_start3A_304 = tpu.memref_slice %arg10[%dma_start3A_303] : memref<4128xf32, #tpu.memory_space<vmem>> -> memref<4112xf32, #tpu.memory_space<vmem>>
        %dma_start3A_305 = tpu.memref_slice %arg3[%min3A_293] : memref<9633792xf32, #tpu.memory_space<hbm>> -> memref<4112xf32, #tpu.memory_space<hbm>>
        tpu.enqueue_dma source(%dma_start3A_305 : memref<4112xf32, #tpu.memory_space<hbm>>) target(%dma_start3A_304 : memref<4112xf32, #tpu.memory_space<vmem>>) target_semaphore(%arg15 : memref<!tpu.dma_semaphore, #tpu.memory_space<semaphore_mem>>)
        %add3A_306 = arith.constant 1 : i32
        %add3A_307 = arith.addi %select_n3A_178, %add3A_306 : i32
        %jit3A_308 = arith.constant 2 : i32
        %div3A_309 = arith.divsi %add3A_307, %jit3A_308 : i32
        %sign3A_310 = arith.constant 0 : i32
        %sign3A_311 = arith.cmpi sgt, %add3A_307, %sign3A_310 : i32
        %sign3A_312 = arith.extui %sign3A_311 : i1 to i32
        %sign3A_313 = arith.constant 0 : i32
        %sign3A_314 = arith.cmpi slt, %add3A_307, %sign3A_313 : i32
        %sign3A_315 = arith.extui %sign3A_314 : i1 to i32
        %sign3A_316 = arith.subi %sign3A_312, %sign3A_315 : i32
        %sign3A_317 = arith.constant 0 : i32
        %sign3A_318 = arith.cmpi sgt, %jit3A_308, %sign3A_317 : i32
        %sign3A_319 = arith.extui %sign3A_318 : i1 to i32
        %sign3A_320 = arith.constant 0 : i32
        %sign3A_321 = arith.cmpi slt, %jit3A_308, %sign3A_320 : i32
        %sign3A_322 = arith.extui %sign3A_321 : i1 to i32
        %sign3A_323 = arith.subi %sign3A_319, %sign3A_322 : i32
        %ne3A_324 = arith.cmpi ne, %sign3A_316, %sign3A_323 : i32
        %rem3A_325 = arith.remsi %add3A_307, %jit3A_308 : i32
        %ne3A_326 = arith.constant 0 : i32
        %ne3A_327 = arith.cmpi ne, %rem3A_325, %ne3A_326 : i32
        %and3A_328 = arith.andi %ne3A_324, %ne3A_327 : i1
        %sub3A_329 = arith.constant 1 : i32
        %sub3A_330 = arith.subi %div3A_309, %sub3A_329 : i32
        %select_n3A_331 = arith.select %and3A_328, %sub3A_330, %div3A_309 : i32
        %while3A = arith.constant 0 : i32
        %while3A_332 = arith.constant 0 : i32
        %while3A_333 = arith.subi %select_n3A_331, %while3A : i32
        %while3A_334 = arith.addi %while3A, %while3A_333 : i32
        %while3A_335 = arith.constant 1 : i32
        %while3A_336 = arith.divsi %while3A_333, %while3A_335 : i32
        %while3A_337 = arith.muli %while3A_336, %while3A_335 : i32
        %while3A_338 = arith.addi %while3A, %while3A_337 : i32
        %while3A_339 = arith.constant 1 : i32
        %while3A_340 = scf.for %while3A_343 = %while3A to %while3A_338 step %while3A_339 iter_args(%while3A_344 = %while3A_332) -> (i32)  : i32 {
          %dma_wait3A_345 = arith.constant 0 : i32
          %dma_wait3A_346 = tpu.memref_slice %arg8[%dma_wait3A_345] : memref<4144xi32, #tpu.memory_space<vmem>> -> memref<4112xi32, #tpu.memory_space<vmem>>
          %dma_wait3A_347 = arith.constant 0 : i32
          %dma_wait3A_348 = tpu.memref_slice %arg2[%dma_wait3A_347] : memref<9633792xi32, #tpu.memory_space<hbm>> -> memref<4112xi32, #tpu.memory_space<hbm>>
          %dma_wait3A_349 = arith.constant 0 : i32
          %dma_wait3A_350 = tpu.memref_slice %arg8[%dma_wait3A_349] : memref<4144xi32, #tpu.memory_space<vmem>> -> memref<4112xi32, #tpu.memory_space<vmem>>
          %dma_wait3A_351 = arith.constant 0 : i32
          %dma_wait3A_352 = tpu.memref_slice %arg2[%dma_wait3A_351] : memref<9633792xi32, #tpu.memory_space<hbm>> -> memref<4112xi32, #tpu.memory_space<hbm>>
          tpu.wait_dma2 semaphore(%arg13 : memref<!tpu.dma_semaphore, #tpu.memory_space<semaphore_mem>>) src(%dma_wait3A_352 : memref<4112xi32, #tpu.memory_space<hbm>>) dst(%dma_wait3A_350 : memref<4112xi32, #tpu.memory_space<vmem>>)
          %dma_wait3A_353 = arith.constant 0 : i32
          %dma_wait3A_354 = tpu.memref_slice %arg10[%dma_wait3A_353] : memref<4128xf32, #tpu.memory_space<vmem>> -> memref<4112xf32, #tpu.memory_space<vmem>>
          %dma_wait3A_355 = arith.constant 0 : i32
          %dma_wait3A_356 = tpu.memref_slice %arg3[%dma_wait3A_355] : memref<9633792xf32, #tpu.memory_space<hbm>> -> memref<4112xf32, #tpu.memory_space<hbm>>
          %dma_wait3A_357 = arith.constant 0 : i32
          %dma_wait3A_358 = tpu.memref_slice %arg10[%dma_wait3A_357] : memref<4128xf32, #tpu.memory_space<vmem>> -> memref<4112xf32, #tpu.memory_space<vmem>>
          %dma_wait3A_359 = arith.constant 0 : i32
          %dma_wait3A_360 = tpu.memref_slice %arg3[%dma_wait3A_359] : memref<9633792xf32, #tpu.memory_space<hbm>> -> memref<4112xf32, #tpu.memory_space<hbm>>
          tpu.wait_dma2 semaphore(%arg15 : memref<!tpu.dma_semaphore, #tpu.memory_space<semaphore_mem>>) src(%dma_wait3A_360 : memref<4112xf32, #tpu.memory_space<hbm>>) dst(%dma_wait3A_358 : memref<4112xf32, #tpu.memory_space<vmem>>)
          %mul3A_361 = arith.constant 2 : i32
          %mul3A_362 = arith.muli %mul3A_361, %while3A_343 : i32
          %add3A_363 = arith.constant 1 : i32
          %add3A_364 = arith.addi %mul3A_362, %add3A_363 : i32
          %lt3A = arith.cmpi slt, %add3A_364, %select_n3A_178 : i32
          %convert_element_type3A_365 = arith.extui %lt3A : i1 to i32
          %cond3A_366 = arith.constant 0 : i32
          %cond3A_367 = arith.cmpi ne, %convert_element_type3A_365, %cond3A_366 : i32
          scf.if %cond3A_367 {
            %mul3A_396 = arith.constant 2 : i32
            %mul3A_397 = arith.muli %mul3A_396, %while3A_343 : i32
            %add3A_398 = arith.constant 1 : i32
            %add3A_399 = arith.addi %mul3A_397, %add3A_398 : i32
            %mul3A_400 = arith.constant 4096 : i32
            %mul3A_401 = arith.muli %add3A_399, %mul3A_400 : i32
            %add3A_402 = arith.addi %mul3A_151, %mul3A_401 : i32
            %min3A_403 = arith.constant 9629680 : i32
            %min3A_404 = arith.minsi %add3A_402, %min3A_403 : i32
            %dma_start3A_405 = arith.constant 0 : i32
            %dma_start3A_406 = tpu.memref_slice %arg9[%dma_start3A_405] : memref<4144xi32, #tpu.memory_space<vmem>> -> memref<4112xi32, #tpu.memory_space<vmem>>
            %dma_start3A_407 = tpu.memref_slice %arg2[%min3A_404] : memref<9633792xi32, #tpu.memory_space<hbm>> -> memref<4112xi32, #tpu.memory_space<hbm>>
            %dma_start3A_408 = arith.constant 0 : i32
            %dma_start3A_409 = tpu.memref_slice %arg9[%dma_start3A_408] : memref<4144xi32, #tpu.memory_space<vmem>> -> memref<4112xi32, #tpu.memory_space<vmem>>
            %dma_start3A_410 = tpu.memref_slice %arg2[%min3A_404] : memref<9633792xi32, #tpu.memory_space<hbm>> -> memref<4112xi32, #tpu.memory_space<hbm>>
            tpu.enqueue_dma source(%dma_start3A_410 : memref<4112xi32, #tpu.memory_space<hbm>>) target(%dma_start3A_409 : memref<4112xi32, #tpu.memory_space<vmem>>) target_semaphore(%arg14 : memref<!tpu.dma_semaphore, #tpu.memory_space<semaphore_mem>>)
            %dma_start3A_411 = arith.constant 0 : i32
            %dma_start3A_412 = tpu.memref_slice %arg11[%dma_start3A_411] : memref<4128xf32, #tpu.memory_space<vmem>> -> memref<4112xf32, #tpu.memory_space<vmem>>
            %dma_start3A_413 = tpu.memref_slice %arg3[%min3A_404] : memref<9633792xf32, #tpu.memory_space<hbm>> -> memref<4112xf32, #tpu.memory_space<hbm>>
            %dma_start3A_414 = arith.constant 0 : i32
            %dma_start3A_415 = tpu.memref_slice %arg11[%dma_start3A_414] : memref<4128xf32, #tpu.memory_space<vmem>> -> memref<4112xf32, #tpu.memory_space<vmem>>
            %dma_start3A_416 = tpu.memref_slice %arg3[%min3A_404] : memref<9633792xf32, #tpu.memory_space<hbm>> -> memref<4112xf32, #tpu.memory_space<hbm>>
            tpu.enqueue_dma source(%dma_start3A_416 : memref<4112xf32, #tpu.memory_space<hbm>>) target(%dma_start3A_415 : memref<4112xf32, #tpu.memory_space<vmem>>) target_semaphore(%arg16 : memref<!tpu.dma_semaphore, #tpu.memory_space<semaphore_mem>>)
          } else {
          }
          %mul3A_368 = arith.constant 2 : i32
          %mul3A_369 = arith.muli %mul3A_368, %while3A_343 : i32
          %mul3A_370 = arith.constant 4096 : i32
          %mul3A_371 = arith.muli %mul3A_369, %mul3A_370 : i32
          %add3A_372 = arith.addi %mul3A_151, %mul3A_371 : i32
          %min3A_373 = arith.constant 9629680 : i32
          %min3A_374 = arith.minsi %add3A_372, %min3A_373 : i32
          %sub3A_375 = arith.subi %add3A_372, %min3A_374 : i32
          %parallel_loop3A_376 = arith.constant 0 : i32
          %parallel_loop3A_377 = arith.constant 256 : i32
          %parallel_loop3A_378 = arith.constant 1 : i32
          scf.for %parallel_loop3A_396 = %parallel_loop3A_376 to %parallel_loop3A_377 step %parallel_loop3A_378  : i32 {
            %parallel_loop3A_397 = arith.constant 16 : i32
            %parallel_loop3A_398 = arith.muli %parallel_loop3A_396, %parallel_loop3A_397 : i32
            %parallel_loop3A_399 = arith.addi %parallel_loop3A_398, %sub3A_375 : i32
            %parallel_loop3A_400 = arith.constant 4112 : i32
            %parallel_loop3A_401 = arith.minsi %parallel_loop3A_399, %parallel_loop3A_400 : i32
            %parallel_loop3A_402 = arith.index_cast %parallel_loop3A_401 : i32 to index
            %parallel_loop3A_403 = tpu.vector_load %arg8[%parallel_loop3A_402] {strides = array<i32>} : memref<4144xi32, #tpu.memory_space<vmem>>, vector<16xi32>,
            %parallel_loop3A_404 = arith.constant 1 : i32
            %parallel_loop3A_405 = arith.addi %parallel_loop3A_401, %parallel_loop3A_404 : i32
            %parallel_loop3A_406 = arith.index_cast %parallel_loop3A_405 : i32 to index
            %parallel_loop3A_407 = tpu.vector_load %arg8[%parallel_loop3A_406] {strides = array<i32>} : memref<4144xi32, #tpu.memory_space<vmem>>, vector<16xi32>,
            %parallel_loop3A_408 = arith.index_cast %parallel_loop3A_401 : i32 to index
            %parallel_loop3A_409 = tpu.vector_load %arg10[%parallel_loop3A_408] {strides = array<i32>} : memref<4128xf32, #tpu.memory_space<vmem>>, vector<16xf32>,
            %parallel_loop3A_410 = vector.broadcast %add3A_116 : i32 to vector<16xi32>
            %parallel_loop3A_411 = arith.subi %parallel_loop3A_403, %parallel_loop3A_410 : vector<16xi32>
            %parallel_loop3A_412 = arith.constant 16 : i32
            %parallel_loop3A_413 = arith.muli %parallel_loop3A_396, %parallel_loop3A_412 : i32
            %parallel_loop3A_414 = arith.addi %add3A_372, %parallel_loop3A_413 : i32
            %parallel_loop3A_415 = vector.broadcast %parallel_loop3A_414 : i32 to vector<16xi32>
            %parallel_loop3A_416 = arith.addi %parallel_loop3A_415, %iota3A : vector<16xi32>
            %parallel_loop3A_417 = arith.cmpi ne, %parallel_loop3A_403, %parallel_loop3A_407 : vector<16xi32>
            %parallel_loop3A_418 = arith.constant 9633791 : i32
            %parallel_loop3A_419 = vector.broadcast %parallel_loop3A_418 : i32 to vector<16xi32>
            %parallel_loop3A_420 = arith.cmpi eq, %parallel_loop3A_416, %parallel_loop3A_419 : vector<16xi32>
            %parallel_loop3A_421 = arith.ori %parallel_loop3A_417, %parallel_loop3A_420 : vector<16xi1>
            %parallel_loop3A_422 = arith.constant 0 : i32
            %parallel_loop3A_423 = vector.broadcast %parallel_loop3A_422 : i32 to vector<16xi32>
            %parallel_loop3A_424 = arith.cmpi sge, %parallel_loop3A_411, %parallel_loop3A_423 : vector<16xi32>
            %parallel_loop3A_425 = arith.andi %parallel_loop3A_421, %parallel_loop3A_424 : vector<16xi1>
            %parallel_loop3A_426 = arith.constant 32768 : i32
            %parallel_loop3A_427 = vector.broadcast %parallel_loop3A_426 : i32 to vector<16xi32>
            %parallel_loop3A_428 = arith.cmpi slt, %parallel_loop3A_411, %parallel_loop3A_427 : vector<16xi32>
            %parallel_loop3A_429 = arith.andi %parallel_loop3A_425, %parallel_loop3A_428 : vector<16xi1>
            %parallel_loop3A_430 = vector.broadcast %squeeze3A_125 : i32 to vector<16xi32>
            %parallel_loop3A_431 = arith.cmpi slt, %parallel_loop3A_416, %parallel_loop3A_430 : vector<16xi32>
            %parallel_loop3A_432 = arith.andi %parallel_loop3A_429, %parallel_loop3A_431 : vector<16xi1>
            tpu.vector_store_idx %arg6[%parallel_loop3A_411], %parallel_loop3A_409 masked %parallel_loop3A_432 : memref<32768xf32, #tpu.memory_space<vmem>>[vector<16xi32>], vector<16xf32>, vector<16xi1>
          } {sc.loop_unroll_factor = 4 : i64, sc.parallel_access}
          %mul3A_379 = arith.constant 2 : i32
          %mul3A_380 = arith.muli %mul3A_379, %while3A_343 : i32
          %add3A_381 = arith.constant 2 : i32
          %add3A_382 = arith.addi %mul3A_380, %add3A_381 : i32
          %lt3A_383 = arith.cmpi slt, %add3A_382, %select_n3A_178 : i32
          %convert_element_type3A_384 = arith.extui %lt3A_383 : i1 to i32
          %cond3A_385 = arith.constant 0 : i32
          %cond3A_386 = arith.cmpi ne, %convert_element_type3A_384, %cond3A_385 : i32
          scf.if %cond3A_386 {
            %mul3A_396 = arith.constant 2 : i32
            %mul3A_397 = arith.muli %mul3A_396, %while3A_343 : i32
            %add3A_398 = arith.constant 2 : i32
            %add3A_399 = arith.addi %mul3A_397, %add3A_398 : i32
            %mul3A_400 = arith.constant 4096 : i32
            %mul3A_401 = arith.muli %add3A_399, %mul3A_400 : i32
            %add3A_402 = arith.addi %mul3A_151, %mul3A_401 : i32
            %min3A_403 = arith.constant 9629680 : i32
            %min3A_404 = arith.minsi %add3A_402, %min3A_403 : i32
            %dma_start3A_405 = arith.constant 0 : i32
            %dma_start3A_406 = tpu.memref_slice %arg8[%dma_start3A_405] : memref<4144xi32, #tpu.memory_space<vmem>> -> memref<4112xi32, #tpu.memory_space<vmem>>
            %dma_start3A_407 = tpu.memref_slice %arg2[%min3A_404] : memref<9633792xi32, #tpu.memory_space<hbm>> -> memref<4112xi32, #tpu.memory_space<hbm>>
            %dma_start3A_408 = arith.constant 0 : i32
            %dma_start3A_409 = tpu.memref_slice %arg8[%dma_start3A_408] : memref<4144xi32, #tpu.memory_space<vmem>> -> memref<4112xi32, #tpu.memory_space<vmem>>
            %dma_start3A_410 = tpu.memref_slice %arg2[%min3A_404] : memref<9633792xi32, #tpu.memory_space<hbm>> -> memref<4112xi32, #tpu.memory_space<hbm>>
            tpu.enqueue_dma source(%dma_start3A_410 : memref<4112xi32, #tpu.memory_space<hbm>>) target(%dma_start3A_409 : memref<4112xi32, #tpu.memory_space<vmem>>) target_semaphore(%arg13 : memref<!tpu.dma_semaphore, #tpu.memory_space<semaphore_mem>>)
            %dma_start3A_411 = arith.constant 0 : i32
            %dma_start3A_412 = tpu.memref_slice %arg10[%dma_start3A_411] : memref<4128xf32, #tpu.memory_space<vmem>> -> memref<4112xf32, #tpu.memory_space<vmem>>
            %dma_start3A_413 = tpu.memref_slice %arg3[%min3A_404] : memref<9633792xf32, #tpu.memory_space<hbm>> -> memref<4112xf32, #tpu.memory_space<hbm>>
            %dma_start3A_414 = arith.constant 0 : i32
            %dma_start3A_415 = tpu.memref_slice %arg10[%dma_start3A_414] : memref<4128xf32, #tpu.memory_space<vmem>> -> memref<4112xf32, #tpu.memory_space<vmem>>
            %dma_start3A_416 = tpu.memref_slice %arg3[%min3A_404] : memref<9633792xf32, #tpu.memory_space<hbm>> -> memref<4112xf32, #tpu.memory_space<hbm>>
            tpu.enqueue_dma source(%dma_start3A_416 : memref<4112xf32, #tpu.memory_space<hbm>>) target(%dma_start3A_415 : memref<4112xf32, #tpu.memory_space<vmem>>) target_semaphore(%arg15 : memref<!tpu.dma_semaphore, #tpu.memory_space<semaphore_mem>>)
          } else {
          }
          %mul3A_387 = arith.constant 2 : i32
          %mul3A_388 = arith.muli %mul3A_387, %while3A_343 : i32
          %add3A_389 = arith.constant 1 : i32
          %add3A_390 = arith.addi %mul3A_388, %add3A_389 : i32
          %lt3A_391 = arith.cmpi slt, %add3A_390, %select_n3A_178 : i32
          %convert_element_type3A_392 = arith.extui %lt3A_391 : i1 to i32
          %cond3A_393 = arith.constant 0 : i32
          %cond3A_394 = arith.cmpi ne, %convert_element_type3A_392, %cond3A_393 : i32
          scf.if %cond3A_394 {
            %dma_wait3A_396 = arith.constant 0 : i32
            %dma_wait3A_397 = tpu.memref_slice %arg9[%dma_wait3A_396] : memref<4144xi32, #tpu.memory_space<vmem>> -> memref<4112xi32, #tpu.memory_space<vmem>>
            %dma_wait3A_398 = arith.constant 0 : i32
            %dma_wait3A_399 = tpu.memref_slice %arg2[%dma_wait3A_398] : memref<9633792xi32, #tpu.memory_space<hbm>> -> memref<4112xi32, #tpu.memory_space<hbm>>
            %dma_wait3A_400 = arith.constant 0 : i32
            %dma_wait3A_401 = tpu.memref_slice %arg9[%dma_wait3A_400] : memref<4144xi32, #tpu.memory_space<vmem>> -> memref<4112xi32, #tpu.memory_space<vmem>>
            %dma_wait3A_402 = arith.constant 0 : i32
            %dma_wait3A_403 = tpu.memref_slice %arg2[%dma_wait3A_402] : memref<9633792xi32, #tpu.memory_space<hbm>> -> memref<4112xi32, #tpu.memory_space<hbm>>
            tpu.wait_dma2 semaphore(%arg14 : memref<!tpu.dma_semaphore, #tpu.memory_space<semaphore_mem>>) src(%dma_wait3A_403 : memref<4112xi32, #tpu.memory_space<hbm>>) dst(%dma_wait3A_401 : memref<4112xi32, #tpu.memory_space<vmem>>)
            %dma_wait3A_404 = arith.constant 0 : i32
            %dma_wait3A_405 = tpu.memref_slice %arg11[%dma_wait3A_404] : memref<4128xf32, #tpu.memory_space<vmem>> -> memref<4112xf32, #tpu.memory_space<vmem>>
            %dma_wait3A_406 = arith.constant 0 : i32
            %dma_wait3A_407 = tpu.memref_slice %arg3[%dma_wait3A_406] : memref<9633792xf32, #tpu.memory_space<hbm>> -> memref<4112xf32, #tpu.memory_space<hbm>>
            %dma_wait3A_408 = arith.constant 0 : i32
            %dma_wait3A_409 = tpu.memref_slice %arg11[%dma_wait3A_408] : memref<4128xf32, #tpu.memory_space<vmem>> -> memref<4112xf32, #tpu.memory_space<vmem>>
            %dma_wait3A_410 = arith.constant 0 : i32
            %dma_wait3A_411 = tpu.memref_slice %arg3[%dma_wait3A_410] : memref<9633792xf32, #tpu.memory_space<hbm>> -> memref<4112xf32, #tpu.memory_space<hbm>>
            tpu.wait_dma2 semaphore(%arg16 : memref<!tpu.dma_semaphore, #tpu.memory_space<semaphore_mem>>) src(%dma_wait3A_411 : memref<4112xf32, #tpu.memory_space<hbm>>) dst(%dma_wait3A_409 : memref<4112xf32, #tpu.memory_space<vmem>>)
            %mul3A_412 = arith.constant 2 : i32
            %mul3A_413 = arith.muli %mul3A_412, %while3A_343 : i32
            %add3A_414 = arith.constant 1 : i32
            %add3A_415 = arith.addi %mul3A_413, %add3A_414 : i32
            %mul3A_416 = arith.constant 4096 : i32
            %mul3A_417 = arith.muli %add3A_415, %mul3A_416 : i32
            %add3A_418 = arith.addi %mul3A_151, %mul3A_417 : i32
            %min3A_419 = arith.constant 9629680 : i32
            %min3A_420 = arith.minsi %add3A_418, %min3A_419 : i32
            %sub3A_421 = arith.subi %add3A_418, %min3A_420 : i32
            %parallel_loop3A_422 = arith.constant 0 : i32
            %parallel_loop3A_423 = arith.constant 256 : i32
            %parallel_loop3A_424 = arith.constant 1 : i32
            scf.for %parallel_loop3A_425 = %parallel_loop3A_422 to %parallel_loop3A_423 step %parallel_loop3A_424  : i32 {
              %parallel_loop3A_426 = arith.constant 16 : i32
              %parallel_loop3A_427 = arith.muli %parallel_loop3A_425, %parallel_loop3A_426 : i32
              %parallel_loop3A_428 = arith.addi %parallel_loop3A_427, %sub3A_421 : i32
              %parallel_loop3A_429 = arith.constant 4112 : i32
              %parallel_loop3A_430 = arith.minsi %parallel_loop3A_428, %parallel_loop3A_429 : i32
              %parallel_loop3A_431 = arith.index_cast %parallel_loop3A_430 : i32 to index
              %parallel_loop3A_432 = tpu.vector_load %arg9[%parallel_loop3A_431] {strides = array<i32>} : memref<4144xi32, #tpu.memory_space<vmem>>, vector<16xi32>,
              %parallel_loop3A_433 = arith.constant 1 : i32
              %parallel_loop3A_434 = arith.addi %parallel_loop3A_430, %parallel_loop3A_433 : i32
              %parallel_loop3A_435 = arith.index_cast %parallel_loop3A_434 : i32 to index
              %parallel_loop3A_436 = tpu.vector_load %arg9[%parallel_loop3A_435] {strides = array<i32>} : memref<4144xi32, #tpu.memory_space<vmem>>, vector<16xi32>,
              %parallel_loop3A_437 = arith.index_cast %parallel_loop3A_430 : i32 to index
              %parallel_loop3A_438 = tpu.vector_load %arg11[%parallel_loop3A_437] {strides = array<i32>} : memref<4128xf32, #tpu.memory_space<vmem>>, vector<16xf32>,
              %parallel_loop3A_439 = vector.broadcast %add3A_116 : i32 to vector<16xi32>
              %parallel_loop3A_440 = arith.subi %parallel_loop3A_432, %parallel_loop3A_439 : vector<16xi32>
              %parallel_loop3A_441 = arith.constant 16 : i32
              %parallel_loop3A_442 = arith.muli %parallel_loop3A_425, %parallel_loop3A_441 : i32
              %parallel_loop3A_443 = arith.addi %add3A_418, %parallel_loop3A_442 : i32
              %parallel_loop3A_444 = vector.broadcast %parallel_loop3A_443 : i32 to vector<16xi32>
              %parallel_loop3A_445 = arith.addi %parallel_loop3A_444, %iota3A : vector<16xi32>
              %parallel_loop3A_446 = arith.cmpi ne, %parallel_loop3A_432, %parallel_loop3A_436 : vector<16xi32>
              %parallel_loop3A_447 = arith.constant 9633791 : i32
              %parallel_loop3A_448 = vector.broadcast %parallel_loop3A_447 : i32 to vector<16xi32>
              %parallel_loop3A_449 = arith.cmpi eq, %parallel_loop3A_445, %parallel_loop3A_448 : vector<16xi32>
              %parallel_loop3A_450 = arith.ori %parallel_loop3A_446, %parallel_loop3A_449 : vector<16xi1>
              %parallel_loop3A_451 = arith.constant 0 : i32
              %parallel_loop3A_452 = vector.broadcast %parallel_loop3A_451 : i32 to vector<16xi32>
              %parallel_loop3A_453 = arith.cmpi sge, %parallel_loop3A_440, %parallel_loop3A_452 : vector<16xi32>
              %parallel_loop3A_454 = arith.andi %parallel_loop3A_450, %parallel_loop3A_453 : vector<16xi1>
              %parallel_loop3A_455 = arith.constant 32768 : i32
              %parallel_loop3A_456 = vector.broadcast %parallel_loop3A_455 : i32 to vector<16xi32>
              %parallel_loop3A_457 = arith.cmpi slt, %parallel_loop3A_440, %parallel_loop3A_456 : vector<16xi32>
              %parallel_loop3A_458 = arith.andi %parallel_loop3A_454, %parallel_loop3A_457 : vector<16xi1>
              %parallel_loop3A_459 = vector.broadcast %squeeze3A_125 : i32 to vector<16xi32>
              %parallel_loop3A_460 = arith.cmpi slt, %parallel_loop3A_445, %parallel_loop3A_459 : vector<16xi32>
              %parallel_loop3A_461 = arith.andi %parallel_loop3A_458, %parallel_loop3A_460 : vector<16xi1>
              tpu.vector_store_idx %arg6[%parallel_loop3A_440], %parallel_loop3A_438 masked %parallel_loop3A_461 : memref<32768xf32, #tpu.memory_space<vmem>>[vector<16xi32>], vector<16xf32>, vector<16xi1>
            } {sc.loop_unroll_factor = 4 : i64, sc.parallel_access}
          } else {
          }
          %while3A_395 = arith.constant 0 : i32
          scf.yield %while3A_395 : i32
        }
        %while3A_341 = arith.constant 1 : i32
        %while3A_342 = scf.for %while3A_343 = %while3A_338 to %while3A_334 step %while3A_341 iter_args(%while3A_344 = %while3A_340) -> (i32)  : i32 {
          %dma_wait3A_345 = arith.constant 0 : i32
          %dma_wait3A_346 = tpu.memref_slice %arg8[%dma_wait3A_345] : memref<4144xi32, #tpu.memory_space<vmem>> -> memref<4112xi32, #tpu.memory_space<vmem>>
          %dma_wait3A_347 = arith.constant 0 : i32
          %dma_wait3A_348 = tpu.memref_slice %arg2[%dma_wait3A_347] : memref<9633792xi32, #tpu.memory_space<hbm>> -> memref<4112xi32, #tpu.memory_space<hbm>>
          %dma_wait3A_349 = arith.constant 0 : i32
          %dma_wait3A_350 = tpu.memref_slice %arg8[%dma_wait3A_349] : memref<4144xi32, #tpu.memory_space<vmem>> -> memref<4112xi32, #tpu.memory_space<vmem>>
          %dma_wait3A_351 = arith.constant 0 : i32
          %dma_wait3A_352 = tpu.memref_slice %arg2[%dma_wait3A_351] : memref<9633792xi32, #tpu.memory_space<hbm>> -> memref<4112xi32, #tpu.memory_space<hbm>>
          tpu.wait_dma2 semaphore(%arg13 : memref<!tpu.dma_semaphore, #tpu.memory_space<semaphore_mem>>) src(%dma_wait3A_352 : memref<4112xi32, #tpu.memory_space<hbm>>) dst(%dma_wait3A_350 : memref<4112xi32, #tpu.memory_space<vmem>>)
          %dma_wait3A_353 = arith.constant 0 : i32
          %dma_wait3A_354 = tpu.memref_slice %arg10[%dma_wait3A_353] : memref<4128xf32, #tpu.memory_space<vmem>> -> memref<4112xf32, #tpu.memory_space<vmem>>
          %dma_wait3A_355 = arith.constant 0 : i32
          %dma_wait3A_356 = tpu.memref_slice %arg3[%dma_wait3A_355] : memref<9633792xf32, #tpu.memory_space<hbm>> -> memref<4112xf32, #tpu.memory_space<hbm>>
          %dma_wait3A_357 = arith.constant 0 : i32
          %dma_wait3A_358 = tpu.memref_slice %arg10[%dma_wait3A_357] : memref<4128xf32, #tpu.memory_space<vmem>> -> memref<4112xf32, #tpu.memory_space<vmem>>
          %dma_wait3A_359 = arith.constant 0 : i32
          %dma_wait3A_360 = tpu.memref_slice %arg3[%dma_wait3A_359] : memref<9633792xf32, #tpu.memory_space<hbm>> -> memref<4112xf32, #tpu.memory_space<hbm>>
          tpu.wait_dma2 semaphore(%arg15 : memref<!tpu.dma_semaphore, #tpu.memory_space<semaphore_mem>>) src(%dma_wait3A_360 : memref<4112xf32, #tpu.memory_space<hbm>>) dst(%dma_wait3A_358 : memref<4112xf32, #tpu.memory_space<vmem>>)
          %mul3A_361 = arith.constant 2 : i32
          %mul3A_362 = arith.muli %mul3A_361, %while3A_343 : i32
          %add3A_363 = arith.constant 1 : i32
          %add3A_364 = arith.addi %mul3A_362, %add3A_363 : i32
          %lt3A = arith.cmpi slt, %add3A_364, %select_n3A_178 : i32
          %convert_element_type3A_365 = arith.extui %lt3A : i1 to i32
          %cond3A_366 = arith.constant 0 : i32
          %cond3A_367 = arith.cmpi ne, %convert_element_type3A_365, %cond3A_366 : i32
          scf.if %cond3A_367 {
            %mul3A_396 = arith.constant 2 : i32
            %mul3A_397 = arith.muli %mul3A_396, %while3A_343 : i32
            %add3A_398 = arith.constant 1 : i32
            %add3A_399 = arith.addi %mul3A_397, %add3A_398 : i32
            %mul3A_400 = arith.constant 4096 : i32
            %mul3A_401 = arith.muli %add3A_399, %mul3A_400 : i32
            %add3A_402 = arith.addi %mul3A_151, %mul3A_401 : i32
            %min3A_403 = arith.constant 9629680 : i32
            %min3A_404 = arith.minsi %add3A_402, %min3A_403 : i32
            %dma_start3A_405 = arith.constant 0 : i32
            %dma_start3A_406 = tpu.memref_slice %arg9[%dma_start3A_405] : memref<4144xi32, #tpu.memory_space<vmem>> -> memref<4112xi32, #tpu.memory_space<vmem>>
            %dma_start3A_407 = tpu.memref_slice %arg2[%min3A_404] : memref<9633792xi32, #tpu.memory_space<hbm>> -> memref<4112xi32, #tpu.memory_space<hbm>>
            %dma_start3A_408 = arith.constant 0 : i32
            %dma_start3A_409 = tpu.memref_slice %arg9[%dma_start3A_408] : memref<4144xi32, #tpu.memory_space<vmem>> -> memref<4112xi32, #tpu.memory_space<vmem>>
            %dma_start3A_410 = tpu.memref_slice %arg2[%min3A_404] : memref<9633792xi32, #tpu.memory_space<hbm>> -> memref<4112xi32, #tpu.memory_space<hbm>>
            tpu.enqueue_dma source(%dma_start3A_410 : memref<4112xi32, #tpu.memory_space<hbm>>) target(%dma_start3A_409 : memref<4112xi32, #tpu.memory_space<vmem>>) target_semaphore(%arg14 : memref<!tpu.dma_semaphore, #tpu.memory_space<semaphore_mem>>)
            %dma_start3A_411 = arith.constant 0 : i32
            %dma_start3A_412 = tpu.memref_slice %arg11[%dma_start3A_411] : memref<4128xf32, #tpu.memory_space<vmem>> -> memref<4112xf32, #tpu.memory_space<vmem>>
            %dma_start3A_413 = tpu.memref_slice %arg3[%min3A_404] : memref<9633792xf32, #tpu.memory_space<hbm>> -> memref<4112xf32, #tpu.memory_space<hbm>>
            %dma_start3A_414 = arith.constant 0 : i32
            %dma_start3A_415 = tpu.memref_slice %arg11[%dma_start3A_414] : memref<4128xf32, #tpu.memory_space<vmem>> -> memref<4112xf32, #tpu.memory_space<vmem>>
            %dma_start3A_416 = tpu.memref_slice %arg3[%min3A_404] : memref<9633792xf32, #tpu.memory_space<hbm>> -> memref<4112xf32, #tpu.memory_space<hbm>>
            tpu.enqueue_dma source(%dma_start3A_416 : memref<4112xf32, #tpu.memory_space<hbm>>) target(%dma_start3A_415 : memref<4112xf32, #tpu.memory_space<vmem>>) target_semaphore(%arg16 : memref<!tpu.dma_semaphore, #tpu.memory_space<semaphore_mem>>)
          } else {
          }
          %mul3A_368 = arith.constant 2 : i32
          %mul3A_369 = arith.muli %mul3A_368, %while3A_343 : i32
          %mul3A_370 = arith.constant 4096 : i32
          %mul3A_371 = arith.muli %mul3A_369, %mul3A_370 : i32
          %add3A_372 = arith.addi %mul3A_151, %mul3A_371 : i32
          %min3A_373 = arith.constant 9629680 : i32
          %min3A_374 = arith.minsi %add3A_372, %min3A_373 : i32
          %sub3A_375 = arith.subi %add3A_372, %min3A_374 : i32
          %parallel_loop3A_376 = arith.constant 0 : i32
          %parallel_loop3A_377 = arith.constant 256 : i32
          %parallel_loop3A_378 = arith.constant 1 : i32
          scf.for %parallel_loop3A_396 = %parallel_loop3A_376 to %parallel_loop3A_377 step %parallel_loop3A_378  : i32 {
            %parallel_loop3A_397 = arith.constant 16 : i32
            %parallel_loop3A_398 = arith.muli %parallel_loop3A_396, %parallel_loop3A_397 : i32
            %parallel_loop3A_399 = arith.addi %parallel_loop3A_398, %sub3A_375 : i32
            %parallel_loop3A_400 = arith.constant 4112 : i32
            %parallel_loop3A_401 = arith.minsi %parallel_loop3A_399, %parallel_loop3A_400 : i32
            %parallel_loop3A_402 = arith.index_cast %parallel_loop3A_401 : i32 to index
            %parallel_loop3A_403 = tpu.vector_load %arg8[%parallel_loop3A_402] {strides = array<i32>} : memref<4144xi32, #tpu.memory_space<vmem>>, vector<16xi32>,
            %parallel_loop3A_404 = arith.constant 1 : i32
            %parallel_loop3A_405 = arith.addi %parallel_loop3A_401, %parallel_loop3A_404 : i32
            %parallel_loop3A_406 = arith.index_cast %parallel_loop3A_405 : i32 to index
            %parallel_loop3A_407 = tpu.vector_load %arg8[%parallel_loop3A_406] {strides = array<i32>} : memref<4144xi32, #tpu.memory_space<vmem>>, vector<16xi32>,
            %parallel_loop3A_408 = arith.index_cast %parallel_loop3A_401 : i32 to index
            %parallel_loop3A_409 = tpu.vector_load %arg10[%parallel_loop3A_408] {strides = array<i32>} : memref<4128xf32, #tpu.memory_space<vmem>>, vector<16xf32>,
            %parallel_loop3A_410 = vector.broadcast %add3A_116 : i32 to vector<16xi32>
            %parallel_loop3A_411 = arith.subi %parallel_loop3A_403, %parallel_loop3A_410 : vector<16xi32>
            %parallel_loop3A_412 = arith.constant 16 : i32
            %parallel_loop3A_413 = arith.muli %parallel_loop3A_396, %parallel_loop3A_412 : i32
            %parallel_loop3A_414 = arith.addi %add3A_372, %parallel_loop3A_413 : i32
            %parallel_loop3A_415 = vector.broadcast %parallel_loop3A_414 : i32 to vector<16xi32>
            %parallel_loop3A_416 = arith.addi %parallel_loop3A_415, %iota3A : vector<16xi32>
            %parallel_loop3A_417 = arith.cmpi ne, %parallel_loop3A_403, %parallel_loop3A_407 : vector<16xi32>
            %parallel_loop3A_418 = arith.constant 9633791 : i32
            %parallel_loop3A_419 = vector.broadcast %parallel_loop3A_418 : i32 to vector<16xi32>
            %parallel_loop3A_420 = arith.cmpi eq, %parallel_loop3A_416, %parallel_loop3A_419 : vector<16xi32>
            %parallel_loop3A_421 = arith.ori %parallel_loop3A_417, %parallel_loop3A_420 : vector<16xi1>
            %parallel_loop3A_422 = arith.constant 0 : i32
            %parallel_loop3A_423 = vector.broadcast %parallel_loop3A_422 : i32 to vector<16xi32>
            %parallel_loop3A_424 = arith.cmpi sge, %parallel_loop3A_411, %parallel_loop3A_423 : vector<16xi32>
            %parallel_loop3A_425 = arith.andi %parallel_loop3A_421, %parallel_loop3A_424 : vector<16xi1>
            %parallel_loop3A_426 = arith.constant 32768 : i32
            %parallel_loop3A_427 = vector.broadcast %parallel_loop3A_426 : i32 to vector<16xi32>
            %parallel_loop3A_428 = arith.cmpi slt, %parallel_loop3A_411, %parallel_loop3A_427 : vector<16xi32>
            %parallel_loop3A_429 = arith.andi %parallel_loop3A_425, %parallel_loop3A_428 : vector<16xi1>
            %parallel_loop3A_430 = vector.broadcast %squeeze3A_125 : i32 to vector<16xi32>
            %parallel_loop3A_431 = arith.cmpi slt, %parallel_loop3A_416, %parallel_loop3A_430 : vector<16xi32>
            %parallel_loop3A_432 = arith.andi %parallel_loop3A_429, %parallel_loop3A_431 : vector<16xi1>
            tpu.vector_store_idx %arg6[%parallel_loop3A_411], %parallel_loop3A_409 masked %parallel_loop3A_432 : memref<32768xf32, #tpu.memory_space<vmem>>[vector<16xi32>], vector<16xf32>, vector<16xi1>
          } {sc.loop_unroll_factor = 4 : i64, sc.parallel_access}
          %mul3A_379 = arith.constant 2 : i32
          %mul3A_380 = arith.muli %mul3A_379, %while3A_343 : i32
          %add3A_381 = arith.constant 2 : i32
          %add3A_382 = arith.addi %mul3A_380, %add3A_381 : i32
          %lt3A_383 = arith.cmpi slt, %add3A_382, %select_n3A_178 : i32
          %convert_element_type3A_384 = arith.extui %lt3A_383 : i1 to i32
          %cond3A_385 = arith.constant 0 : i32
          %cond3A_386 = arith.cmpi ne, %convert_element_type3A_384, %cond3A_385 : i32
          scf.if %cond3A_386 {
            %mul3A_396 = arith.constant 2 : i32
            %mul3A_397 = arith.muli %mul3A_396, %while3A_343 : i32
            %add3A_398 = arith.constant 2 : i32
            %add3A_399 = arith.addi %mul3A_397, %add3A_398 : i32
            %mul3A_400 = arith.constant 4096 : i32
            %mul3A_401 = arith.muli %add3A_399, %mul3A_400 : i32
            %add3A_402 = arith.addi %mul3A_151, %mul3A_401 : i32
            %min3A_403 = arith.constant 9629680 : i32
            %min3A_404 = arith.minsi %add3A_402, %min3A_403 : i32
            %dma_start3A_405 = arith.constant 0 : i32
            %dma_start3A_406 = tpu.memref_slice %arg8[%dma_start3A_405] : memref<4144xi32, #tpu.memory_space<vmem>> -> memref<4112xi32, #tpu.memory_space<vmem>>
            %dma_start3A_407 = tpu.memref_slice %arg2[%min3A_404] : memref<9633792xi32, #tpu.memory_space<hbm>> -> memref<4112xi32, #tpu.memory_space<hbm>>
            %dma_start3A_408 = arith.constant 0 : i32
            %dma_start3A_409 = tpu.memref_slice %arg8[%dma_start3A_408] : memref<4144xi32, #tpu.memory_space<vmem>> -> memref<4112xi32, #tpu.memory_space<vmem>>
            %dma_start3A_410 = tpu.memref_slice %arg2[%min3A_404] : memref<9633792xi32, #tpu.memory_space<hbm>> -> memref<4112xi32, #tpu.memory_space<hbm>>
            tpu.enqueue_dma source(%dma_start3A_410 : memref<4112xi32, #tpu.memory_space<hbm>>) target(%dma_start3A_409 : memref<4112xi32, #tpu.memory_space<vmem>>) target_semaphore(%arg13 : memref<!tpu.dma_semaphore, #tpu.memory_space<semaphore_mem>>)
            %dma_start3A_411 = arith.constant 0 : i32
            %dma_start3A_412 = tpu.memref_slice %arg10[%dma_start3A_411] : memref<4128xf32, #tpu.memory_space<vmem>> -> memref<4112xf32, #tpu.memory_space<vmem>>
            %dma_start3A_413 = tpu.memref_slice %arg3[%min3A_404] : memref<9633792xf32, #tpu.memory_space<hbm>> -> memref<4112xf32, #tpu.memory_space<hbm>>
            %dma_start3A_414 = arith.constant 0 : i32
            %dma_start3A_415 = tpu.memref_slice %arg10[%dma_start3A_414] : memref<4128xf32, #tpu.memory_space<vmem>> -> memref<4112xf32, #tpu.memory_space<vmem>>
            %dma_start3A_416 = tpu.memref_slice %arg3[%min3A_404] : memref<9633792xf32, #tpu.memory_space<hbm>> -> memref<4112xf32, #tpu.memory_space<hbm>>
            tpu.enqueue_dma source(%dma_start3A_416 : memref<4112xf32, #tpu.memory_space<hbm>>) target(%dma_start3A_415 : memref<4112xf32, #tpu.memory_space<vmem>>) target_semaphore(%arg15 : memref<!tpu.dma_semaphore, #tpu.memory_space<semaphore_mem>>)
          } else {
          }
          %mul3A_387 = arith.constant 2 : i32
          %mul3A_388 = arith.muli %mul3A_387, %while3A_343 : i32
          %add3A_389 = arith.constant 1 : i32
          %add3A_390 = arith.addi %mul3A_388, %add3A_389 : i32
          %lt3A_391 = arith.cmpi slt, %add3A_390, %select_n3A_178 : i32
          %convert_element_type3A_392 = arith.extui %lt3A_391 : i1 to i32
          %cond3A_393 = arith.constant 0 : i32
          %cond3A_394 = arith.cmpi ne, %convert_element_type3A_392, %cond3A_393 : i32
          scf.if %cond3A_394 {
            %dma_wait3A_396 = arith.constant 0 : i32
            %dma_wait3A_397 = tpu.memref_slice %arg9[%dma_wait3A_396] : memref<4144xi32, #tpu.memory_space<vmem>> -> memref<4112xi32, #tpu.memory_space<vmem>>
            %dma_wait3A_398 = arith.constant 0 : i32
            %dma_wait3A_399 = tpu.memref_slice %arg2[%dma_wait3A_398] : memref<9633792xi32, #tpu.memory_space<hbm>> -> memref<4112xi32, #tpu.memory_space<hbm>>
            %dma_wait3A_400 = arith.constant 0 : i32
            %dma_wait3A_401 = tpu.memref_slice %arg9[%dma_wait3A_400] : memref<4144xi32, #tpu.memory_space<vmem>> -> memref<4112xi32, #tpu.memory_space<vmem>>
            %dma_wait3A_402 = arith.constant 0 : i32
            %dma_wait3A_403 = tpu.memref_slice %arg2[%dma_wait3A_402] : memref<9633792xi32, #tpu.memory_space<hbm>> -> memref<4112xi32, #tpu.memory_space<hbm>>
            tpu.wait_dma2 semaphore(%arg14 : memref<!tpu.dma_semaphore, #tpu.memory_space<semaphore_mem>>) src(%dma_wait3A_403 : memref<4112xi32, #tpu.memory_space<hbm>>) dst(%dma_wait3A_401 : memref<4112xi32, #tpu.memory_space<vmem>>)
            %dma_wait3A_404 = arith.constant 0 : i32
            %dma_wait3A_405 = tpu.memref_slice %arg11[%dma_wait3A_404] : memref<4128xf32, #tpu.memory_space<vmem>> -> memref<4112xf32, #tpu.memory_space<vmem>>
            %dma_wait3A_406 = arith.constant 0 : i32
            %dma_wait3A_407 = tpu.memref_slice %arg3[%dma_wait3A_406] : memref<9633792xf32, #tpu.memory_space<hbm>> -> memref<4112xf32, #tpu.memory_space<hbm>>
            %dma_wait3A_408 = arith.constant 0 : i32
            %dma_wait3A_409 = tpu.memref_slice %arg11[%dma_wait3A_408] : memref<4128xf32, #tpu.memory_space<vmem>> -> memref<4112xf32, #tpu.memory_space<vmem>>
            %dma_wait3A_410 = arith.constant 0 : i32
            %dma_wait3A_411 = tpu.memref_slice %arg3[%dma_wait3A_410] : memref<9633792xf32, #tpu.memory_space<hbm>> -> memref<4112xf32, #tpu.memory_space<hbm>>
            tpu.wait_dma2 semaphore(%arg16 : memref<!tpu.dma_semaphore, #tpu.memory_space<semaphore_mem>>) src(%dma_wait3A_411 : memref<4112xf32, #tpu.memory_space<hbm>>) dst(%dma_wait3A_409 : memref<4112xf32, #tpu.memory_space<vmem>>)
            %mul3A_412 = arith.constant 2 : i32
            %mul3A_413 = arith.muli %mul3A_412, %while3A_343 : i32
            %add3A_414 = arith.constant 1 : i32
            %add3A_415 = arith.addi %mul3A_413, %add3A_414 : i32
            %mul3A_416 = arith.constant 4096 : i32
            %mul3A_417 = arith.muli %add3A_415, %mul3A_416 : i32
            %add3A_418 = arith.addi %mul3A_151, %mul3A_417 : i32
            %min3A_419 = arith.constant 9629680 : i32
            %min3A_420 = arith.minsi %add3A_418, %min3A_419 : i32
            %sub3A_421 = arith.subi %add3A_418, %min3A_420 : i32
            %parallel_loop3A_422 = arith.constant 0 : i32
            %parallel_loop3A_423 = arith.constant 256 : i32
            %parallel_loop3A_424 = arith.constant 1 : i32
            scf.for %parallel_loop3A_425 = %parallel_loop3A_422 to %parallel_loop3A_423 step %parallel_loop3A_424  : i32 {
              %parallel_loop3A_426 = arith.constant 16 : i32
              %parallel_loop3A_427 = arith.muli %parallel_loop3A_425, %parallel_loop3A_426 : i32
              %parallel_loop3A_428 = arith.addi %parallel_loop3A_427, %sub3A_421 : i32
              %parallel_loop3A_429 = arith.constant 4112 : i32
              %parallel_loop3A_430 = arith.minsi %parallel_loop3A_428, %parallel_loop3A_429 : i32
              %parallel_loop3A_431 = arith.index_cast %parallel_loop3A_430 : i32 to index
              %parallel_loop3A_432 = tpu.vector_load %arg9[%parallel_loop3A_431] {strides = array<i32>} : memref<4144xi32, #tpu.memory_space<vmem>>, vector<16xi32>,
              %parallel_loop3A_433 = arith.constant 1 : i32
              %parallel_loop3A_434 = arith.addi %parallel_loop3A_430, %parallel_loop3A_433 : i32
              %parallel_loop3A_435 = arith.index_cast %parallel_loop3A_434 : i32 to index
              %parallel_loop3A_436 = tpu.vector_load %arg9[%parallel_loop3A_435] {strides = array<i32>} : memref<4144xi32, #tpu.memory_space<vmem>>, vector<16xi32>,
              %parallel_loop3A_437 = arith.index_cast %parallel_loop3A_430 : i32 to index
              %parallel_loop3A_438 = tpu.vector_load %arg11[%parallel_loop3A_437] {strides = array<i32>} : memref<4128xf32, #tpu.memory_space<vmem>>, vector<16xf32>,
              %parallel_loop3A_439 = vector.broadcast %add3A_116 : i32 to vector<16xi32>
              %parallel_loop3A_440 = arith.subi %parallel_loop3A_432, %parallel_loop3A_439 : vector<16xi32>
              %parallel_loop3A_441 = arith.constant 16 : i32
              %parallel_loop3A_442 = arith.muli %parallel_loop3A_425, %parallel_loop3A_441 : i32
              %parallel_loop3A_443 = arith.addi %add3A_418, %parallel_loop3A_442 : i32
              %parallel_loop3A_444 = vector.broadcast %parallel_loop3A_443 : i32 to vector<16xi32>
              %parallel_loop3A_445 = arith.addi %parallel_loop3A_444, %iota3A : vector<16xi32>
              %parallel_loop3A_446 = arith.cmpi ne, %parallel_loop3A_432, %parallel_loop3A_436 : vector<16xi32>
              %parallel_loop3A_447 = arith.constant 9633791 : i32
              %parallel_loop3A_448 = vector.broadcast %parallel_loop3A_447 : i32 to vector<16xi32>
              %parallel_loop3A_449 = arith.cmpi eq, %parallel_loop3A_445, %parallel_loop3A_448 : vector<16xi32>
              %parallel_loop3A_450 = arith.ori %parallel_loop3A_446, %parallel_loop3A_449 : vector<16xi1>
              %parallel_loop3A_451 = arith.constant 0 : i32
              %parallel_loop3A_452 = vector.broadcast %parallel_loop3A_451 : i32 to vector<16xi32>
              %parallel_loop3A_453 = arith.cmpi sge, %parallel_loop3A_440, %parallel_loop3A_452 : vector<16xi32>
              %parallel_loop3A_454 = arith.andi %parallel_loop3A_450, %parallel_loop3A_453 : vector<16xi1>
              %parallel_loop3A_455 = arith.constant 32768 : i32
              %parallel_loop3A_456 = vector.broadcast %parallel_loop3A_455 : i32 to vector<16xi32>
              %parallel_loop3A_457 = arith.cmpi slt, %parallel_loop3A_440, %parallel_loop3A_456 : vector<16xi32>
              %parallel_loop3A_458 = arith.andi %parallel_loop3A_454, %parallel_loop3A_457 : vector<16xi1>
              %parallel_loop3A_459 = vector.broadcast %squeeze3A_125 : i32 to vector<16xi32>
              %parallel_loop3A_460 = arith.cmpi slt, %parallel_loop3A_445, %parallel_loop3A_459 : vector<16xi32>
              %parallel_loop3A_461 = arith.andi %parallel_loop3A_458, %parallel_loop3A_460 : vector<16xi1>
              tpu.vector_store_idx %arg6[%parallel_loop3A_440], %parallel_loop3A_438 masked %parallel_loop3A_461 : memref<32768xf32, #tpu.memory_space<vmem>>[vector<16xi32>], vector<16xf32>, vector<16xi1>
            } {sc.loop_unroll_factor = 4 : i64, sc.parallel_access}
          } else {
          }
          %while3A_395 = arith.constant 0 : i32
          scf.yield %while3A_395 : i32
        }
      } else {
      }
      %mul3A_184 = arith.constant 1204224 : i32
      %mul3A_185 = arith.muli %add3A, %mul3A_184 : i32
      %mul3A_186 = arith.constant 32768 : i32
      %mul3A_187 = arith.muli %mul3A_103, %mul3A_186 : i32
      %add3A_188 = arith.addi %mul3A_185, %mul3A_187 : i32
      %dma_start3A_189 = arith.constant 0 : i32
      %dma_start3A_190 = tpu.memref_slice %arg6[%dma_start3A_189] : memref<32768xf32, #tpu.memory_space<vmem>> -> memref<32768xf32, #tpu.memory_space<vmem>>
      %dma_start3A_191 = tpu.memref_slice %arg5[%add3A_188] : memref<38535168xf32, #tpu.memory_space<hbm>> -> memref<32768xf32, #tpu.memory_space<hbm>>
      %dma_start3A_192 = tpu.memref_slice %arg5[%add3A_188] : memref<38535168xf32, #tpu.memory_space<hbm>> -> memref<32768xf32, #tpu.memory_space<hbm>>
      %dma_start3A_193 = arith.constant 0 : i32
      %dma_start3A_194 = tpu.memref_slice %arg6[%dma_start3A_193] : memref<32768xf32, #tpu.memory_space<vmem>> -> memref<32768xf32, #tpu.memory_space<vmem>>
      tpu.enqueue_dma source(%dma_start3A_194 : memref<32768xf32, #tpu.memory_space<vmem>>) target(%dma_start3A_192 : memref<32768xf32, #tpu.memory_space<hbm>>) target_semaphore(%arg17 : memref<!tpu.dma_semaphore, #tpu.memory_space<semaphore_mem>>)
      %gt3A_195 = arith.constant 0 : i32
      %gt3A_196 = arith.cmpi sgt, %scan3A_100, %gt3A_195 : i32
      %convert_element_type3A_197 = arith.extui %gt3A_196 : i1 to i32
      %cond3A_198 = arith.constant 0 : i32
      %cond3A_199 = arith.cmpi ne, %convert_element_type3A_197, %cond3A_198 : i32
      scf.if %cond3A_199 {
        %dma_wait3A_293 = arith.constant 0 : i32
        %dma_wait3A_294 = tpu.memref_slice %arg7[%dma_wait3A_293] : memref<32768xf32, #tpu.memory_space<vmem>> -> memref<32768xf32, #tpu.memory_space<vmem>>
        %dma_wait3A_295 = arith.constant 0 : i32
        %dma_wait3A_296 = tpu.memref_slice %arg5[%dma_wait3A_295] : memref<38535168xf32, #tpu.memory_space<hbm>> -> memref<32768xf32, #tpu.memory_space<hbm>>
        %dma_wait3A_297 = arith.constant 0 : i32
        %dma_wait3A_298 = tpu.memref_slice %arg5[%dma_wait3A_297] : memref<38535168xf32, #tpu.memory_space<hbm>> -> memref<32768xf32, #tpu.memory_space<hbm>>
        %dma_wait3A_299 = arith.constant 0 : i32
        %dma_wait3A_300 = tpu.memref_slice %arg7[%dma_wait3A_299] : memref<32768xf32, #tpu.memory_space<vmem>> -> memref<32768xf32, #tpu.memory_space<vmem>>
        tpu.wait_dma2 semaphore(%arg18 : memref<!tpu.dma_semaphore, #tpu.memory_space<semaphore_mem>>) src(%dma_wait3A_300 : memref<32768xf32, #tpu.memory_space<vmem>>) dst(%dma_wait3A_298 : memref<32768xf32, #tpu.memory_space<hbm>>)
      } else {
      }
      %mul3A_200 = arith.constant 37 : i32
      %mul3A_201 = arith.muli %add3A, %mul3A_200 : i32
      %add3A_202 = arith.addi %mul3A_201, %mul3A_103 : i32
      %add3A_203 = arith.constant 1 : i32
      %add3A_204 = arith.addi %add3A_202, %add3A_203 : i32
      %mul3A_205 = arith.constant 1204224 : i32
      %mul3A_206 = arith.muli %add3A, %mul3A_205 : i32
      %add3A_207 = arith.constant 1 : i32
      %add3A_208 = arith.addi %mul3A_103, %add3A_207 : i32
      %mul3A_209 = arith.constant 32768 : i32
      %mul3A_210 = arith.muli %add3A_208, %mul3A_209 : i32
      %add3A_211 = arith.addi %mul3A_206, %mul3A_210 : i32
      %parallel_loop3A_212 = arith.constant 0 : i32
      %parallel_loop3A_213 = arith.constant 2048 : i32
      %parallel_loop3A_214 = arith.constant 1 : i32
      scf.for %parallel_loop3A_293 = %parallel_loop3A_212 to %parallel_loop3A_213 step %parallel_loop3A_214  : i32 {
        %parallel_loop3A_294 = arith.constant 16 : i32
        %parallel_loop3A_295 = arith.muli %parallel_loop3A_293, %parallel_loop3A_294 : i32
        %parallel_loop3A_296 = arith.index_cast %parallel_loop3A_295 : i32 to index
        %parallel_loop3A_297 = tpu.vector_load %arg7[%parallel_loop3A_296] {strides = array<i32>} : memref<32768xf32, #tpu.memory_space<vmem>>, vector<16xf32>,
        tpu.vector_store %arg7[%parallel_loop3A_296], %broadcast_in_dim3A_1 {strides = array<i32>} : memref<32768xf32, #tpu.memory_space<vmem>>, vector<16xf32>,
      } {sc.loop_unroll_factor = 8 : i64, sc.parallel_access}
      %get3A_215 = arith.index_cast %add3A_204 : i32 to index
      %get3A_216 = tpu.vector_load %arg12[%get3A_215] {strides = array<i32>} : memref<1200xi32, #tpu.memory_space<vmem>>, vector<16xi32>,
      %slice3A_217 = vector.extract_strided_slice %get3A_216 {offsets = [0], sizes = [1], strides = [1]} : vector<16xi32> to vector<1xi32>
      %squeeze3A_218 = vector.extract %slice3A_217[0] : i32 from vector<1xi32>
      %slice3A_219 = vector.extract_strided_slice %get3A_216 {offsets = [1], sizes = [1], strides = [1]} : vector<16xi32> to vector<1xi32>
      %squeeze3A_220 = vector.extract %slice3A_219[0] : i32 from vector<1xi32>
      %jit3A_221 = arith.constant 16 : i32
      %div3A_222 = arith.divsi %squeeze3A_218, %jit3A_221 : i32
      %sign3A_223 = arith.constant 0 : i32
      %sign3A_224 = arith.cmpi sgt, %squeeze3A_218, %sign3A_223 : i32
      %sign3A_225 = arith.extui %sign3A_224 : i1 to i32
      %sign3A_226 = arith.constant 0 : i32
      %sign3A_227 = arith.cmpi slt, %squeeze3A_218, %sign3A_226 : i32
      %sign3A_228 = arith.extui %sign3A_227 : i1 to i32
      %sign3A_229 = arith.subi %sign3A_225, %sign3A_228 : i32
      %sign3A_230 = arith.constant 0 : i32
      %sign3A_231 = arith.cmpi sgt, %jit3A_221, %sign3A_230 : i32
      %sign3A_232 = arith.extui %sign3A_231 : i1 to i32
      %sign3A_233 = arith.constant 0 : i32
      %sign3A_234 = arith.cmpi slt, %jit3A_221, %sign3A_233 : i32
      %sign3A_235 = arith.extui %sign3A_234 : i1 to i32
      %sign3A_236 = arith.subi %sign3A_232, %sign3A_235 : i32
      %ne3A_237 = arith.cmpi ne, %sign3A_229, %sign3A_236 : i32
      %rem3A_238 = arith.remsi %squeeze3A_218, %jit3A_221 : i32
      %ne3A_239 = arith.constant 0 : i32
      %ne3A_240 = arith.cmpi ne, %rem3A_238, %ne3A_239 : i32
      %and3A_241 = arith.andi %ne3A_237, %ne3A_240 : i1
      %sub3A_242 = arith.constant 1 : i32
      %sub3A_243 = arith.subi %div3A_222, %sub3A_242 : i32
      %select_n3A_244 = arith.select %and3A_241, %sub3A_243, %div3A_222 : i32
      %mul3A_245 = arith.constant 16 : i32
      %mul3A_246 = arith.muli %select_n3A_244, %mul3A_245 : i32
      %sub3A_247 = arith.subi %squeeze3A_220, %mul3A_246 : i32
      %add3A_248 = arith.constant 4095 : i32
      %add3A_249 = arith.addi %sub3A_247, %add3A_248 : i32
      %jit3A_250 = arith.constant 4096 : i32
      %div3A_251 = arith.divsi %add3A_249, %jit3A_250 : i32
      %sign3A_252 = arith.constant 0 : i32
      %sign3A_253 = arith.cmpi sgt, %add3A_249, %sign3A_252 : i32
      %sign3A_254 = arith.extui %sign3A_253 : i1 to i32
      %sign3A_255 = arith.constant 0 : i32
      %sign3A_256 = arith.cmpi slt, %add3A_249, %sign3A_255 : i32
      %sign3A_257 = arith.extui %sign3A_256 : i1 to i32
      %sign3A_258 = arith.subi %sign3A_254, %sign3A_257 : i32
      %sign3A_259 = arith.constant 0 : i32
      %sign3A_260 = arith.cmpi sgt, %jit3A_250, %sign3A_259 : i32
      %sign3A_261 = arith.extui %sign3A_260 : i1 to i32
      %sign3A_262 = arith.constant 0 : i32
      %sign3A_263 = arith.cmpi slt, %jit3A_250, %sign3A_262 : i32
      %sign3A_264 = arith.extui %sign3A_263 : i1 to i32
      %sign3A_265 = arith.subi %sign3A_261, %sign3A_264 : i32
      %ne3A_266 = arith.cmpi ne, %sign3A_258, %sign3A_265 : i32
      %rem3A_267 = arith.remsi %add3A_249, %jit3A_250 : i32
      %ne3A_268 = arith.constant 0 : i32
      %ne3A_269 = arith.cmpi ne, %rem3A_267, %ne3A_268 : i32
      %and3A_270 = arith.andi %ne3A_266, %ne3A_269 : i1
      %sub3A_271 = arith.constant 1 : i32
      %sub3A_272 = arith.subi %div3A_251, %sub3A_271 : i32
      %select_n3A_273 = arith.select %and3A_270, %sub3A_272, %div3A_251 : i32
      %gt3A_274 = arith.constant 0 : i32
      %gt3A_275 = arith.cmpi sgt, %select_n3A_273, %gt3A_274 : i32
      %convert_element_type3A_276 = arith.extui %gt3A_275 : i1 to i32
      %cond3A_277 = arith.constant 0 : i32
      %cond3A_278 = arith.cmpi ne, %convert_element_type3A_276, %cond3A_277 : i32
      scf.if %cond3A_278 {
        %min3A = arith.constant 9629680 : i32
        %min3A_293 = arith.minsi %mul3A_246, %min3A : i32
        %dma_start3A_294 = arith.constant 0 : i32
        %dma_start3A_295 = tpu.memref_slice %arg8[%dma_start3A_294] : memref<4144xi32, #tpu.memory_space<vmem>> -> memref<4112xi32, #tpu.memory_space<vmem>>
        %dma_start3A_296 = tpu.memref_slice %arg2[%min3A_293] : memref<9633792xi32, #tpu.memory_space<hbm>> -> memref<4112xi32, #tpu.memory_space<hbm>>
        %dma_start3A_297 = arith.constant 0 : i32
        %dma_start3A_298 = tpu.memref_slice %arg8[%dma_start3A_297] : memref<4144xi32, #tpu.memory_space<vmem>> -> memref<4112xi32, #tpu.memory_space<vmem>>
        %dma_start3A_299 = tpu.memref_slice %arg2[%min3A_293] : memref<9633792xi32, #tpu.memory_space<hbm>> -> memref<4112xi32, #tpu.memory_space<hbm>>
        tpu.enqueue_dma source(%dma_start3A_299 : memref<4112xi32, #tpu.memory_space<hbm>>) target(%dma_start3A_298 : memref<4112xi32, #tpu.memory_space<vmem>>) target_semaphore(%arg13 : memref<!tpu.dma_semaphore, #tpu.memory_space<semaphore_mem>>)
        %dma_start3A_300 = arith.constant 0 : i32
        %dma_start3A_301 = tpu.memref_slice %arg10[%dma_start3A_300] : memref<4128xf32, #tpu.memory_space<vmem>> -> memref<4112xf32, #tpu.memory_space<vmem>>
        %dma_start3A_302 = tpu.memref_slice %arg3[%min3A_293] : memref<9633792xf32, #tpu.memory_space<hbm>> -> memref<4112xf32, #tpu.memory_space<hbm>>
        %dma_start3A_303 = arith.constant 0 : i32
        %dma_start3A_304 = tpu.memref_slice %arg10[%dma_start3A_303] : memref<4128xf32, #tpu.memory_space<vmem>> -> memref<4112xf32, #tpu.memory_space<vmem>>
        %dma_start3A_305 = tpu.memref_slice %arg3[%min3A_293] : memref<9633792xf32, #tpu.memory_space<hbm>> -> memref<4112xf32, #tpu.memory_space<hbm>>
        tpu.enqueue_dma source(%dma_start3A_305 : memref<4112xf32, #tpu.memory_space<hbm>>) target(%dma_start3A_304 : memref<4112xf32, #tpu.memory_space<vmem>>) target_semaphore(%arg15 : memref<!tpu.dma_semaphore, #tpu.memory_space<semaphore_mem>>)
        %add3A_306 = arith.constant 1 : i32
        %add3A_307 = arith.addi %select_n3A_273, %add3A_306 : i32
        %jit3A_308 = arith.constant 2 : i32
        %div3A_309 = arith.divsi %add3A_307, %jit3A_308 : i32
        %sign3A_310 = arith.constant 0 : i32
        %sign3A_311 = arith.cmpi sgt, %add3A_307, %sign3A_310 : i32
        %sign3A_312 = arith.extui %sign3A_311 : i1 to i32
        %sign3A_313 = arith.constant 0 : i32
        %sign3A_314 = arith.cmpi slt, %add3A_307, %sign3A_313 : i32
        %sign3A_315 = arith.extui %sign3A_314 : i1 to i32
        %sign3A_316 = arith.subi %sign3A_312, %sign3A_315 : i32
        %sign3A_317 = arith.constant 0 : i32
        %sign3A_318 = arith.cmpi sgt, %jit3A_308, %sign3A_317 : i32
        %sign3A_319 = arith.extui %sign3A_318 : i1 to i32
        %sign3A_320 = arith.constant 0 : i32
        %sign3A_321 = arith.cmpi slt, %jit3A_308, %sign3A_320 : i32
        %sign3A_322 = arith.extui %sign3A_321 : i1 to i32
        %sign3A_323 = arith.subi %sign3A_319, %sign3A_322 : i32
        %ne3A_324 = arith.cmpi ne, %sign3A_316, %sign3A_323 : i32
        %rem3A_325 = arith.remsi %add3A_307, %jit3A_308 : i32
        %ne3A_326 = arith.constant 0 : i32
        %ne3A_327 = arith.cmpi ne, %rem3A_325, %ne3A_326 : i32
        %and3A_328 = arith.andi %ne3A_324, %ne3A_327 : i1
        %sub3A_329 = arith.constant 1 : i32
        %sub3A_330 = arith.subi %div3A_309, %sub3A_329 : i32
        %select_n3A_331 = arith.select %and3A_328, %sub3A_330, %div3A_309 : i32
        %while3A = arith.constant 0 : i32
        %while3A_332 = arith.constant 0 : i32
        %while3A_333 = arith.subi %select_n3A_331, %while3A : i32
        %while3A_334 = arith.addi %while3A, %while3A_333 : i32
        %while3A_335 = arith.constant 1 : i32
        %while3A_336 = arith.divsi %while3A_333, %while3A_335 : i32
        %while3A_337 = arith.muli %while3A_336, %while3A_335 : i32
        %while3A_338 = arith.addi %while3A, %while3A_337 : i32
        %while3A_339 = arith.constant 1 : i32
        %while3A_340 = scf.for %while3A_343 = %while3A to %while3A_338 step %while3A_339 iter_args(%while3A_344 = %while3A_332) -> (i32)  : i32 {
          %dma_wait3A_345 = arith.constant 0 : i32
          %dma_wait3A_346 = tpu.memref_slice %arg8[%dma_wait3A_345] : memref<4144xi32, #tpu.memory_space<vmem>> -> memref<4112xi32, #tpu.memory_space<vmem>>
          %dma_wait3A_347 = arith.constant 0 : i32
          %dma_wait3A_348 = tpu.memref_slice %arg2[%dma_wait3A_347] : memref<9633792xi32, #tpu.memory_space<hbm>> -> memref<4112xi32, #tpu.memory_space<hbm>>
          %dma_wait3A_349 = arith.constant 0 : i32
          %dma_wait3A_350 = tpu.memref_slice %arg8[%dma_wait3A_349] : memref<4144xi32, #tpu.memory_space<vmem>> -> memref<4112xi32, #tpu.memory_space<vmem>>
          %dma_wait3A_351 = arith.constant 0 : i32
          %dma_wait3A_352 = tpu.memref_slice %arg2[%dma_wait3A_351] : memref<9633792xi32, #tpu.memory_space<hbm>> -> memref<4112xi32, #tpu.memory_space<hbm>>
          tpu.wait_dma2 semaphore(%arg13 : memref<!tpu.dma_semaphore, #tpu.memory_space<semaphore_mem>>) src(%dma_wait3A_352 : memref<4112xi32, #tpu.memory_space<hbm>>) dst(%dma_wait3A_350 : memref<4112xi32, #tpu.memory_space<vmem>>)
          %dma_wait3A_353 = arith.constant 0 : i32
          %dma_wait3A_354 = tpu.memref_slice %arg10[%dma_wait3A_353] : memref<4128xf32, #tpu.memory_space<vmem>> -> memref<4112xf32, #tpu.memory_space<vmem>>
          %dma_wait3A_355 = arith.constant 0 : i32
          %dma_wait3A_356 = tpu.memref_slice %arg3[%dma_wait3A_355] : memref<9633792xf32, #tpu.memory_space<hbm>> -> memref<4112xf32, #tpu.memory_space<hbm>>
          %dma_wait3A_357 = arith.constant 0 : i32
          %dma_wait3A_358 = tpu.memref_slice %arg10[%dma_wait3A_357] : memref<4128xf32, #tpu.memory_space<vmem>> -> memref<4112xf32, #tpu.memory_space<vmem>>
          %dma_wait3A_359 = arith.constant 0 : i32
          %dma_wait3A_360 = tpu.memref_slice %arg3[%dma_wait3A_359] : memref<9633792xf32, #tpu.memory_space<hbm>> -> memref<4112xf32, #tpu.memory_space<hbm>>
          tpu.wait_dma2 semaphore(%arg15 : memref<!tpu.dma_semaphore, #tpu.memory_space<semaphore_mem>>) src(%dma_wait3A_360 : memref<4112xf32, #tpu.memory_space<hbm>>) dst(%dma_wait3A_358 : memref<4112xf32, #tpu.memory_space<vmem>>)
          %mul3A_361 = arith.constant 2 : i32
          %mul3A_362 = arith.muli %mul3A_361, %while3A_343 : i32
          %add3A_363 = arith.constant 1 : i32
          %add3A_364 = arith.addi %mul3A_362, %add3A_363 : i32
          %lt3A = arith.cmpi slt, %add3A_364, %select_n3A_273 : i32
          %convert_element_type3A_365 = arith.extui %lt3A : i1 to i32
          %cond3A_366 = arith.constant 0 : i32
          %cond3A_367 = arith.cmpi ne, %convert_element_type3A_365, %cond3A_366 : i32
          scf.if %cond3A_367 {
            %mul3A_396 = arith.constant 2 : i32
            %mul3A_397 = arith.muli %mul3A_396, %while3A_343 : i32
            %add3A_398 = arith.constant 1 : i32
            %add3A_399 = arith.addi %mul3A_397, %add3A_398 : i32
            %mul3A_400 = arith.constant 4096 : i32
            %mul3A_401 = arith.muli %add3A_399, %mul3A_400 : i32
            %add3A_402 = arith.addi %mul3A_246, %mul3A_401 : i32
            %min3A_403 = arith.constant 9629680 : i32
            %min3A_404 = arith.minsi %add3A_402, %min3A_403 : i32
            %dma_start3A_405 = arith.constant 0 : i32
            %dma_start3A_406 = tpu.memref_slice %arg9[%dma_start3A_405] : memref<4144xi32, #tpu.memory_space<vmem>> -> memref<4112xi32, #tpu.memory_space<vmem>>
            %dma_start3A_407 = tpu.memref_slice %arg2[%min3A_404] : memref<9633792xi32, #tpu.memory_space<hbm>> -> memref<4112xi32, #tpu.memory_space<hbm>>
            %dma_start3A_408 = arith.constant 0 : i32
            %dma_start3A_409 = tpu.memref_slice %arg9[%dma_start3A_408] : memref<4144xi32, #tpu.memory_space<vmem>> -> memref<4112xi32, #tpu.memory_space<vmem>>
            %dma_start3A_410 = tpu.memref_slice %arg2[%min3A_404] : memref<9633792xi32, #tpu.memory_space<hbm>> -> memref<4112xi32, #tpu.memory_space<hbm>>
            tpu.enqueue_dma source(%dma_start3A_410 : memref<4112xi32, #tpu.memory_space<hbm>>) target(%dma_start3A_409 : memref<4112xi32, #tpu.memory_space<vmem>>) target_semaphore(%arg14 : memref<!tpu.dma_semaphore, #tpu.memory_space<semaphore_mem>>)
            %dma_start3A_411 = arith.constant 0 : i32
            %dma_start3A_412 = tpu.memref_slice %arg11[%dma_start3A_411] : memref<4128xf32, #tpu.memory_space<vmem>> -> memref<4112xf32, #tpu.memory_space<vmem>>
            %dma_start3A_413 = tpu.memref_slice %arg3[%min3A_404] : memref<9633792xf32, #tpu.memory_space<hbm>> -> memref<4112xf32, #tpu.memory_space<hbm>>
            %dma_start3A_414 = arith.constant 0 : i32
            %dma_start3A_415 = tpu.memref_slice %arg11[%dma_start3A_414] : memref<4128xf32, #tpu.memory_space<vmem>> -> memref<4112xf32, #tpu.memory_space<vmem>>
            %dma_start3A_416 = tpu.memref_slice %arg3[%min3A_404] : memref<9633792xf32, #tpu.memory_space<hbm>> -> memref<4112xf32, #tpu.memory_space<hbm>>
            tpu.enqueue_dma source(%dma_start3A_416 : memref<4112xf32, #tpu.memory_space<hbm>>) target(%dma_start3A_415 : memref<4112xf32, #tpu.memory_space<vmem>>) target_semaphore(%arg16 : memref<!tpu.dma_semaphore, #tpu.memory_space<semaphore_mem>>)
          } else {
          }
          %mul3A_368 = arith.constant 2 : i32
          %mul3A_369 = arith.muli %mul3A_368, %while3A_343 : i32
          %mul3A_370 = arith.constant 4096 : i32
          %mul3A_371 = arith.muli %mul3A_369, %mul3A_370 : i32
          %add3A_372 = arith.addi %mul3A_246, %mul3A_371 : i32
          %min3A_373 = arith.constant 9629680 : i32
          %min3A_374 = arith.minsi %add3A_372, %min3A_373 : i32
          %sub3A_375 = arith.subi %add3A_372, %min3A_374 : i32
          %parallel_loop3A_376 = arith.constant 0 : i32
          %parallel_loop3A_377 = arith.constant 256 : i32
          %parallel_loop3A_378 = arith.constant 1 : i32
          scf.for %parallel_loop3A_396 = %parallel_loop3A_376 to %parallel_loop3A_377 step %parallel_loop3A_378  : i32 {
            %parallel_loop3A_397 = arith.constant 16 : i32
            %parallel_loop3A_398 = arith.muli %parallel_loop3A_396, %parallel_loop3A_397 : i32
            %parallel_loop3A_399 = arith.addi %parallel_loop3A_398, %sub3A_375 : i32
            %parallel_loop3A_400 = arith.constant 4112 : i32
            %parallel_loop3A_401 = arith.minsi %parallel_loop3A_399, %parallel_loop3A_400 : i32
            %parallel_loop3A_402 = arith.index_cast %parallel_loop3A_401 : i32 to index
            %parallel_loop3A_403 = tpu.vector_load %arg8[%parallel_loop3A_402] {strides = array<i32>} : memref<4144xi32, #tpu.memory_space<vmem>>, vector<16xi32>,
            %parallel_loop3A_404 = arith.constant 1 : i32
            %parallel_loop3A_405 = arith.addi %parallel_loop3A_401, %parallel_loop3A_404 : i32
            %parallel_loop3A_406 = arith.index_cast %parallel_loop3A_405 : i32 to index
            %parallel_loop3A_407 = tpu.vector_load %arg8[%parallel_loop3A_406] {strides = array<i32>} : memref<4144xi32, #tpu.memory_space<vmem>>, vector<16xi32>,
            %parallel_loop3A_408 = arith.index_cast %parallel_loop3A_401 : i32 to index
            %parallel_loop3A_409 = tpu.vector_load %arg10[%parallel_loop3A_408] {strides = array<i32>} : memref<4128xf32, #tpu.memory_space<vmem>>, vector<16xf32>,
            %parallel_loop3A_410 = vector.broadcast %add3A_211 : i32 to vector<16xi32>
            %parallel_loop3A_411 = arith.subi %parallel_loop3A_403, %parallel_loop3A_410 : vector<16xi32>
            %parallel_loop3A_412 = arith.constant 16 : i32
            %parallel_loop3A_413 = arith.muli %parallel_loop3A_396, %parallel_loop3A_412 : i32
            %parallel_loop3A_414 = arith.addi %add3A_372, %parallel_loop3A_413 : i32
            %parallel_loop3A_415 = vector.broadcast %parallel_loop3A_414 : i32 to vector<16xi32>
            %parallel_loop3A_416 = arith.addi %parallel_loop3A_415, %iota3A : vector<16xi32>
            %parallel_loop3A_417 = arith.cmpi ne, %parallel_loop3A_403, %parallel_loop3A_407 : vector<16xi32>
            %parallel_loop3A_418 = arith.constant 9633791 : i32
            %parallel_loop3A_419 = vector.broadcast %parallel_loop3A_418 : i32 to vector<16xi32>
            %parallel_loop3A_420 = arith.cmpi eq, %parallel_loop3A_416, %parallel_loop3A_419 : vector<16xi32>
            %parallel_loop3A_421 = arith.ori %parallel_loop3A_417, %parallel_loop3A_420 : vector<16xi1>
            %parallel_loop3A_422 = arith.constant 0 : i32
            %parallel_loop3A_423 = vector.broadcast %parallel_loop3A_422 : i32 to vector<16xi32>
            %parallel_loop3A_424 = arith.cmpi sge, %parallel_loop3A_411, %parallel_loop3A_423 : vector<16xi32>
            %parallel_loop3A_425 = arith.andi %parallel_loop3A_421, %parallel_loop3A_424 : vector<16xi1>
            %parallel_loop3A_426 = arith.constant 32768 : i32
            %parallel_loop3A_427 = vector.broadcast %parallel_loop3A_426 : i32 to vector<16xi32>
            %parallel_loop3A_428 = arith.cmpi slt, %parallel_loop3A_411, %parallel_loop3A_427 : vector<16xi32>
            %parallel_loop3A_429 = arith.andi %parallel_loop3A_425, %parallel_loop3A_428 : vector<16xi1>
            %parallel_loop3A_430 = vector.broadcast %squeeze3A_220 : i32 to vector<16xi32>
            %parallel_loop3A_431 = arith.cmpi slt, %parallel_loop3A_416, %parallel_loop3A_430 : vector<16xi32>
            %parallel_loop3A_432 = arith.andi %parallel_loop3A_429, %parallel_loop3A_431 : vector<16xi1>
            tpu.vector_store_idx %arg7[%parallel_loop3A_411], %parallel_loop3A_409 masked %parallel_loop3A_432 : memref<32768xf32, #tpu.memory_space<vmem>>[vector<16xi32>], vector<16xf32>, vector<16xi1>
          } {sc.loop_unroll_factor = 4 : i64, sc.parallel_access}
          %mul3A_379 = arith.constant 2 : i32
          %mul3A_380 = arith.muli %mul3A_379, %while3A_343 : i32
          %add3A_381 = arith.constant 2 : i32
          %add3A_382 = arith.addi %mul3A_380, %add3A_381 : i32
          %lt3A_383 = arith.cmpi slt, %add3A_382, %select_n3A_273 : i32
          %convert_element_type3A_384 = arith.extui %lt3A_383 : i1 to i32
          %cond3A_385 = arith.constant 0 : i32
          %cond3A_386 = arith.cmpi ne, %convert_element_type3A_384, %cond3A_385 : i32
          scf.if %cond3A_386 {
            %mul3A_396 = arith.constant 2 : i32
            %mul3A_397 = arith.muli %mul3A_396, %while3A_343 : i32
            %add3A_398 = arith.constant 2 : i32
            %add3A_399 = arith.addi %mul3A_397, %add3A_398 : i32
            %mul3A_400 = arith.constant 4096 : i32
            %mul3A_401 = arith.muli %add3A_399, %mul3A_400 : i32
            %add3A_402 = arith.addi %mul3A_246, %mul3A_401 : i32
            %min3A_403 = arith.constant 9629680 : i32
            %min3A_404 = arith.minsi %add3A_402, %min3A_403 : i32
            %dma_start3A_405 = arith.constant 0 : i32
            %dma_start3A_406 = tpu.memref_slice %arg8[%dma_start3A_405] : memref<4144xi32, #tpu.memory_space<vmem>> -> memref<4112xi32, #tpu.memory_space<vmem>>
            %dma_start3A_407 = tpu.memref_slice %arg2[%min3A_404] : memref<9633792xi32, #tpu.memory_space<hbm>> -> memref<4112xi32, #tpu.memory_space<hbm>>
            %dma_start3A_408 = arith.constant 0 : i32
            %dma_start3A_409 = tpu.memref_slice %arg8[%dma_start3A_408] : memref<4144xi32, #tpu.memory_space<vmem>> -> memref<4112xi32, #tpu.memory_space<vmem>>
            %dma_start3A_410 = tpu.memref_slice %arg2[%min3A_404] : memref<9633792xi32, #tpu.memory_space<hbm>> -> memref<4112xi32, #tpu.memory_space<hbm>>
            tpu.enqueue_dma source(%dma_start3A_410 : memref<4112xi32, #tpu.memory_space<hbm>>) target(%dma_start3A_409 : memref<4112xi32, #tpu.memory_space<vmem>>) target_semaphore(%arg13 : memref<!tpu.dma_semaphore, #tpu.memory_space<semaphore_mem>>)
            %dma_start3A_411 = arith.constant 0 : i32
            %dma_start3A_412 = tpu.memref_slice %arg10[%dma_start3A_411] : memref<4128xf32, #tpu.memory_space<vmem>> -> memref<4112xf32, #tpu.memory_space<vmem>>
            %dma_start3A_413 = tpu.memref_slice %arg3[%min3A_404] : memref<9633792xf32, #tpu.memory_space<hbm>> -> memref<4112xf32, #tpu.memory_space<hbm>>
            %dma_start3A_414 = arith.constant 0 : i32
            %dma_start3A_415 = tpu.memref_slice %arg10[%dma_start3A_414] : memref<4128xf32, #tpu.memory_space<vmem>> -> memref<4112xf32, #tpu.memory_space<vmem>>
            %dma_start3A_416 = tpu.memref_slice %arg3[%min3A_404] : memref<9633792xf32, #tpu.memory_space<hbm>> -> memref<4112xf32, #tpu.memory_space<hbm>>
            tpu.enqueue_dma source(%dma_start3A_416 : memref<4112xf32, #tpu.memory_space<hbm>>) target(%dma_start3A_415 : memref<4112xf32, #tpu.memory_space<vmem>>) target_semaphore(%arg15 : memref<!tpu.dma_semaphore, #tpu.memory_space<semaphore_mem>>)
          } else {
          }
          %mul3A_387 = arith.constant 2 : i32
          %mul3A_388 = arith.muli %mul3A_387, %while3A_343 : i32
          %add3A_389 = arith.constant 1 : i32
          %add3A_390 = arith.addi %mul3A_388, %add3A_389 : i32
          %lt3A_391 = arith.cmpi slt, %add3A_390, %select_n3A_273 : i32
          %convert_element_type3A_392 = arith.extui %lt3A_391 : i1 to i32
          %cond3A_393 = arith.constant 0 : i32
          %cond3A_394 = arith.cmpi ne, %convert_element_type3A_392, %cond3A_393 : i32
          scf.if %cond3A_394 {
            %dma_wait3A_396 = arith.constant 0 : i32
            %dma_wait3A_397 = tpu.memref_slice %arg9[%dma_wait3A_396] : memref<4144xi32, #tpu.memory_space<vmem>> -> memref<4112xi32, #tpu.memory_space<vmem>>
            %dma_wait3A_398 = arith.constant 0 : i32
            %dma_wait3A_399 = tpu.memref_slice %arg2[%dma_wait3A_398] : memref<9633792xi32, #tpu.memory_space<hbm>> -> memref<4112xi32, #tpu.memory_space<hbm>>
            %dma_wait3A_400 = arith.constant 0 : i32
            %dma_wait3A_401 = tpu.memref_slice %arg9[%dma_wait3A_400] : memref<4144xi32, #tpu.memory_space<vmem>> -> memref<4112xi32, #tpu.memory_space<vmem>>
            %dma_wait3A_402 = arith.constant 0 : i32
            %dma_wait3A_403 = tpu.memref_slice %arg2[%dma_wait3A_402] : memref<9633792xi32, #tpu.memory_space<hbm>> -> memref<4112xi32, #tpu.memory_space<hbm>>
            tpu.wait_dma2 semaphore(%arg14 : memref<!tpu.dma_semaphore, #tpu.memory_space<semaphore_mem>>) src(%dma_wait3A_403 : memref<4112xi32, #tpu.memory_space<hbm>>) dst(%dma_wait3A_401 : memref<4112xi32, #tpu.memory_space<vmem>>)
            %dma_wait3A_404 = arith.constant 0 : i32
            %dma_wait3A_405 = tpu.memref_slice %arg11[%dma_wait3A_404] : memref<4128xf32, #tpu.memory_space<vmem>> -> memref<4112xf32, #tpu.memory_space<vmem>>
            %dma_wait3A_406 = arith.constant 0 : i32
            %dma_wait3A_407 = tpu.memref_slice %arg3[%dma_wait3A_406] : memref<9633792xf32, #tpu.memory_space<hbm>> -> memref<4112xf32, #tpu.memory_space<hbm>>
            %dma_wait3A_408 = arith.constant 0 : i32
            %dma_wait3A_409 = tpu.memref_slice %arg11[%dma_wait3A_408] : memref<4128xf32, #tpu.memory_space<vmem>> -> memref<4112xf32, #tpu.memory_space<vmem>>
            %dma_wait3A_410 = arith.constant 0 : i32
            %dma_wait3A_411 = tpu.memref_slice %arg3[%dma_wait3A_410] : memref<9633792xf32, #tpu.memory_space<hbm>> -> memref<4112xf32, #tpu.memory_space<hbm>>
            tpu.wait_dma2 semaphore(%arg16 : memref<!tpu.dma_semaphore, #tpu.memory_space<semaphore_mem>>) src(%dma_wait3A_411 : memref<4112xf32, #tpu.memory_space<hbm>>) dst(%dma_wait3A_409 : memref<4112xf32, #tpu.memory_space<vmem>>)
            %mul3A_412 = arith.constant 2 : i32
            %mul3A_413 = arith.muli %mul3A_412, %while3A_343 : i32
            %add3A_414 = arith.constant 1 : i32
            %add3A_415 = arith.addi %mul3A_413, %add3A_414 : i32
            %mul3A_416 = arith.constant 4096 : i32
            %mul3A_417 = arith.muli %add3A_415, %mul3A_416 : i32
            %add3A_418 = arith.addi %mul3A_246, %mul3A_417 : i32
            %min3A_419 = arith.constant 9629680 : i32
            %min3A_420 = arith.minsi %add3A_418, %min3A_419 : i32
            %sub3A_421 = arith.subi %add3A_418, %min3A_420 : i32
            %parallel_loop3A_422 = arith.constant 0 : i32
            %parallel_loop3A_423 = arith.constant 256 : i32
            %parallel_loop3A_424 = arith.constant 1 : i32
            scf.for %parallel_loop3A_425 = %parallel_loop3A_422 to %parallel_loop3A_423 step %parallel_loop3A_424  : i32 {
              %parallel_loop3A_426 = arith.constant 16 : i32
              %parallel_loop3A_427 = arith.muli %parallel_loop3A_425, %parallel_loop3A_426 : i32
              %parallel_loop3A_428 = arith.addi %parallel_loop3A_427, %sub3A_421 : i32
              %parallel_loop3A_429 = arith.constant 4112 : i32
              %parallel_loop3A_430 = arith.minsi %parallel_loop3A_428, %parallel_loop3A_429 : i32
              %parallel_loop3A_431 = arith.index_cast %parallel_loop3A_430 : i32 to index
              %parallel_loop3A_432 = tpu.vector_load %arg9[%parallel_loop3A_431] {strides = array<i32>} : memref<4144xi32, #tpu.memory_space<vmem>>, vector<16xi32>,
              %parallel_loop3A_433 = arith.constant 1 : i32
              %parallel_loop3A_434 = arith.addi %parallel_loop3A_430, %parallel_loop3A_433 : i32
              %parallel_loop3A_435 = arith.index_cast %parallel_loop3A_434 : i32 to index
              %parallel_loop3A_436 = tpu.vector_load %arg9[%parallel_loop3A_435] {strides = array<i32>} : memref<4144xi32, #tpu.memory_space<vmem>>, vector<16xi32>,
              %parallel_loop3A_437 = arith.index_cast %parallel_loop3A_430 : i32 to index
              %parallel_loop3A_438 = tpu.vector_load %arg11[%parallel_loop3A_437] {strides = array<i32>} : memref<4128xf32, #tpu.memory_space<vmem>>, vector<16xf32>,
              %parallel_loop3A_439 = vector.broadcast %add3A_211 : i32 to vector<16xi32>
              %parallel_loop3A_440 = arith.subi %parallel_loop3A_432, %parallel_loop3A_439 : vector<16xi32>
              %parallel_loop3A_441 = arith.constant 16 : i32
              %parallel_loop3A_442 = arith.muli %parallel_loop3A_425, %parallel_loop3A_441 : i32
              %parallel_loop3A_443 = arith.addi %add3A_418, %parallel_loop3A_442 : i32
              %parallel_loop3A_444 = vector.broadcast %parallel_loop3A_443 : i32 to vector<16xi32>
              %parallel_loop3A_445 = arith.addi %parallel_loop3A_444, %iota3A : vector<16xi32>
              %parallel_loop3A_446 = arith.cmpi ne, %parallel_loop3A_432, %parallel_loop3A_436 : vector<16xi32>
              %parallel_loop3A_447 = arith.constant 9633791 : i32
              %parallel_loop3A_448 = vector.broadcast %parallel_loop3A_447 : i32 to vector<16xi32>
              %parallel_loop3A_449 = arith.cmpi eq, %parallel_loop3A_445, %parallel_loop3A_448 : vector<16xi32>
              %parallel_loop3A_450 = arith.ori %parallel_loop3A_446, %parallel_loop3A_449 : vector<16xi1>
              %parallel_loop3A_451 = arith.constant 0 : i32
              %parallel_loop3A_452 = vector.broadcast %parallel_loop3A_451 : i32 to vector<16xi32>
              %parallel_loop3A_453 = arith.cmpi sge, %parallel_loop3A_440, %parallel_loop3A_452 : vector<16xi32>
              %parallel_loop3A_454 = arith.andi %parallel_loop3A_450, %parallel_loop3A_453 : vector<16xi1>
              %parallel_loop3A_455 = arith.constant 32768 : i32
              %parallel_loop3A_456 = vector.broadcast %parallel_loop3A_455 : i32 to vector<16xi32>
              %parallel_loop3A_457 = arith.cmpi slt, %parallel_loop3A_440, %parallel_loop3A_456 : vector<16xi32>
              %parallel_loop3A_458 = arith.andi %parallel_loop3A_454, %parallel_loop3A_457 : vector<16xi1>
              %parallel_loop3A_459 = vector.broadcast %squeeze3A_220 : i32 to vector<16xi32>
              %parallel_loop3A_460 = arith.cmpi slt, %parallel_loop3A_445, %parallel_loop3A_459 : vector<16xi32>
              %parallel_loop3A_461 = arith.andi %parallel_loop3A_458, %parallel_loop3A_460 : vector<16xi1>
              tpu.vector_store_idx %arg7[%parallel_loop3A_440], %parallel_loop3A_438 masked %parallel_loop3A_461 : memref<32768xf32, #tpu.memory_space<vmem>>[vector<16xi32>], vector<16xf32>, vector<16xi1>
            } {sc.loop_unroll_factor = 4 : i64, sc.parallel_access}
          } else {
          }
          %while3A_395 = arith.constant 0 : i32
          scf.yield %while3A_395 : i32
        }
        %while3A_341 = arith.constant 1 : i32
        %while3A_342 = scf.for %while3A_343 = %while3A_338 to %while3A_334 step %while3A_341 iter_args(%while3A_344 = %while3A_340) -> (i32)  : i32 {
          %dma_wait3A_345 = arith.constant 0 : i32
          %dma_wait3A_346 = tpu.memref_slice %arg8[%dma_wait3A_345] : memref<4144xi32, #tpu.memory_space<vmem>> -> memref<4112xi32, #tpu.memory_space<vmem>>
          %dma_wait3A_347 = arith.constant 0 : i32
          %dma_wait3A_348 = tpu.memref_slice %arg2[%dma_wait3A_347] : memref<9633792xi32, #tpu.memory_space<hbm>> -> memref<4112xi32, #tpu.memory_space<hbm>>
          %dma_wait3A_349 = arith.constant 0 : i32
          %dma_wait3A_350 = tpu.memref_slice %arg8[%dma_wait3A_349] : memref<4144xi32, #tpu.memory_space<vmem>> -> memref<4112xi32, #tpu.memory_space<vmem>>
          %dma_wait3A_351 = arith.constant 0 : i32
          %dma_wait3A_352 = tpu.memref_slice %arg2[%dma_wait3A_351] : memref<9633792xi32, #tpu.memory_space<hbm>> -> memref<4112xi32, #tpu.memory_space<hbm>>
          tpu.wait_dma2 semaphore(%arg13 : memref<!tpu.dma_semaphore, #tpu.memory_space<semaphore_mem>>) src(%dma_wait3A_352 : memref<4112xi32, #tpu.memory_space<hbm>>) dst(%dma_wait3A_350 : memref<4112xi32, #tpu.memory_space<vmem>>)
          %dma_wait3A_353 = arith.constant 0 : i32
          %dma_wait3A_354 = tpu.memref_slice %arg10[%dma_wait3A_353] : memref<4128xf32, #tpu.memory_space<vmem>> -> memref<4112xf32, #tpu.memory_space<vmem>>
          %dma_wait3A_355 = arith.constant 0 : i32
          %dma_wait3A_356 = tpu.memref_slice %arg3[%dma_wait3A_355] : memref<9633792xf32, #tpu.memory_space<hbm>> -> memref<4112xf32, #tpu.memory_space<hbm>>
          %dma_wait3A_357 = arith.constant 0 : i32
          %dma_wait3A_358 = tpu.memref_slice %arg10[%dma_wait3A_357] : memref<4128xf32, #tpu.memory_space<vmem>> -> memref<4112xf32, #tpu.memory_space<vmem>>
          %dma_wait3A_359 = arith.constant 0 : i32
          %dma_wait3A_360 = tpu.memref_slice %arg3[%dma_wait3A_359] : memref<9633792xf32, #tpu.memory_space<hbm>> -> memref<4112xf32, #tpu.memory_space<hbm>>
          tpu.wait_dma2 semaphore(%arg15 : memref<!tpu.dma_semaphore, #tpu.memory_space<semaphore_mem>>) src(%dma_wait3A_360 : memref<4112xf32, #tpu.memory_space<hbm>>) dst(%dma_wait3A_358 : memref<4112xf32, #tpu.memory_space<vmem>>)
          %mul3A_361 = arith.constant 2 : i32
          %mul3A_362 = arith.muli %mul3A_361, %while3A_343 : i32
          %add3A_363 = arith.constant 1 : i32
          %add3A_364 = arith.addi %mul3A_362, %add3A_363 : i32
          %lt3A = arith.cmpi slt, %add3A_364, %select_n3A_273 : i32
          %convert_element_type3A_365 = arith.extui %lt3A : i1 to i32
          %cond3A_366 = arith.constant 0 : i32
          %cond3A_367 = arith.cmpi ne, %convert_element_type3A_365, %cond3A_366 : i32
          scf.if %cond3A_367 {
            %mul3A_396 = arith.constant 2 : i32
            %mul3A_397 = arith.muli %mul3A_396, %while3A_343 : i32
            %add3A_398 = arith.constant 1 : i32
            %add3A_399 = arith.addi %mul3A_397, %add3A_398 : i32
            %mul3A_400 = arith.constant 4096 : i32
            %mul3A_401 = arith.muli %add3A_399, %mul3A_400 : i32
            %add3A_402 = arith.addi %mul3A_246, %mul3A_401 : i32
            %min3A_403 = arith.constant 9629680 : i32
            %min3A_404 = arith.minsi %add3A_402, %min3A_403 : i32
            %dma_start3A_405 = arith.constant 0 : i32
            %dma_start3A_406 = tpu.memref_slice %arg9[%dma_start3A_405] : memref<4144xi32, #tpu.memory_space<vmem>> -> memref<4112xi32, #tpu.memory_space<vmem>>
            %dma_start3A_407 = tpu.memref_slice %arg2[%min3A_404] : memref<9633792xi32, #tpu.memory_space<hbm>> -> memref<4112xi32, #tpu.memory_space<hbm>>
            %dma_start3A_408 = arith.constant 0 : i32
            %dma_start3A_409 = tpu.memref_slice %arg9[%dma_start3A_408] : memref<4144xi32, #tpu.memory_space<vmem>> -> memref<4112xi32, #tpu.memory_space<vmem>>
            %dma_start3A_410 = tpu.memref_slice %arg2[%min3A_404] : memref<9633792xi32, #tpu.memory_space<hbm>> -> memref<4112xi32, #tpu.memory_space<hbm>>
            tpu.enqueue_dma source(%dma_start3A_410 : memref<4112xi32, #tpu.memory_space<hbm>>) target(%dma_start3A_409 : memref<4112xi32, #tpu.memory_space<vmem>>) target_semaphore(%arg14 : memref<!tpu.dma_semaphore, #tpu.memory_space<semaphore_mem>>)
            %dma_start3A_411 = arith.constant 0 : i32
            %dma_start3A_412 = tpu.memref_slice %arg11[%dma_start3A_411] : memref<4128xf32, #tpu.memory_space<vmem>> -> memref<4112xf32, #tpu.memory_space<vmem>>
            %dma_start3A_413 = tpu.memref_slice %arg3[%min3A_404] : memref<9633792xf32, #tpu.memory_space<hbm>> -> memref<4112xf32, #tpu.memory_space<hbm>>
            %dma_start3A_414 = arith.constant 0 : i32
            %dma_start3A_415 = tpu.memref_slice %arg11[%dma_start3A_414] : memref<4128xf32, #tpu.memory_space<vmem>> -> memref<4112xf32, #tpu.memory_space<vmem>>
            %dma_start3A_416 = tpu.memref_slice %arg3[%min3A_404] : memref<9633792xf32, #tpu.memory_space<hbm>> -> memref<4112xf32, #tpu.memory_space<hbm>>
            tpu.enqueue_dma source(%dma_start3A_416 : memref<4112xf32, #tpu.memory_space<hbm>>) target(%dma_start3A_415 : memref<4112xf32, #tpu.memory_space<vmem>>) target_semaphore(%arg16 : memref<!tpu.dma_semaphore, #tpu.memory_space<semaphore_mem>>)
          } else {
          }
          %mul3A_368 = arith.constant 2 : i32
          %mul3A_369 = arith.muli %mul3A_368, %while3A_343 : i32
          %mul3A_370 = arith.constant 4096 : i32
          %mul3A_371 = arith.muli %mul3A_369, %mul3A_370 : i32
          %add3A_372 = arith.addi %mul3A_246, %mul3A_371 : i32
          %min3A_373 = arith.constant 9629680 : i32
          %min3A_374 = arith.minsi %add3A_372, %min3A_373 : i32
          %sub3A_375 = arith.subi %add3A_372, %min3A_374 : i32
          %parallel_loop3A_376 = arith.constant 0 : i32
          %parallel_loop3A_377 = arith.constant 256 : i32
          %parallel_loop3A_378 = arith.constant 1 : i32
          scf.for %parallel_loop3A_396 = %parallel_loop3A_376 to %parallel_loop3A_377 step %parallel_loop3A_378  : i32 {
            %parallel_loop3A_397 = arith.constant 16 : i32
            %parallel_loop3A_398 = arith.muli %parallel_loop3A_396, %parallel_loop3A_397 : i32
            %parallel_loop3A_399 = arith.addi %parallel_loop3A_398, %sub3A_375 : i32
            %parallel_loop3A_400 = arith.constant 4112 : i32
            %parallel_loop3A_401 = arith.minsi %parallel_loop3A_399, %parallel_loop3A_400 : i32
            %parallel_loop3A_402 = arith.index_cast %parallel_loop3A_401 : i32 to index
            %parallel_loop3A_403 = tpu.vector_load %arg8[%parallel_loop3A_402] {strides = array<i32>} : memref<4144xi32, #tpu.memory_space<vmem>>, vector<16xi32>,
            %parallel_loop3A_404 = arith.constant 1 : i32
            %parallel_loop3A_405 = arith.addi %parallel_loop3A_401, %parallel_loop3A_404 : i32
            %parallel_loop3A_406 = arith.index_cast %parallel_loop3A_405 : i32 to index
            %parallel_loop3A_407 = tpu.vector_load %arg8[%parallel_loop3A_406] {strides = array<i32>} : memref<4144xi32, #tpu.memory_space<vmem>>, vector<16xi32>,
            %parallel_loop3A_408 = arith.index_cast %parallel_loop3A_401 : i32 to index
            %parallel_loop3A_409 = tpu.vector_load %arg10[%parallel_loop3A_408] {strides = array<i32>} : memref<4128xf32, #tpu.memory_space<vmem>>, vector<16xf32>,
            %parallel_loop3A_410 = vector.broadcast %add3A_211 : i32 to vector<16xi32>
            %parallel_loop3A_411 = arith.subi %parallel_loop3A_403, %parallel_loop3A_410 : vector<16xi32>
            %parallel_loop3A_412 = arith.constant 16 : i32
            %parallel_loop3A_413 = arith.muli %parallel_loop3A_396, %parallel_loop3A_412 : i32
            %parallel_loop3A_414 = arith.addi %add3A_372, %parallel_loop3A_413 : i32
            %parallel_loop3A_415 = vector.broadcast %parallel_loop3A_414 : i32 to vector<16xi32>
            %parallel_loop3A_416 = arith.addi %parallel_loop3A_415, %iota3A : vector<16xi32>
            %parallel_loop3A_417 = arith.cmpi ne, %parallel_loop3A_403, %parallel_loop3A_407 : vector<16xi32>
            %parallel_loop3A_418 = arith.constant 9633791 : i32
            %parallel_loop3A_419 = vector.broadcast %parallel_loop3A_418 : i32 to vector<16xi32>
            %parallel_loop3A_420 = arith.cmpi eq, %parallel_loop3A_416, %parallel_loop3A_419 : vector<16xi32>
            %parallel_loop3A_421 = arith.ori %parallel_loop3A_417, %parallel_loop3A_420 : vector<16xi1>
            %parallel_loop3A_422 = arith.constant 0 : i32
            %parallel_loop3A_423 = vector.broadcast %parallel_loop3A_422 : i32 to vector<16xi32>
            %parallel_loop3A_424 = arith.cmpi sge, %parallel_loop3A_411, %parallel_loop3A_423 : vector<16xi32>
            %parallel_loop3A_425 = arith.andi %parallel_loop3A_421, %parallel_loop3A_424 : vector<16xi1>
            %parallel_loop3A_426 = arith.constant 32768 : i32
            %parallel_loop3A_427 = vector.broadcast %parallel_loop3A_426 : i32 to vector<16xi32>
            %parallel_loop3A_428 = arith.cmpi slt, %parallel_loop3A_411, %parallel_loop3A_427 : vector<16xi32>
            %parallel_loop3A_429 = arith.andi %parallel_loop3A_425, %parallel_loop3A_428 : vector<16xi1>
            %parallel_loop3A_430 = vector.broadcast %squeeze3A_220 : i32 to vector<16xi32>
            %parallel_loop3A_431 = arith.cmpi slt, %parallel_loop3A_416, %parallel_loop3A_430 : vector<16xi32>
            %parallel_loop3A_432 = arith.andi %parallel_loop3A_429, %parallel_loop3A_431 : vector<16xi1>
            tpu.vector_store_idx %arg7[%parallel_loop3A_411], %parallel_loop3A_409 masked %parallel_loop3A_432 : memref<32768xf32, #tpu.memory_space<vmem>>[vector<16xi32>], vector<16xf32>, vector<16xi1>
          } {sc.loop_unroll_factor = 4 : i64, sc.parallel_access}
          %mul3A_379 = arith.constant 2 : i32
          %mul3A_380 = arith.muli %mul3A_379, %while3A_343 : i32
          %add3A_381 = arith.constant 2 : i32
          %add3A_382 = arith.addi %mul3A_380, %add3A_381 : i32
          %lt3A_383 = arith.cmpi slt, %add3A_382, %select_n3A_273 : i32
          %convert_element_type3A_384 = arith.extui %lt3A_383 : i1 to i32
          %cond3A_385 = arith.constant 0 : i32
          %cond3A_386 = arith.cmpi ne, %convert_element_type3A_384, %cond3A_385 : i32
          scf.if %cond3A_386 {
            %mul3A_396 = arith.constant 2 : i32
            %mul3A_397 = arith.muli %mul3A_396, %while3A_343 : i32
            %add3A_398 = arith.constant 2 : i32
            %add3A_399 = arith.addi %mul3A_397, %add3A_398 : i32
            %mul3A_400 = arith.constant 4096 : i32
            %mul3A_401 = arith.muli %add3A_399, %mul3A_400 : i32
            %add3A_402 = arith.addi %mul3A_246, %mul3A_401 : i32
            %min3A_403 = arith.constant 9629680 : i32
            %min3A_404 = arith.minsi %add3A_402, %min3A_403 : i32
            %dma_start3A_405 = arith.constant 0 : i32
            %dma_start3A_406 = tpu.memref_slice %arg8[%dma_start3A_405] : memref<4144xi32, #tpu.memory_space<vmem>> -> memref<4112xi32, #tpu.memory_space<vmem>>
            %dma_start3A_407 = tpu.memref_slice %arg2[%min3A_404] : memref<9633792xi32, #tpu.memory_space<hbm>> -> memref<4112xi32, #tpu.memory_space<hbm>>
            %dma_start3A_408 = arith.constant 0 : i32
            %dma_start3A_409 = tpu.memref_slice %arg8[%dma_start3A_408] : memref<4144xi32, #tpu.memory_space<vmem>> -> memref<4112xi32, #tpu.memory_space<vmem>>
            %dma_start3A_410 = tpu.memref_slice %arg2[%min3A_404] : memref<9633792xi32, #tpu.memory_space<hbm>> -> memref<4112xi32, #tpu.memory_space<hbm>>
            tpu.enqueue_dma source(%dma_start3A_410 : memref<4112xi32, #tpu.memory_space<hbm>>) target(%dma_start3A_409 : memref<4112xi32, #tpu.memory_space<vmem>>) target_semaphore(%arg13 : memref<!tpu.dma_semaphore, #tpu.memory_space<semaphore_mem>>)
            %dma_start3A_411 = arith.constant 0 : i32
            %dma_start3A_412 = tpu.memref_slice %arg10[%dma_start3A_411] : memref<4128xf32, #tpu.memory_space<vmem>> -> memref<4112xf32, #tpu.memory_space<vmem>>
            %dma_start3A_413 = tpu.memref_slice %arg3[%min3A_404] : memref<9633792xf32, #tpu.memory_space<hbm>> -> memref<4112xf32, #tpu.memory_space<hbm>>
            %dma_start3A_414 = arith.constant 0 : i32
            %dma_start3A_415 = tpu.memref_slice %arg10[%dma_start3A_414] : memref<4128xf32, #tpu.memory_space<vmem>> -> memref<4112xf32, #tpu.memory_space<vmem>>
            %dma_start3A_416 = tpu.memref_slice %arg3[%min3A_404] : memref<9633792xf32, #tpu.memory_space<hbm>> -> memref<4112xf32, #tpu.memory_space<hbm>>
            tpu.enqueue_dma source(%dma_start3A_416 : memref<4112xf32, #tpu.memory_space<hbm>>) target(%dma_start3A_415 : memref<4112xf32, #tpu.memory_space<vmem>>) target_semaphore(%arg15 : memref<!tpu.dma_semaphore, #tpu.memory_space<semaphore_mem>>)
          } else {
          }
          %mul3A_387 = arith.constant 2 : i32
          %mul3A_388 = arith.muli %mul3A_387, %while3A_343 : i32
          %add3A_389 = arith.constant 1 : i32
          %add3A_390 = arith.addi %mul3A_388, %add3A_389 : i32
          %lt3A_391 = arith.cmpi slt, %add3A_390, %select_n3A_273 : i32
          %convert_element_type3A_392 = arith.extui %lt3A_391 : i1 to i32
          %cond3A_393 = arith.constant 0 : i32
          %cond3A_394 = arith.cmpi ne, %convert_element_type3A_392, %cond3A_393 : i32
          scf.if %cond3A_394 {
            %dma_wait3A_396 = arith.constant 0 : i32
            %dma_wait3A_397 = tpu.memref_slice %arg9[%dma_wait3A_396] : memref<4144xi32, #tpu.memory_space<vmem>> -> memref<4112xi32, #tpu.memory_space<vmem>>
            %dma_wait3A_398 = arith.constant 0 : i32
            %dma_wait3A_399 = tpu.memref_slice %arg2[%dma_wait3A_398] : memref<9633792xi32, #tpu.memory_space<hbm>> -> memref<4112xi32, #tpu.memory_space<hbm>>
            %dma_wait3A_400 = arith.constant 0 : i32
            %dma_wait3A_401 = tpu.memref_slice %arg9[%dma_wait3A_400] : memref<4144xi32, #tpu.memory_space<vmem>> -> memref<4112xi32, #tpu.memory_space<vmem>>
            %dma_wait3A_402 = arith.constant 0 : i32
            %dma_wait3A_403 = tpu.memref_slice %arg2[%dma_wait3A_402] : memref<9633792xi32, #tpu.memory_space<hbm>> -> memref<4112xi32, #tpu.memory_space<hbm>>
            tpu.wait_dma2 semaphore(%arg14 : memref<!tpu.dma_semaphore, #tpu.memory_space<semaphore_mem>>) src(%dma_wait3A_403 : memref<4112xi32, #tpu.memory_space<hbm>>) dst(%dma_wait3A_401 : memref<4112xi32, #tpu.memory_space<vmem>>)
            %dma_wait3A_404 = arith.constant 0 : i32
            %dma_wait3A_405 = tpu.memref_slice %arg11[%dma_wait3A_404] : memref<4128xf32, #tpu.memory_space<vmem>> -> memref<4112xf32, #tpu.memory_space<vmem>>
            %dma_wait3A_406 = arith.constant 0 : i32
            %dma_wait3A_407 = tpu.memref_slice %arg3[%dma_wait3A_406] : memref<9633792xf32, #tpu.memory_space<hbm>> -> memref<4112xf32, #tpu.memory_space<hbm>>
            %dma_wait3A_408 = arith.constant 0 : i32
            %dma_wait3A_409 = tpu.memref_slice %arg11[%dma_wait3A_408] : memref<4128xf32, #tpu.memory_space<vmem>> -> memref<4112xf32, #tpu.memory_space<vmem>>
            %dma_wait3A_410 = arith.constant 0 : i32
            %dma_wait3A_411 = tpu.memref_slice %arg3[%dma_wait3A_410] : memref<9633792xf32, #tpu.memory_space<hbm>> -> memref<4112xf32, #tpu.memory_space<hbm>>
            tpu.wait_dma2 semaphore(%arg16 : memref<!tpu.dma_semaphore, #tpu.memory_space<semaphore_mem>>) src(%dma_wait3A_411 : memref<4112xf32, #tpu.memory_space<hbm>>) dst(%dma_wait3A_409 : memref<4112xf32, #tpu.memory_space<vmem>>)
            %mul3A_412 = arith.constant 2 : i32
            %mul3A_413 = arith.muli %mul3A_412, %while3A_343 : i32
            %add3A_414 = arith.constant 1 : i32
            %add3A_415 = arith.addi %mul3A_413, %add3A_414 : i32
            %mul3A_416 = arith.constant 4096 : i32
            %mul3A_417 = arith.muli %add3A_415, %mul3A_416 : i32
            %add3A_418 = arith.addi %mul3A_246, %mul3A_417 : i32
            %min3A_419 = arith.constant 9629680 : i32
            %min3A_420 = arith.minsi %add3A_418, %min3A_419 : i32
            %sub3A_421 = arith.subi %add3A_418, %min3A_420 : i32
            %parallel_loop3A_422 = arith.constant 0 : i32
            %parallel_loop3A_423 = arith.constant 256 : i32
            %parallel_loop3A_424 = arith.constant 1 : i32
            scf.for %parallel_loop3A_425 = %parallel_loop3A_422 to %parallel_loop3A_423 step %parallel_loop3A_424  : i32 {
              %parallel_loop3A_426 = arith.constant 16 : i32
              %parallel_loop3A_427 = arith.muli %parallel_loop3A_425, %parallel_loop3A_426 : i32
              %parallel_loop3A_428 = arith.addi %parallel_loop3A_427, %sub3A_421 : i32
              %parallel_loop3A_429 = arith.constant 4112 : i32
              %parallel_loop3A_430 = arith.minsi %parallel_loop3A_428, %parallel_loop3A_429 : i32
              %parallel_loop3A_431 = arith.index_cast %parallel_loop3A_430 : i32 to index
              %parallel_loop3A_432 = tpu.vector_load %arg9[%parallel_loop3A_431] {strides = array<i32>} : memref<4144xi32, #tpu.memory_space<vmem>>, vector<16xi32>,
              %parallel_loop3A_433 = arith.constant 1 : i32
              %parallel_loop3A_434 = arith.addi %parallel_loop3A_430, %parallel_loop3A_433 : i32
              %parallel_loop3A_435 = arith.index_cast %parallel_loop3A_434 : i32 to index
              %parallel_loop3A_436 = tpu.vector_load %arg9[%parallel_loop3A_435] {strides = array<i32>} : memref<4144xi32, #tpu.memory_space<vmem>>, vector<16xi32>,
              %parallel_loop3A_437 = arith.index_cast %parallel_loop3A_430 : i32 to index
              %parallel_loop3A_438 = tpu.vector_load %arg11[%parallel_loop3A_437] {strides = array<i32>} : memref<4128xf32, #tpu.memory_space<vmem>>, vector<16xf32>,
              %parallel_loop3A_439 = vector.broadcast %add3A_211 : i32 to vector<16xi32>
              %parallel_loop3A_440 = arith.subi %parallel_loop3A_432, %parallel_loop3A_439 : vector<16xi32>
              %parallel_loop3A_441 = arith.constant 16 : i32
              %parallel_loop3A_442 = arith.muli %parallel_loop3A_425, %parallel_loop3A_441 : i32
              %parallel_loop3A_443 = arith.addi %add3A_418, %parallel_loop3A_442 : i32
              %parallel_loop3A_444 = vector.broadcast %parallel_loop3A_443 : i32 to vector<16xi32>
              %parallel_loop3A_445 = arith.addi %parallel_loop3A_444, %iota3A : vector<16xi32>
              %parallel_loop3A_446 = arith.cmpi ne, %parallel_loop3A_432, %parallel_loop3A_436 : vector<16xi32>
              %parallel_loop3A_447 = arith.constant 9633791 : i32
              %parallel_loop3A_448 = vector.broadcast %parallel_loop3A_447 : i32 to vector<16xi32>
              %parallel_loop3A_449 = arith.cmpi eq, %parallel_loop3A_445, %parallel_loop3A_448 : vector<16xi32>
              %parallel_loop3A_450 = arith.ori %parallel_loop3A_446, %parallel_loop3A_449 : vector<16xi1>
              %parallel_loop3A_451 = arith.constant 0 : i32
              %parallel_loop3A_452 = vector.broadcast %parallel_loop3A_451 : i32 to vector<16xi32>
              %parallel_loop3A_453 = arith.cmpi sge, %parallel_loop3A_440, %parallel_loop3A_452 : vector<16xi32>
              %parallel_loop3A_454 = arith.andi %parallel_loop3A_450, %parallel_loop3A_453 : vector<16xi1>
              %parallel_loop3A_455 = arith.constant 32768 : i32
              %parallel_loop3A_456 = vector.broadcast %parallel_loop3A_455 : i32 to vector<16xi32>
              %parallel_loop3A_457 = arith.cmpi slt, %parallel_loop3A_440, %parallel_loop3A_456 : vector<16xi32>
              %parallel_loop3A_458 = arith.andi %parallel_loop3A_454, %parallel_loop3A_457 : vector<16xi1>
              %parallel_loop3A_459 = vector.broadcast %squeeze3A_220 : i32 to vector<16xi32>
              %parallel_loop3A_460 = arith.cmpi slt, %parallel_loop3A_445, %parallel_loop3A_459 : vector<16xi32>
              %parallel_loop3A_461 = arith.andi %parallel_loop3A_458, %parallel_loop3A_460 : vector<16xi1>
              tpu.vector_store_idx %arg7[%parallel_loop3A_440], %parallel_loop3A_438 masked %parallel_loop3A_461 : memref<32768xf32, #tpu.memory_space<vmem>>[vector<16xi32>], vector<16xf32>, vector<16xi1>
            } {sc.loop_unroll_factor = 4 : i64, sc.parallel_access}
          } else {
          }
          %while3A_395 = arith.constant 0 : i32
          scf.yield %while3A_395 : i32
        }
      } else {
      }
      %mul3A_279 = arith.constant 1204224 : i32
      %mul3A_280 = arith.muli %add3A, %mul3A_279 : i32
      %add3A_281 = arith.constant 1 : i32
      %add3A_282 = arith.addi %mul3A_103, %add3A_281 : i32
      %mul3A_283 = arith.constant 32768 : i32
      %mul3A_284 = arith.muli %add3A_282, %mul3A_283 : i32
      %add3A_285 = arith.addi %mul3A_280, %mul3A_284 : i32
      %dma_start3A_286 = arith.constant 0 : i32
      %dma_start3A_287 = tpu.memref_slice %arg7[%dma_start3A_286] : memref<32768xf32, #tpu.memory_space<vmem>> -> memref<32768xf32, #tpu.memory_space<vmem>>
      %dma_start3A_288 = tpu.memref_slice %arg5[%add3A_285] : memref<38535168xf32, #tpu.memory_space<hbm>> -> memref<32768xf32, #tpu.memory_space<hbm>>
      %dma_start3A_289 = tpu.memref_slice %arg5[%add3A_285] : memref<38535168xf32, #tpu.memory_space<hbm>> -> memref<32768xf32, #tpu.memory_space<hbm>>
      %dma_start3A_290 = arith.constant 0 : i32
      %dma_start3A_291 = tpu.memref_slice %arg7[%dma_start3A_290] : memref<32768xf32, #tpu.memory_space<vmem>> -> memref<32768xf32, #tpu.memory_space<vmem>>
      tpu.enqueue_dma source(%dma_start3A_291 : memref<32768xf32, #tpu.memory_space<vmem>>) target(%dma_start3A_289 : memref<32768xf32, #tpu.memory_space<hbm>>) target_semaphore(%arg18 : memref<!tpu.dma_semaphore, #tpu.memory_space<semaphore_mem>>)
      %scan3A_292 = arith.constant 0 : i32
      scf.yield %scan3A_292 : i32
    }
    %scan3A_7 = arith.constant 18 : i32
    %dma_wait3A = arith.constant 0 : i32
    %dma_wait3A_8 = tpu.memref_slice %arg6[%dma_wait3A] : memref<32768xf32, #tpu.memory_space<vmem>> -> memref<32768xf32, #tpu.memory_space<vmem>>
    %dma_wait3A_9 = arith.constant 0 : i32
    %dma_wait3A_10 = tpu.memref_slice %arg5[%dma_wait3A_9] : memref<38535168xf32, #tpu.memory_space<hbm>> -> memref<32768xf32, #tpu.memory_space<hbm>>
    %dma_wait3A_11 = arith.constant 0 : i32
    %dma_wait3A_12 = tpu.memref_slice %arg5[%dma_wait3A_11] : memref<38535168xf32, #tpu.memory_space<hbm>> -> memref<32768xf32, #tpu.memory_space<hbm>>
    %dma_wait3A_13 = arith.constant 0 : i32
    %dma_wait3A_14 = tpu.memref_slice %arg6[%dma_wait3A_13] : memref<32768xf32, #tpu.memory_space<vmem>> -> memref<32768xf32, #tpu.memory_space<vmem>>
    tpu.wait_dma2 semaphore(%arg17 : memref<!tpu.dma_semaphore, #tpu.memory_space<semaphore_mem>>) src(%dma_wait3A_14 : memref<32768xf32, #tpu.memory_space<vmem>>) dst(%dma_wait3A_12 : memref<32768xf32, #tpu.memory_space<hbm>>)
    %mul3A_15 = arith.constant 37 : i32
    %mul3A_16 = arith.muli %add3A, %mul3A_15 : i32
    %add3A_17 = arith.constant 36 : i32
    %add3A_18 = arith.addi %mul3A_16, %add3A_17 : i32
    %mul3A_19 = arith.constant 1204224 : i32
    %mul3A_20 = arith.muli %add3A, %mul3A_19 : i32
    %add3A_21 = arith.constant 1179648 : i32
    %add3A_22 = arith.addi %mul3A_20, %add3A_21 : i32
    %parallel_loop3A = arith.constant 0 : i32
    %parallel_loop3A_23 = arith.constant 1536 : i32
    %parallel_loop3A_24 = arith.constant 1 : i32
    scf.for %parallel_loop3A_100 = %parallel_loop3A to %parallel_loop3A_23 step %parallel_loop3A_24  : i32 {
      %parallel_loop3A_101 = arith.constant 16 : i32
      %parallel_loop3A_102 = arith.muli %parallel_loop3A_100, %parallel_loop3A_101 : i32
      %parallel_loop3A_103 = arith.index_cast %parallel_loop3A_102 : i32 to index
      %parallel_loop3A_104 = tpu.vector_load %arg6[%parallel_loop3A_103] {strides = array<i32>} : memref<32768xf32, #tpu.memory_space<vmem>>, vector<16xf32>,
      tpu.vector_store %arg6[%parallel_loop3A_103], %broadcast_in_dim3A_1 {strides = array<i32>} : memref<32768xf32, #tpu.memory_space<vmem>>, vector<16xf32>,
    } {sc.loop_unroll_factor = 8 : i64, sc.parallel_access}
    %get3A = arith.index_cast %add3A_18 : i32 to index
    %get3A_25 = tpu.vector_load %arg12[%get3A] {strides = array<i32>} : memref<1200xi32, #tpu.memory_space<vmem>>, vector<16xi32>,
    %slice3A = vector.extract_strided_slice %get3A_25 {offsets = [0], sizes = [1], strides = [1]} : vector<16xi32> to vector<1xi32>
    %squeeze3A = vector.extract %slice3A[0] : i32 from vector<1xi32>
    %slice3A_26 = vector.extract_strided_slice %get3A_25 {offsets = [1], sizes = [1], strides = [1]} : vector<16xi32> to vector<1xi32>
    %squeeze3A_27 = vector.extract %slice3A_26[0] : i32 from vector<1xi32>
    %jit3A = arith.constant 16 : i32
    %div3A = arith.divsi %squeeze3A, %jit3A : i32
    %sign3A = arith.constant 0 : i32
    %sign3A_28 = arith.cmpi sgt, %squeeze3A, %sign3A : i32
    %sign3A_29 = arith.extui %sign3A_28 : i1 to i32
    %sign3A_30 = arith.constant 0 : i32
    %sign3A_31 = arith.cmpi slt, %squeeze3A, %sign3A_30 : i32
    %sign3A_32 = arith.extui %sign3A_31 : i1 to i32
    %sign3A_33 = arith.subi %sign3A_29, %sign3A_32 : i32
    %sign3A_34 = arith.constant 0 : i32
    %sign3A_35 = arith.cmpi sgt, %jit3A, %sign3A_34 : i32
    %sign3A_36 = arith.extui %sign3A_35 : i1 to i32
    %sign3A_37 = arith.constant 0 : i32
    %sign3A_38 = arith.cmpi slt, %jit3A, %sign3A_37 : i32
    %sign3A_39 = arith.extui %sign3A_38 : i1 to i32
    %sign3A_40 = arith.subi %sign3A_36, %sign3A_39 : i32
    %ne3A = arith.cmpi ne, %sign3A_33, %sign3A_40 : i32
    %rem3A = arith.remsi %squeeze3A, %jit3A : i32
    %ne3A_41 = arith.constant 0 : i32
    %ne3A_42 = arith.cmpi ne, %rem3A, %ne3A_41 : i32
    %and3A = arith.andi %ne3A, %ne3A_42 : i1
    %sub3A = arith.constant 1 : i32
    %sub3A_43 = arith.subi %div3A, %sub3A : i32
    %select_n3A = arith.select %and3A, %sub3A_43, %div3A : i32
    %mul3A_44 = arith.constant 16 : i32
    %mul3A_45 = arith.muli %select_n3A, %mul3A_44 : i32
    %sub3A_46 = arith.subi %squeeze3A_27, %mul3A_45 : i32
    %add3A_47 = arith.constant 4095 : i32
    %add3A_48 = arith.addi %sub3A_46, %add3A_47 : i32
    %jit3A_49 = arith.constant 4096 : i32
    %div3A_50 = arith.divsi %add3A_48, %jit3A_49 : i32
    %sign3A_51 = arith.constant 0 : i32
    %sign3A_52 = arith.cmpi sgt, %add3A_48, %sign3A_51 : i32
    %sign3A_53 = arith.extui %sign3A_52 : i1 to i32
    %sign3A_54 = arith.constant 0 : i32
    %sign3A_55 = arith.cmpi slt, %add3A_48, %sign3A_54 : i32
    %sign3A_56 = arith.extui %sign3A_55 : i1 to i32
    %sign3A_57 = arith.subi %sign3A_53, %sign3A_56 : i32
    %sign3A_58 = arith.constant 0 : i32
    %sign3A_59 = arith.cmpi sgt, %jit3A_49, %sign3A_58 : i32
    %sign3A_60 = arith.extui %sign3A_59 : i1 to i32
    %sign3A_61 = arith.constant 0 : i32
    %sign3A_62 = arith.cmpi slt, %jit3A_49, %sign3A_61 : i32
    %sign3A_63 = arith.extui %sign3A_62 : i1 to i32
    %sign3A_64 = arith.subi %sign3A_60, %sign3A_63 : i32
    %ne3A_65 = arith.cmpi ne, %sign3A_57, %sign3A_64 : i32
    %rem3A_66 = arith.remsi %add3A_48, %jit3A_49 : i32
    %ne3A_67 = arith.constant 0 : i32
    %ne3A_68 = arith.cmpi ne, %rem3A_66, %ne3A_67 : i32
    %and3A_69 = arith.andi %ne3A_65, %ne3A_68 : i1
    %sub3A_70 = arith.constant 1 : i32
    %sub3A_71 = arith.subi %div3A_50, %sub3A_70 : i32
    %select_n3A_72 = arith.select %and3A_69, %sub3A_71, %div3A_50 : i32
    %gt3A = arith.constant 0 : i32
    %gt3A_73 = arith.cmpi sgt, %select_n3A_72, %gt3A : i32
    %convert_element_type3A = arith.extui %gt3A_73 : i1 to i32
    %cond3A = arith.constant 0 : i32
    %cond3A_74 = arith.cmpi ne, %convert_element_type3A, %cond3A : i32
    scf.if %cond3A_74 {
      %min3A = arith.constant 9629680 : i32
      %min3A_100 = arith.minsi %mul3A_45, %min3A : i32
      %dma_start3A_101 = arith.constant 0 : i32
      %dma_start3A_102 = tpu.memref_slice %arg8[%dma_start3A_101] : memref<4144xi32, #tpu.memory_space<vmem>> -> memref<4112xi32, #tpu.memory_space<vmem>>
      %dma_start3A_103 = tpu.memref_slice %arg2[%min3A_100] : memref<9633792xi32, #tpu.memory_space<hbm>> -> memref<4112xi32, #tpu.memory_space<hbm>>
      %dma_start3A_104 = arith.constant 0 : i32
      %dma_start3A_105 = tpu.memref_slice %arg8[%dma_start3A_104] : memref<4144xi32, #tpu.memory_space<vmem>> -> memref<4112xi32, #tpu.memory_space<vmem>>
      %dma_start3A_106 = tpu.memref_slice %arg2[%min3A_100] : memref<9633792xi32, #tpu.memory_space<hbm>> -> memref<4112xi32, #tpu.memory_space<hbm>>
      tpu.enqueue_dma source(%dma_start3A_106 : memref<4112xi32, #tpu.memory_space<hbm>>) target(%dma_start3A_105 : memref<4112xi32, #tpu.memory_space<vmem>>) target_semaphore(%arg13 : memref<!tpu.dma_semaphore, #tpu.memory_space<semaphore_mem>>)
      %dma_start3A_107 = arith.constant 0 : i32
      %dma_start3A_108 = tpu.memref_slice %arg10[%dma_start3A_107] : memref<4128xf32, #tpu.memory_space<vmem>> -> memref<4112xf32, #tpu.memory_space<vmem>>
      %dma_start3A_109 = tpu.memref_slice %arg3[%min3A_100] : memref<9633792xf32, #tpu.memory_space<hbm>> -> memref<4112xf32, #tpu.memory_space<hbm>>
      %dma_start3A_110 = arith.constant 0 : i32
      %dma_start3A_111 = tpu.memref_slice %arg10[%dma_start3A_110] : memref<4128xf32, #tpu.memory_space<vmem>> -> memref<4112xf32, #tpu.memory_space<vmem>>
      %dma_start3A_112 = tpu.memref_slice %arg3[%min3A_100] : memref<9633792xf32, #tpu.memory_space<hbm>> -> memref<4112xf32, #tpu.memory_space<hbm>>
      tpu.enqueue_dma source(%dma_start3A_112 : memref<4112xf32, #tpu.memory_space<hbm>>) target(%dma_start3A_111 : memref<4112xf32, #tpu.memory_space<vmem>>) target_semaphore(%arg15 : memref<!tpu.dma_semaphore, #tpu.memory_space<semaphore_mem>>)
      %add3A_113 = arith.constant 1 : i32
      %add3A_114 = arith.addi %select_n3A_72, %add3A_113 : i32
      %jit3A_115 = arith.constant 2 : i32
      %div3A_116 = arith.divsi %add3A_114, %jit3A_115 : i32
      %sign3A_117 = arith.constant 0 : i32
      %sign3A_118 = arith.cmpi sgt, %add3A_114, %sign3A_117 : i32
      %sign3A_119 = arith.extui %sign3A_118 : i1 to i32
      %sign3A_120 = arith.constant 0 : i32
      %sign3A_121 = arith.cmpi slt, %add3A_114, %sign3A_120 : i32
      %sign3A_122 = arith.extui %sign3A_121 : i1 to i32
      %sign3A_123 = arith.subi %sign3A_119, %sign3A_122 : i32
      %sign3A_124 = arith.constant 0 : i32
      %sign3A_125 = arith.cmpi sgt, %jit3A_115, %sign3A_124 : i32
      %sign3A_126 = arith.extui %sign3A_125 : i1 to i32
      %sign3A_127 = arith.constant 0 : i32
      %sign3A_128 = arith.cmpi slt, %jit3A_115, %sign3A_127 : i32
      %sign3A_129 = arith.extui %sign3A_128 : i1 to i32
      %sign3A_130 = arith.subi %sign3A_126, %sign3A_129 : i32
      %ne3A_131 = arith.cmpi ne, %sign3A_123, %sign3A_130 : i32
      %rem3A_132 = arith.remsi %add3A_114, %jit3A_115 : i32
      %ne3A_133 = arith.constant 0 : i32
      %ne3A_134 = arith.cmpi ne, %rem3A_132, %ne3A_133 : i32
      %and3A_135 = arith.andi %ne3A_131, %ne3A_134 : i1
      %sub3A_136 = arith.constant 1 : i32
      %sub3A_137 = arith.subi %div3A_116, %sub3A_136 : i32
      %select_n3A_138 = arith.select %and3A_135, %sub3A_137, %div3A_116 : i32
      %while3A = arith.constant 0 : i32
      %while3A_139 = arith.constant 0 : i32
      %while3A_140 = arith.subi %select_n3A_138, %while3A : i32
      %while3A_141 = arith.addi %while3A, %while3A_140 : i32
      %while3A_142 = arith.constant 1 : i32
      %while3A_143 = arith.divsi %while3A_140, %while3A_142 : i32
      %while3A_144 = arith.muli %while3A_143, %while3A_142 : i32
      %while3A_145 = arith.addi %while3A, %while3A_144 : i32
      %while3A_146 = arith.constant 1 : i32
      %while3A_147 = scf.for %while3A_150 = %while3A to %while3A_145 step %while3A_146 iter_args(%while3A_151 = %while3A_139) -> (i32)  : i32 {
        %dma_wait3A_152 = arith.constant 0 : i32
        %dma_wait3A_153 = tpu.memref_slice %arg8[%dma_wait3A_152] : memref<4144xi32, #tpu.memory_space<vmem>> -> memref<4112xi32, #tpu.memory_space<vmem>>
        %dma_wait3A_154 = arith.constant 0 : i32
        %dma_wait3A_155 = tpu.memref_slice %arg2[%dma_wait3A_154] : memref<9633792xi32, #tpu.memory_space<hbm>> -> memref<4112xi32, #tpu.memory_space<hbm>>
        %dma_wait3A_156 = arith.constant 0 : i32
        %dma_wait3A_157 = tpu.memref_slice %arg8[%dma_wait3A_156] : memref<4144xi32, #tpu.memory_space<vmem>> -> memref<4112xi32, #tpu.memory_space<vmem>>
        %dma_wait3A_158 = arith.constant 0 : i32
        %dma_wait3A_159 = tpu.memref_slice %arg2[%dma_wait3A_158] : memref<9633792xi32, #tpu.memory_space<hbm>> -> memref<4112xi32, #tpu.memory_space<hbm>>
        tpu.wait_dma2 semaphore(%arg13 : memref<!tpu.dma_semaphore, #tpu.memory_space<semaphore_mem>>) src(%dma_wait3A_159 : memref<4112xi32, #tpu.memory_space<hbm>>) dst(%dma_wait3A_157 : memref<4112xi32, #tpu.memory_space<vmem>>)
        %dma_wait3A_160 = arith.constant 0 : i32
        %dma_wait3A_161 = tpu.memref_slice %arg10[%dma_wait3A_160] : memref<4128xf32, #tpu.memory_space<vmem>> -> memref<4112xf32, #tpu.memory_space<vmem>>
        %dma_wait3A_162 = arith.constant 0 : i32
        %dma_wait3A_163 = tpu.memref_slice %arg3[%dma_wait3A_162] : memref<9633792xf32, #tpu.memory_space<hbm>> -> memref<4112xf32, #tpu.memory_space<hbm>>
        %dma_wait3A_164 = arith.constant 0 : i32
        %dma_wait3A_165 = tpu.memref_slice %arg10[%dma_wait3A_164] : memref<4128xf32, #tpu.memory_space<vmem>> -> memref<4112xf32, #tpu.memory_space<vmem>>
        %dma_wait3A_166 = arith.constant 0 : i32
        %dma_wait3A_167 = tpu.memref_slice %arg3[%dma_wait3A_166] : memref<9633792xf32, #tpu.memory_space<hbm>> -> memref<4112xf32, #tpu.memory_space<hbm>>
        tpu.wait_dma2 semaphore(%arg15 : memref<!tpu.dma_semaphore, #tpu.memory_space<semaphore_mem>>) src(%dma_wait3A_167 : memref<4112xf32, #tpu.memory_space<hbm>>) dst(%dma_wait3A_165 : memref<4112xf32, #tpu.memory_space<vmem>>)
        %mul3A_168 = arith.constant 2 : i32
        %mul3A_169 = arith.muli %mul3A_168, %while3A_150 : i32
        %add3A_170 = arith.constant 1 : i32
        %add3A_171 = arith.addi %mul3A_169, %add3A_170 : i32
        %lt3A = arith.cmpi slt, %add3A_171, %select_n3A_72 : i32
        %convert_element_type3A_172 = arith.extui %lt3A : i1 to i32
        %cond3A_173 = arith.constant 0 : i32
        %cond3A_174 = arith.cmpi ne, %convert_element_type3A_172, %cond3A_173 : i32
        scf.if %cond3A_174 {
          %mul3A_203 = arith.constant 2 : i32
          %mul3A_204 = arith.muli %mul3A_203, %while3A_150 : i32
          %add3A_205 = arith.constant 1 : i32
          %add3A_206 = arith.addi %mul3A_204, %add3A_205 : i32
          %mul3A_207 = arith.constant 4096 : i32
          %mul3A_208 = arith.muli %add3A_206, %mul3A_207 : i32
          %add3A_209 = arith.addi %mul3A_45, %mul3A_208 : i32
          %min3A_210 = arith.constant 9629680 : i32
          %min3A_211 = arith.minsi %add3A_209, %min3A_210 : i32
          %dma_start3A_212 = arith.constant 0 : i32
          %dma_start3A_213 = tpu.memref_slice %arg9[%dma_start3A_212] : memref<4144xi32, #tpu.memory_space<vmem>> -> memref<4112xi32, #tpu.memory_space<vmem>>
          %dma_start3A_214 = tpu.memref_slice %arg2[%min3A_211] : memref<9633792xi32, #tpu.memory_space<hbm>> -> memref<4112xi32, #tpu.memory_space<hbm>>
          %dma_start3A_215 = arith.constant 0 : i32
          %dma_start3A_216 = tpu.memref_slice %arg9[%dma_start3A_215] : memref<4144xi32, #tpu.memory_space<vmem>> -> memref<4112xi32, #tpu.memory_space<vmem>>
          %dma_start3A_217 = tpu.memref_slice %arg2[%min3A_211] : memref<9633792xi32, #tpu.memory_space<hbm>> -> memref<4112xi32, #tpu.memory_space<hbm>>
          tpu.enqueue_dma source(%dma_start3A_217 : memref<4112xi32, #tpu.memory_space<hbm>>) target(%dma_start3A_216 : memref<4112xi32, #tpu.memory_space<vmem>>) target_semaphore(%arg14 : memref<!tpu.dma_semaphore, #tpu.memory_space<semaphore_mem>>)
          %dma_start3A_218 = arith.constant 0 : i32
          %dma_start3A_219 = tpu.memref_slice %arg11[%dma_start3A_218] : memref<4128xf32, #tpu.memory_space<vmem>> -> memref<4112xf32, #tpu.memory_space<vmem>>
          %dma_start3A_220 = tpu.memref_slice %arg3[%min3A_211] : memref<9633792xf32, #tpu.memory_space<hbm>> -> memref<4112xf32, #tpu.memory_space<hbm>>
          %dma_start3A_221 = arith.constant 0 : i32
          %dma_start3A_222 = tpu.memref_slice %arg11[%dma_start3A_221] : memref<4128xf32, #tpu.memory_space<vmem>> -> memref<4112xf32, #tpu.memory_space<vmem>>
          %dma_start3A_223 = tpu.memref_slice %arg3[%min3A_211] : memref<9633792xf32, #tpu.memory_space<hbm>> -> memref<4112xf32, #tpu.memory_space<hbm>>
          tpu.enqueue_dma source(%dma_start3A_223 : memref<4112xf32, #tpu.memory_space<hbm>>) target(%dma_start3A_222 : memref<4112xf32, #tpu.memory_space<vmem>>) target_semaphore(%arg16 : memref<!tpu.dma_semaphore, #tpu.memory_space<semaphore_mem>>)
        } else {
        }
        %mul3A_175 = arith.constant 2 : i32
        %mul3A_176 = arith.muli %mul3A_175, %while3A_150 : i32
        %mul3A_177 = arith.constant 4096 : i32
        %mul3A_178 = arith.muli %mul3A_176, %mul3A_177 : i32
        %add3A_179 = arith.addi %mul3A_45, %mul3A_178 : i32
        %min3A_180 = arith.constant 9629680 : i32
        %min3A_181 = arith.minsi %add3A_179, %min3A_180 : i32
        %sub3A_182 = arith.subi %add3A_179, %min3A_181 : i32
        %parallel_loop3A_183 = arith.constant 0 : i32
        %parallel_loop3A_184 = arith.constant 256 : i32
        %parallel_loop3A_185 = arith.constant 1 : i32
        scf.for %parallel_loop3A_203 = %parallel_loop3A_183 to %parallel_loop3A_184 step %parallel_loop3A_185  : i32 {
          %parallel_loop3A_204 = arith.constant 16 : i32
          %parallel_loop3A_205 = arith.muli %parallel_loop3A_203, %parallel_loop3A_204 : i32
          %parallel_loop3A_206 = arith.addi %parallel_loop3A_205, %sub3A_182 : i32
          %parallel_loop3A_207 = arith.constant 4112 : i32
          %parallel_loop3A_208 = arith.minsi %parallel_loop3A_206, %parallel_loop3A_207 : i32
          %parallel_loop3A_209 = arith.index_cast %parallel_loop3A_208 : i32 to index
          %parallel_loop3A_210 = tpu.vector_load %arg8[%parallel_loop3A_209] {strides = array<i32>} : memref<4144xi32, #tpu.memory_space<vmem>>, vector<16xi32>,
          %parallel_loop3A_211 = arith.constant 1 : i32
          %parallel_loop3A_212 = arith.addi %parallel_loop3A_208, %parallel_loop3A_211 : i32
          %parallel_loop3A_213 = arith.index_cast %parallel_loop3A_212 : i32 to index
          %parallel_loop3A_214 = tpu.vector_load %arg8[%parallel_loop3A_213] {strides = array<i32>} : memref<4144xi32, #tpu.memory_space<vmem>>, vector<16xi32>,
          %parallel_loop3A_215 = arith.index_cast %parallel_loop3A_208 : i32 to index
          %parallel_loop3A_216 = tpu.vector_load %arg10[%parallel_loop3A_215] {strides = array<i32>} : memref<4128xf32, #tpu.memory_space<vmem>>, vector<16xf32>,
          %parallel_loop3A_217 = vector.broadcast %add3A_22 : i32 to vector<16xi32>
          %parallel_loop3A_218 = arith.subi %parallel_loop3A_210, %parallel_loop3A_217 : vector<16xi32>
          %parallel_loop3A_219 = arith.constant 16 : i32
          %parallel_loop3A_220 = arith.muli %parallel_loop3A_203, %parallel_loop3A_219 : i32
          %parallel_loop3A_221 = arith.addi %add3A_179, %parallel_loop3A_220 : i32
          %parallel_loop3A_222 = vector.broadcast %parallel_loop3A_221 : i32 to vector<16xi32>
          %parallel_loop3A_223 = arith.addi %parallel_loop3A_222, %iota3A : vector<16xi32>
          %parallel_loop3A_224 = arith.cmpi ne, %parallel_loop3A_210, %parallel_loop3A_214 : vector<16xi32>
          %parallel_loop3A_225 = arith.constant 9633791 : i32
          %parallel_loop3A_226 = vector.broadcast %parallel_loop3A_225 : i32 to vector<16xi32>
          %parallel_loop3A_227 = arith.cmpi eq, %parallel_loop3A_223, %parallel_loop3A_226 : vector<16xi32>
          %parallel_loop3A_228 = arith.ori %parallel_loop3A_224, %parallel_loop3A_227 : vector<16xi1>
          %parallel_loop3A_229 = arith.constant 0 : i32
          %parallel_loop3A_230 = vector.broadcast %parallel_loop3A_229 : i32 to vector<16xi32>
          %parallel_loop3A_231 = arith.cmpi sge, %parallel_loop3A_218, %parallel_loop3A_230 : vector<16xi32>
          %parallel_loop3A_232 = arith.andi %parallel_loop3A_228, %parallel_loop3A_231 : vector<16xi1>
          %parallel_loop3A_233 = arith.constant 24576 : i32
          %parallel_loop3A_234 = vector.broadcast %parallel_loop3A_233 : i32 to vector<16xi32>
          %parallel_loop3A_235 = arith.cmpi slt, %parallel_loop3A_218, %parallel_loop3A_234 : vector<16xi32>
          %parallel_loop3A_236 = arith.andi %parallel_loop3A_232, %parallel_loop3A_235 : vector<16xi1>
          %parallel_loop3A_237 = vector.broadcast %squeeze3A_27 : i32 to vector<16xi32>
          %parallel_loop3A_238 = arith.cmpi slt, %parallel_loop3A_223, %parallel_loop3A_237 : vector<16xi32>
          %parallel_loop3A_239 = arith.andi %parallel_loop3A_236, %parallel_loop3A_238 : vector<16xi1>
          tpu.vector_store_idx %arg6[%parallel_loop3A_218], %parallel_loop3A_216 masked %parallel_loop3A_239 : memref<32768xf32, #tpu.memory_space<vmem>>[vector<16xi32>], vector<16xf32>, vector<16xi1>
        } {sc.loop_unroll_factor = 4 : i64, sc.parallel_access}
        %mul3A_186 = arith.constant 2 : i32
        %mul3A_187 = arith.muli %mul3A_186, %while3A_150 : i32
        %add3A_188 = arith.constant 2 : i32
        %add3A_189 = arith.addi %mul3A_187, %add3A_188 : i32
        %lt3A_190 = arith.cmpi slt, %add3A_189, %select_n3A_72 : i32
        %convert_element_type3A_191 = arith.extui %lt3A_190 : i1 to i32
        %cond3A_192 = arith.constant 0 : i32
        %cond3A_193 = arith.cmpi ne, %convert_element_type3A_191, %cond3A_192 : i32
        scf.if %cond3A_193 {
          %mul3A_203 = arith.constant 2 : i32
          %mul3A_204 = arith.muli %mul3A_203, %while3A_150 : i32
          %add3A_205 = arith.constant 2 : i32
          %add3A_206 = arith.addi %mul3A_204, %add3A_205 : i32
          %mul3A_207 = arith.constant 4096 : i32
          %mul3A_208 = arith.muli %add3A_206, %mul3A_207 : i32
          %add3A_209 = arith.addi %mul3A_45, %mul3A_208 : i32
          %min3A_210 = arith.constant 9629680 : i32
          %min3A_211 = arith.minsi %add3A_209, %min3A_210 : i32
          %dma_start3A_212 = arith.constant 0 : i32
          %dma_start3A_213 = tpu.memref_slice %arg8[%dma_start3A_212] : memref<4144xi32, #tpu.memory_space<vmem>> -> memref<4112xi32, #tpu.memory_space<vmem>>
          %dma_start3A_214 = tpu.memref_slice %arg2[%min3A_211] : memref<9633792xi32, #tpu.memory_space<hbm>> -> memref<4112xi32, #tpu.memory_space<hbm>>
          %dma_start3A_215 = arith.constant 0 : i32
          %dma_start3A_216 = tpu.memref_slice %arg8[%dma_start3A_215] : memref<4144xi32, #tpu.memory_space<vmem>> -> memref<4112xi32, #tpu.memory_space<vmem>>
          %dma_start3A_217 = tpu.memref_slice %arg2[%min3A_211] : memref<9633792xi32, #tpu.memory_space<hbm>> -> memref<4112xi32, #tpu.memory_space<hbm>>
          tpu.enqueue_dma source(%dma_start3A_217 : memref<4112xi32, #tpu.memory_space<hbm>>) target(%dma_start3A_216 : memref<4112xi32, #tpu.memory_space<vmem>>) target_semaphore(%arg13 : memref<!tpu.dma_semaphore, #tpu.memory_space<semaphore_mem>>)
          %dma_start3A_218 = arith.constant 0 : i32
          %dma_start3A_219 = tpu.memref_slice %arg10[%dma_start3A_218] : memref<4128xf32, #tpu.memory_space<vmem>> -> memref<4112xf32, #tpu.memory_space<vmem>>
          %dma_start3A_220 = tpu.memref_slice %arg3[%min3A_211] : memref<9633792xf32, #tpu.memory_space<hbm>> -> memref<4112xf32, #tpu.memory_space<hbm>>
          %dma_start3A_221 = arith.constant 0 : i32
          %dma_start3A_222 = tpu.memref_slice %arg10[%dma_start3A_221] : memref<4128xf32, #tpu.memory_space<vmem>> -> memref<4112xf32, #tpu.memory_space<vmem>>
          %dma_start3A_223 = tpu.memref_slice %arg3[%min3A_211] : memref<9633792xf32, #tpu.memory_space<hbm>> -> memref<4112xf32, #tpu.memory_space<hbm>>
          tpu.enqueue_dma source(%dma_start3A_223 : memref<4112xf32, #tpu.memory_space<hbm>>) target(%dma_start3A_222 : memref<4112xf32, #tpu.memory_space<vmem>>) target_semaphore(%arg15 : memref<!tpu.dma_semaphore, #tpu.memory_space<semaphore_mem>>)
        } else {
        }
        %mul3A_194 = arith.constant 2 : i32
        %mul3A_195 = arith.muli %mul3A_194, %while3A_150 : i32
        %add3A_196 = arith.constant 1 : i32
        %add3A_197 = arith.addi %mul3A_195, %add3A_196 : i32
        %lt3A_198 = arith.cmpi slt, %add3A_197, %select_n3A_72 : i32
        %convert_element_type3A_199 = arith.extui %lt3A_198 : i1 to i32
        %cond3A_200 = arith.constant 0 : i32
        %cond3A_201 = arith.cmpi ne, %convert_element_type3A_199, %cond3A_200 : i32
        scf.if %cond3A_201 {
          %dma_wait3A_203 = arith.constant 0 : i32
          %dma_wait3A_204 = tpu.memref_slice %arg9[%dma_wait3A_203] : memref<4144xi32, #tpu.memory_space<vmem>> -> memref<4112xi32, #tpu.memory_space<vmem>>
          %dma_wait3A_205 = arith.constant 0 : i32
          %dma_wait3A_206 = tpu.memref_slice %arg2[%dma_wait3A_205] : memref<9633792xi32, #tpu.memory_space<hbm>> -> memref<4112xi32, #tpu.memory_space<hbm>>
          %dma_wait3A_207 = arith.constant 0 : i32
          %dma_wait3A_208 = tpu.memref_slice %arg9[%dma_wait3A_207] : memref<4144xi32, #tpu.memory_space<vmem>> -> memref<4112xi32, #tpu.memory_space<vmem>>
          %dma_wait3A_209 = arith.constant 0 : i32
          %dma_wait3A_210 = tpu.memref_slice %arg2[%dma_wait3A_209] : memref<9633792xi32, #tpu.memory_space<hbm>> -> memref<4112xi32, #tpu.memory_space<hbm>>
          tpu.wait_dma2 semaphore(%arg14 : memref<!tpu.dma_semaphore, #tpu.memory_space<semaphore_mem>>) src(%dma_wait3A_210 : memref<4112xi32, #tpu.memory_space<hbm>>) dst(%dma_wait3A_208 : memref<4112xi32, #tpu.memory_space<vmem>>)
          %dma_wait3A_211 = arith.constant 0 : i32
          %dma_wait3A_212 = tpu.memref_slice %arg11[%dma_wait3A_211] : memref<4128xf32, #tpu.memory_space<vmem>> -> memref<4112xf32, #tpu.memory_space<vmem>>
          %dma_wait3A_213 = arith.constant 0 : i32
          %dma_wait3A_214 = tpu.memref_slice %arg3[%dma_wait3A_213] : memref<9633792xf32, #tpu.memory_space<hbm>> -> memref<4112xf32, #tpu.memory_space<hbm>>
          %dma_wait3A_215 = arith.constant 0 : i32
          %dma_wait3A_216 = tpu.memref_slice %arg11[%dma_wait3A_215] : memref<4128xf32, #tpu.memory_space<vmem>> -> memref<4112xf32, #tpu.memory_space<vmem>>
          %dma_wait3A_217 = arith.constant 0 : i32
          %dma_wait3A_218 = tpu.memref_slice %arg3[%dma_wait3A_217] : memref<9633792xf32, #tpu.memory_space<hbm>> -> memref<4112xf32, #tpu.memory_space<hbm>>
          tpu.wait_dma2 semaphore(%arg16 : memref<!tpu.dma_semaphore, #tpu.memory_space<semaphore_mem>>) src(%dma_wait3A_218 : memref<4112xf32, #tpu.memory_space<hbm>>) dst(%dma_wait3A_216 : memref<4112xf32, #tpu.memory_space<vmem>>)
          %mul3A_219 = arith.constant 2 : i32
          %mul3A_220 = arith.muli %mul3A_219, %while3A_150 : i32
          %add3A_221 = arith.constant 1 : i32
          %add3A_222 = arith.addi %mul3A_220, %add3A_221 : i32
          %mul3A_223 = arith.constant 4096 : i32
          %mul3A_224 = arith.muli %add3A_222, %mul3A_223 : i32
          %add3A_225 = arith.addi %mul3A_45, %mul3A_224 : i32
          %min3A_226 = arith.constant 9629680 : i32
          %min3A_227 = arith.minsi %add3A_225, %min3A_226 : i32
          %sub3A_228 = arith.subi %add3A_225, %min3A_227 : i32
          %parallel_loop3A_229 = arith.constant 0 : i32
          %parallel_loop3A_230 = arith.constant 256 : i32
          %parallel_loop3A_231 = arith.constant 1 : i32
          scf.for %parallel_loop3A_232 = %parallel_loop3A_229 to %parallel_loop3A_230 step %parallel_loop3A_231  : i32 {
            %parallel_loop3A_233 = arith.constant 16 : i32
            %parallel_loop3A_234 = arith.muli %parallel_loop3A_232, %parallel_loop3A_233 : i32
            %parallel_loop3A_235 = arith.addi %parallel_loop3A_234, %sub3A_228 : i32
            %parallel_loop3A_236 = arith.constant 4112 : i32
            %parallel_loop3A_237 = arith.minsi %parallel_loop3A_235, %parallel_loop3A_236 : i32
            %parallel_loop3A_238 = arith.index_cast %parallel_loop3A_237 : i32 to index
            %parallel_loop3A_239 = tpu.vector_load %arg9[%parallel_loop3A_238] {strides = array<i32>} : memref<4144xi32, #tpu.memory_space<vmem>>, vector<16xi32>,
            %parallel_loop3A_240 = arith.constant 1 : i32
            %parallel_loop3A_241 = arith.addi %parallel_loop3A_237, %parallel_loop3A_240 : i32
            %parallel_loop3A_242 = arith.index_cast %parallel_loop3A_241 : i32 to index
            %parallel_loop3A_243 = tpu.vector_load %arg9[%parallel_loop3A_242] {strides = array<i32>} : memref<4144xi32, #tpu.memory_space<vmem>>, vector<16xi32>,
            %parallel_loop3A_244 = arith.index_cast %parallel_loop3A_237 : i32 to index
            %parallel_loop3A_245 = tpu.vector_load %arg11[%parallel_loop3A_244] {strides = array<i32>} : memref<4128xf32, #tpu.memory_space<vmem>>, vector<16xf32>,
            %parallel_loop3A_246 = vector.broadcast %add3A_22 : i32 to vector<16xi32>
            %parallel_loop3A_247 = arith.subi %parallel_loop3A_239, %parallel_loop3A_246 : vector<16xi32>
            %parallel_loop3A_248 = arith.constant 16 : i32
            %parallel_loop3A_249 = arith.muli %parallel_loop3A_232, %parallel_loop3A_248 : i32
            %parallel_loop3A_250 = arith.addi %add3A_225, %parallel_loop3A_249 : i32
            %parallel_loop3A_251 = vector.broadcast %parallel_loop3A_250 : i32 to vector<16xi32>
            %parallel_loop3A_252 = arith.addi %parallel_loop3A_251, %iota3A : vector<16xi32>
            %parallel_loop3A_253 = arith.cmpi ne, %parallel_loop3A_239, %parallel_loop3A_243 : vector<16xi32>
            %parallel_loop3A_254 = arith.constant 9633791 : i32
            %parallel_loop3A_255 = vector.broadcast %parallel_loop3A_254 : i32 to vector<16xi32>
            %parallel_loop3A_256 = arith.cmpi eq, %parallel_loop3A_252, %parallel_loop3A_255 : vector<16xi32>
            %parallel_loop3A_257 = arith.ori %parallel_loop3A_253, %parallel_loop3A_256 : vector<16xi1>
            %parallel_loop3A_258 = arith.constant 0 : i32
            %parallel_loop3A_259 = vector.broadcast %parallel_loop3A_258 : i32 to vector<16xi32>
            %parallel_loop3A_260 = arith.cmpi sge, %parallel_loop3A_247, %parallel_loop3A_259 : vector<16xi32>
            %parallel_loop3A_261 = arith.andi %parallel_loop3A_257, %parallel_loop3A_260 : vector<16xi1>
            %parallel_loop3A_262 = arith.constant 24576 : i32
            %parallel_loop3A_263 = vector.broadcast %parallel_loop3A_262 : i32 to vector<16xi32>
            %parallel_loop3A_264 = arith.cmpi slt, %parallel_loop3A_247, %parallel_loop3A_263 : vector<16xi32>
            %parallel_loop3A_265 = arith.andi %parallel_loop3A_261, %parallel_loop3A_264 : vector<16xi1>
            %parallel_loop3A_266 = vector.broadcast %squeeze3A_27 : i32 to vector<16xi32>
            %parallel_loop3A_267 = arith.cmpi slt, %parallel_loop3A_252, %parallel_loop3A_266 : vector<16xi32>
            %parallel_loop3A_268 = arith.andi %parallel_loop3A_265, %parallel_loop3A_267 : vector<16xi1>
            tpu.vector_store_idx %arg6[%parallel_loop3A_247], %parallel_loop3A_245 masked %parallel_loop3A_268 : memref<32768xf32, #tpu.memory_space<vmem>>[vector<16xi32>], vector<16xf32>, vector<16xi1>
          } {sc.loop_unroll_factor = 4 : i64, sc.parallel_access}
        } else {
        }
        %while3A_202 = arith.constant 0 : i32
        scf.yield %while3A_202 : i32
      }
      %while3A_148 = arith.constant 1 : i32
      %while3A_149 = scf.for %while3A_150 = %while3A_145 to %while3A_141 step %while3A_148 iter_args(%while3A_151 = %while3A_147) -> (i32)  : i32 {
        %dma_wait3A_152 = arith.constant 0 : i32
        %dma_wait3A_153 = tpu.memref_slice %arg8[%dma_wait3A_152] : memref<4144xi32, #tpu.memory_space<vmem>> -> memref<4112xi32, #tpu.memory_space<vmem>>
        %dma_wait3A_154 = arith.constant 0 : i32
        %dma_wait3A_155 = tpu.memref_slice %arg2[%dma_wait3A_154] : memref<9633792xi32, #tpu.memory_space<hbm>> -> memref<4112xi32, #tpu.memory_space<hbm>>
        %dma_wait3A_156 = arith.constant 0 : i32
        %dma_wait3A_157 = tpu.memref_slice %arg8[%dma_wait3A_156] : memref<4144xi32, #tpu.memory_space<vmem>> -> memref<4112xi32, #tpu.memory_space<vmem>>
        %dma_wait3A_158 = arith.constant 0 : i32
        %dma_wait3A_159 = tpu.memref_slice %arg2[%dma_wait3A_158] : memref<9633792xi32, #tpu.memory_space<hbm>> -> memref<4112xi32, #tpu.memory_space<hbm>>
        tpu.wait_dma2 semaphore(%arg13 : memref<!tpu.dma_semaphore, #tpu.memory_space<semaphore_mem>>) src(%dma_wait3A_159 : memref<4112xi32, #tpu.memory_space<hbm>>) dst(%dma_wait3A_157 : memref<4112xi32, #tpu.memory_space<vmem>>)
        %dma_wait3A_160 = arith.constant 0 : i32
        %dma_wait3A_161 = tpu.memref_slice %arg10[%dma_wait3A_160] : memref<4128xf32, #tpu.memory_space<vmem>> -> memref<4112xf32, #tpu.memory_space<vmem>>
        %dma_wait3A_162 = arith.constant 0 : i32
        %dma_wait3A_163 = tpu.memref_slice %arg3[%dma_wait3A_162] : memref<9633792xf32, #tpu.memory_space<hbm>> -> memref<4112xf32, #tpu.memory_space<hbm>>
        %dma_wait3A_164 = arith.constant 0 : i32
        %dma_wait3A_165 = tpu.memref_slice %arg10[%dma_wait3A_164] : memref<4128xf32, #tpu.memory_space<vmem>> -> memref<4112xf32, #tpu.memory_space<vmem>>
        %dma_wait3A_166 = arith.constant 0 : i32
        %dma_wait3A_167 = tpu.memref_slice %arg3[%dma_wait3A_166] : memref<9633792xf32, #tpu.memory_space<hbm>> -> memref<4112xf32, #tpu.memory_space<hbm>>
        tpu.wait_dma2 semaphore(%arg15 : memref<!tpu.dma_semaphore, #tpu.memory_space<semaphore_mem>>) src(%dma_wait3A_167 : memref<4112xf32, #tpu.memory_space<hbm>>) dst(%dma_wait3A_165 : memref<4112xf32, #tpu.memory_space<vmem>>)
        %mul3A_168 = arith.constant 2 : i32
        %mul3A_169 = arith.muli %mul3A_168, %while3A_150 : i32
        %add3A_170 = arith.constant 1 : i32
        %add3A_171 = arith.addi %mul3A_169, %add3A_170 : i32
        %lt3A = arith.cmpi slt, %add3A_171, %select_n3A_72 : i32
        %convert_element_type3A_172 = arith.extui %lt3A : i1 to i32
        %cond3A_173 = arith.constant 0 : i32
        %cond3A_174 = arith.cmpi ne, %convert_element_type3A_172, %cond3A_173 : i32
        scf.if %cond3A_174 {
          %mul3A_203 = arith.constant 2 : i32
          %mul3A_204 = arith.muli %mul3A_203, %while3A_150 : i32
          %add3A_205 = arith.constant 1 : i32
          %add3A_206 = arith.addi %mul3A_204, %add3A_205 : i32
          %mul3A_207 = arith.constant 4096 : i32
          %mul3A_208 = arith.muli %add3A_206, %mul3A_207 : i32
          %add3A_209 = arith.addi %mul3A_45, %mul3A_208 : i32
          %min3A_210 = arith.constant 9629680 : i32
          %min3A_211 = arith.minsi %add3A_209, %min3A_210 : i32
          %dma_start3A_212 = arith.constant 0 : i32
          %dma_start3A_213 = tpu.memref_slice %arg9[%dma_start3A_212] : memref<4144xi32, #tpu.memory_space<vmem>> -> memref<4112xi32, #tpu.memory_space<vmem>>
          %dma_start3A_214 = tpu.memref_slice %arg2[%min3A_211] : memref<9633792xi32, #tpu.memory_space<hbm>> -> memref<4112xi32, #tpu.memory_space<hbm>>
          %dma_start3A_215 = arith.constant 0 : i32
          %dma_start3A_216 = tpu.memref_slice %arg9[%dma_start3A_215] : memref<4144xi32, #tpu.memory_space<vmem>> -> memref<4112xi32, #tpu.memory_space<vmem>>
          %dma_start3A_217 = tpu.memref_slice %arg2[%min3A_211] : memref<9633792xi32, #tpu.memory_space<hbm>> -> memref<4112xi32, #tpu.memory_space<hbm>>
          tpu.enqueue_dma source(%dma_start3A_217 : memref<4112xi32, #tpu.memory_space<hbm>>) target(%dma_start3A_216 : memref<4112xi32, #tpu.memory_space<vmem>>) target_semaphore(%arg14 : memref<!tpu.dma_semaphore, #tpu.memory_space<semaphore_mem>>)
          %dma_start3A_218 = arith.constant 0 : i32
          %dma_start3A_219 = tpu.memref_slice %arg11[%dma_start3A_218] : memref<4128xf32, #tpu.memory_space<vmem>> -> memref<4112xf32, #tpu.memory_space<vmem>>
          %dma_start3A_220 = tpu.memref_slice %arg3[%min3A_211] : memref<9633792xf32, #tpu.memory_space<hbm>> -> memref<4112xf32, #tpu.memory_space<hbm>>
          %dma_start3A_221 = arith.constant 0 : i32
          %dma_start3A_222 = tpu.memref_slice %arg11[%dma_start3A_221] : memref<4128xf32, #tpu.memory_space<vmem>> -> memref<4112xf32, #tpu.memory_space<vmem>>
          %dma_start3A_223 = tpu.memref_slice %arg3[%min3A_211] : memref<9633792xf32, #tpu.memory_space<hbm>> -> memref<4112xf32, #tpu.memory_space<hbm>>
          tpu.enqueue_dma source(%dma_start3A_223 : memref<4112xf32, #tpu.memory_space<hbm>>) target(%dma_start3A_222 : memref<4112xf32, #tpu.memory_space<vmem>>) target_semaphore(%arg16 : memref<!tpu.dma_semaphore, #tpu.memory_space<semaphore_mem>>)
        } else {
        }
        %mul3A_175 = arith.constant 2 : i32
        %mul3A_176 = arith.muli %mul3A_175, %while3A_150 : i32
        %mul3A_177 = arith.constant 4096 : i32
        %mul3A_178 = arith.muli %mul3A_176, %mul3A_177 : i32
        %add3A_179 = arith.addi %mul3A_45, %mul3A_178 : i32
        %min3A_180 = arith.constant 9629680 : i32
        %min3A_181 = arith.minsi %add3A_179, %min3A_180 : i32
        %sub3A_182 = arith.subi %add3A_179, %min3A_181 : i32
        %parallel_loop3A_183 = arith.constant 0 : i32
        %parallel_loop3A_184 = arith.constant 256 : i32
        %parallel_loop3A_185 = arith.constant 1 : i32
        scf.for %parallel_loop3A_203 = %parallel_loop3A_183 to %parallel_loop3A_184 step %parallel_loop3A_185  : i32 {
          %parallel_loop3A_204 = arith.constant 16 : i32
          %parallel_loop3A_205 = arith.muli %parallel_loop3A_203, %parallel_loop3A_204 : i32
          %parallel_loop3A_206 = arith.addi %parallel_loop3A_205, %sub3A_182 : i32
          %parallel_loop3A_207 = arith.constant 4112 : i32
          %parallel_loop3A_208 = arith.minsi %parallel_loop3A_206, %parallel_loop3A_207 : i32
          %parallel_loop3A_209 = arith.index_cast %parallel_loop3A_208 : i32 to index
          %parallel_loop3A_210 = tpu.vector_load %arg8[%parallel_loop3A_209] {strides = array<i32>} : memref<4144xi32, #tpu.memory_space<vmem>>, vector<16xi32>,
          %parallel_loop3A_211 = arith.constant 1 : i32
          %parallel_loop3A_212 = arith.addi %parallel_loop3A_208, %parallel_loop3A_211 : i32
          %parallel_loop3A_213 = arith.index_cast %parallel_loop3A_212 : i32 to index
          %parallel_loop3A_214 = tpu.vector_load %arg8[%parallel_loop3A_213] {strides = array<i32>} : memref<4144xi32, #tpu.memory_space<vmem>>, vector<16xi32>,
          %parallel_loop3A_215 = arith.index_cast %parallel_loop3A_208 : i32 to index
          %parallel_loop3A_216 = tpu.vector_load %arg10[%parallel_loop3A_215] {strides = array<i32>} : memref<4128xf32, #tpu.memory_space<vmem>>, vector<16xf32>,
          %parallel_loop3A_217 = vector.broadcast %add3A_22 : i32 to vector<16xi32>
          %parallel_loop3A_218 = arith.subi %parallel_loop3A_210, %parallel_loop3A_217 : vector<16xi32>
          %parallel_loop3A_219 = arith.constant 16 : i32
          %parallel_loop3A_220 = arith.muli %parallel_loop3A_203, %parallel_loop3A_219 : i32
          %parallel_loop3A_221 = arith.addi %add3A_179, %parallel_loop3A_220 : i32
          %parallel_loop3A_222 = vector.broadcast %parallel_loop3A_221 : i32 to vector<16xi32>
          %parallel_loop3A_223 = arith.addi %parallel_loop3A_222, %iota3A : vector<16xi32>
          %parallel_loop3A_224 = arith.cmpi ne, %parallel_loop3A_210, %parallel_loop3A_214 : vector<16xi32>
          %parallel_loop3A_225 = arith.constant 9633791 : i32
          %parallel_loop3A_226 = vector.broadcast %parallel_loop3A_225 : i32 to vector<16xi32>
          %parallel_loop3A_227 = arith.cmpi eq, %parallel_loop3A_223, %parallel_loop3A_226 : vector<16xi32>
          %parallel_loop3A_228 = arith.ori %parallel_loop3A_224, %parallel_loop3A_227 : vector<16xi1>
          %parallel_loop3A_229 = arith.constant 0 : i32
          %parallel_loop3A_230 = vector.broadcast %parallel_loop3A_229 : i32 to vector<16xi32>
          %parallel_loop3A_231 = arith.cmpi sge, %parallel_loop3A_218, %parallel_loop3A_230 : vector<16xi32>
          %parallel_loop3A_232 = arith.andi %parallel_loop3A_228, %parallel_loop3A_231 : vector<16xi1>
          %parallel_loop3A_233 = arith.constant 24576 : i32
          %parallel_loop3A_234 = vector.broadcast %parallel_loop3A_233 : i32 to vector<16xi32>
          %parallel_loop3A_235 = arith.cmpi slt, %parallel_loop3A_218, %parallel_loop3A_234 : vector<16xi32>
          %parallel_loop3A_236 = arith.andi %parallel_loop3A_232, %parallel_loop3A_235 : vector<16xi1>
          %parallel_loop3A_237 = vector.broadcast %squeeze3A_27 : i32 to vector<16xi32>
          %parallel_loop3A_238 = arith.cmpi slt, %parallel_loop3A_223, %parallel_loop3A_237 : vector<16xi32>
          %parallel_loop3A_239 = arith.andi %parallel_loop3A_236, %parallel_loop3A_238 : vector<16xi1>
          tpu.vector_store_idx %arg6[%parallel_loop3A_218], %parallel_loop3A_216 masked %parallel_loop3A_239 : memref<32768xf32, #tpu.memory_space<vmem>>[vector<16xi32>], vector<16xf32>, vector<16xi1>
        } {sc.loop_unroll_factor = 4 : i64, sc.parallel_access}
        %mul3A_186 = arith.constant 2 : i32
        %mul3A_187 = arith.muli %mul3A_186, %while3A_150 : i32
        %add3A_188 = arith.constant 2 : i32
        %add3A_189 = arith.addi %mul3A_187, %add3A_188 : i32
        %lt3A_190 = arith.cmpi slt, %add3A_189, %select_n3A_72 : i32
        %convert_element_type3A_191 = arith.extui %lt3A_190 : i1 to i32
        %cond3A_192 = arith.constant 0 : i32
        %cond3A_193 = arith.cmpi ne, %convert_element_type3A_191, %cond3A_192 : i32
        scf.if %cond3A_193 {
          %mul3A_203 = arith.constant 2 : i32
          %mul3A_204 = arith.muli %mul3A_203, %while3A_150 : i32
          %add3A_205 = arith.constant 2 : i32
          %add3A_206 = arith.addi %mul3A_204, %add3A_205 : i32
          %mul3A_207 = arith.constant 4096 : i32
          %mul3A_208 = arith.muli %add3A_206, %mul3A_207 : i32
          %add3A_209 = arith.addi %mul3A_45, %mul3A_208 : i32
          %min3A_210 = arith.constant 9629680 : i32
          %min3A_211 = arith.minsi %add3A_209, %min3A_210 : i32
          %dma_start3A_212 = arith.constant 0 : i32
          %dma_start3A_213 = tpu.memref_slice %arg8[%dma_start3A_212] : memref<4144xi32, #tpu.memory_space<vmem>> -> memref<4112xi32, #tpu.memory_space<vmem>>
          %dma_start3A_214 = tpu.memref_slice %arg2[%min3A_211] : memref<9633792xi32, #tpu.memory_space<hbm>> -> memref<4112xi32, #tpu.memory_space<hbm>>
          %dma_start3A_215 = arith.constant 0 : i32
          %dma_start3A_216 = tpu.memref_slice %arg8[%dma_start3A_215] : memref<4144xi32, #tpu.memory_space<vmem>> -> memref<4112xi32, #tpu.memory_space<vmem>>
          %dma_start3A_217 = tpu.memref_slice %arg2[%min3A_211] : memref<9633792xi32, #tpu.memory_space<hbm>> -> memref<4112xi32, #tpu.memory_space<hbm>>
          tpu.enqueue_dma source(%dma_start3A_217 : memref<4112xi32, #tpu.memory_space<hbm>>) target(%dma_start3A_216 : memref<4112xi32, #tpu.memory_space<vmem>>) target_semaphore(%arg13 : memref<!tpu.dma_semaphore, #tpu.memory_space<semaphore_mem>>)
          %dma_start3A_218 = arith.constant 0 : i32
          %dma_start3A_219 = tpu.memref_slice %arg10[%dma_start3A_218] : memref<4128xf32, #tpu.memory_space<vmem>> -> memref<4112xf32, #tpu.memory_space<vmem>>
          %dma_start3A_220 = tpu.memref_slice %arg3[%min3A_211] : memref<9633792xf32, #tpu.memory_space<hbm>> -> memref<4112xf32, #tpu.memory_space<hbm>>
          %dma_start3A_221 = arith.constant 0 : i32
          %dma_start3A_222 = tpu.memref_slice %arg10[%dma_start3A_221] : memref<4128xf32, #tpu.memory_space<vmem>> -> memref<4112xf32, #tpu.memory_space<vmem>>
          %dma_start3A_223 = tpu.memref_slice %arg3[%min3A_211] : memref<9633792xf32, #tpu.memory_space<hbm>> -> memref<4112xf32, #tpu.memory_space<hbm>>
          tpu.enqueue_dma source(%dma_start3A_223 : memref<4112xf32, #tpu.memory_space<hbm>>) target(%dma_start3A_222 : memref<4112xf32, #tpu.memory_space<vmem>>) target_semaphore(%arg15 : memref<!tpu.dma_semaphore, #tpu.memory_space<semaphore_mem>>)
        } else {
        }
        %mul3A_194 = arith.constant 2 : i32
        %mul3A_195 = arith.muli %mul3A_194, %while3A_150 : i32
        %add3A_196 = arith.constant 1 : i32
        %add3A_197 = arith.addi %mul3A_195, %add3A_196 : i32
        %lt3A_198 = arith.cmpi slt, %add3A_197, %select_n3A_72 : i32
        %convert_element_type3A_199 = arith.extui %lt3A_198 : i1 to i32
        %cond3A_200 = arith.constant 0 : i32
        %cond3A_201 = arith.cmpi ne, %convert_element_type3A_199, %cond3A_200 : i32
        scf.if %cond3A_201 {
          %dma_wait3A_203 = arith.constant 0 : i32
          %dma_wait3A_204 = tpu.memref_slice %arg9[%dma_wait3A_203] : memref<4144xi32, #tpu.memory_space<vmem>> -> memref<4112xi32, #tpu.memory_space<vmem>>
          %dma_wait3A_205 = arith.constant 0 : i32
          %dma_wait3A_206 = tpu.memref_slice %arg2[%dma_wait3A_205] : memref<9633792xi32, #tpu.memory_space<hbm>> -> memref<4112xi32, #tpu.memory_space<hbm>>
          %dma_wait3A_207 = arith.constant 0 : i32
          %dma_wait3A_208 = tpu.memref_slice %arg9[%dma_wait3A_207] : memref<4144xi32, #tpu.memory_space<vmem>> -> memref<4112xi32, #tpu.memory_space<vmem>>
          %dma_wait3A_209 = arith.constant 0 : i32
          %dma_wait3A_210 = tpu.memref_slice %arg2[%dma_wait3A_209] : memref<9633792xi32, #tpu.memory_space<hbm>> -> memref<4112xi32, #tpu.memory_space<hbm>>
          tpu.wait_dma2 semaphore(%arg14 : memref<!tpu.dma_semaphore, #tpu.memory_space<semaphore_mem>>) src(%dma_wait3A_210 : memref<4112xi32, #tpu.memory_space<hbm>>) dst(%dma_wait3A_208 : memref<4112xi32, #tpu.memory_space<vmem>>)
          %dma_wait3A_211 = arith.constant 0 : i32
          %dma_wait3A_212 = tpu.memref_slice %arg11[%dma_wait3A_211] : memref<4128xf32, #tpu.memory_space<vmem>> -> memref<4112xf32, #tpu.memory_space<vmem>>
          %dma_wait3A_213 = arith.constant 0 : i32
          %dma_wait3A_214 = tpu.memref_slice %arg3[%dma_wait3A_213] : memref<9633792xf32, #tpu.memory_space<hbm>> -> memref<4112xf32, #tpu.memory_space<hbm>>
          %dma_wait3A_215 = arith.constant 0 : i32
          %dma_wait3A_216 = tpu.memref_slice %arg11[%dma_wait3A_215] : memref<4128xf32, #tpu.memory_space<vmem>> -> memref<4112xf32, #tpu.memory_space<vmem>>
          %dma_wait3A_217 = arith.constant 0 : i32
          %dma_wait3A_218 = tpu.memref_slice %arg3[%dma_wait3A_217] : memref<9633792xf32, #tpu.memory_space<hbm>> -> memref<4112xf32, #tpu.memory_space<hbm>>
          tpu.wait_dma2 semaphore(%arg16 : memref<!tpu.dma_semaphore, #tpu.memory_space<semaphore_mem>>) src(%dma_wait3A_218 : memref<4112xf32, #tpu.memory_space<hbm>>) dst(%dma_wait3A_216 : memref<4112xf32, #tpu.memory_space<vmem>>)
          %mul3A_219 = arith.constant 2 : i32
          %mul3A_220 = arith.muli %mul3A_219, %while3A_150 : i32
          %add3A_221 = arith.constant 1 : i32
          %add3A_222 = arith.addi %mul3A_220, %add3A_221 : i32
          %mul3A_223 = arith.constant 4096 : i32
          %mul3A_224 = arith.muli %add3A_222, %mul3A_223 : i32
          %add3A_225 = arith.addi %mul3A_45, %mul3A_224 : i32
          %min3A_226 = arith.constant 9629680 : i32
          %min3A_227 = arith.minsi %add3A_225, %min3A_226 : i32
          %sub3A_228 = arith.subi %add3A_225, %min3A_227 : i32
          %parallel_loop3A_229 = arith.constant 0 : i32
          %parallel_loop3A_230 = arith.constant 256 : i32
          %parallel_loop3A_231 = arith.constant 1 : i32
          scf.for %parallel_loop3A_232 = %parallel_loop3A_229 to %parallel_loop3A_230 step %parallel_loop3A_231  : i32 {
            %parallel_loop3A_233 = arith.constant 16 : i32
            %parallel_loop3A_234 = arith.muli %parallel_loop3A_232, %parallel_loop3A_233 : i32
            %parallel_loop3A_235 = arith.addi %parallel_loop3A_234, %sub3A_228 : i32
            %parallel_loop3A_236 = arith.constant 4112 : i32
            %parallel_loop3A_237 = arith.minsi %parallel_loop3A_235, %parallel_loop3A_236 : i32
            %parallel_loop3A_238 = arith.index_cast %parallel_loop3A_237 : i32 to index
            %parallel_loop3A_239 = tpu.vector_load %arg9[%parallel_loop3A_238] {strides = array<i32>} : memref<4144xi32, #tpu.memory_space<vmem>>, vector<16xi32>,
            %parallel_loop3A_240 = arith.constant 1 : i32
            %parallel_loop3A_241 = arith.addi %parallel_loop3A_237, %parallel_loop3A_240 : i32
            %parallel_loop3A_242 = arith.index_cast %parallel_loop3A_241 : i32 to index
            %parallel_loop3A_243 = tpu.vector_load %arg9[%parallel_loop3A_242] {strides = array<i32>} : memref<4144xi32, #tpu.memory_space<vmem>>, vector<16xi32>,
            %parallel_loop3A_244 = arith.index_cast %parallel_loop3A_237 : i32 to index
            %parallel_loop3A_245 = tpu.vector_load %arg11[%parallel_loop3A_244] {strides = array<i32>} : memref<4128xf32, #tpu.memory_space<vmem>>, vector<16xf32>,
            %parallel_loop3A_246 = vector.broadcast %add3A_22 : i32 to vector<16xi32>
            %parallel_loop3A_247 = arith.subi %parallel_loop3A_239, %parallel_loop3A_246 : vector<16xi32>
            %parallel_loop3A_248 = arith.constant 16 : i32
            %parallel_loop3A_249 = arith.muli %parallel_loop3A_232, %parallel_loop3A_248 : i32
            %parallel_loop3A_250 = arith.addi %add3A_225, %parallel_loop3A_249 : i32
            %parallel_loop3A_251 = vector.broadcast %parallel_loop3A_250 : i32 to vector<16xi32>
            %parallel_loop3A_252 = arith.addi %parallel_loop3A_251, %iota3A : vector<16xi32>
            %parallel_loop3A_253 = arith.cmpi ne, %parallel_loop3A_239, %parallel_loop3A_243 : vector<16xi32>
            %parallel_loop3A_254 = arith.constant 9633791 : i32
            %parallel_loop3A_255 = vector.broadcast %parallel_loop3A_254 : i32 to vector<16xi32>
            %parallel_loop3A_256 = arith.cmpi eq, %parallel_loop3A_252, %parallel_loop3A_255 : vector<16xi32>
            %parallel_loop3A_257 = arith.ori %parallel_loop3A_253, %parallel_loop3A_256 : vector<16xi1>
            %parallel_loop3A_258 = arith.constant 0 : i32
            %parallel_loop3A_259 = vector.broadcast %parallel_loop3A_258 : i32 to vector<16xi32>
            %parallel_loop3A_260 = arith.cmpi sge, %parallel_loop3A_247, %parallel_loop3A_259 : vector<16xi32>
            %parallel_loop3A_261 = arith.andi %parallel_loop3A_257, %parallel_loop3A_260 : vector<16xi1>
            %parallel_loop3A_262 = arith.constant 24576 : i32
            %parallel_loop3A_263 = vector.broadcast %parallel_loop3A_262 : i32 to vector<16xi32>
            %parallel_loop3A_264 = arith.cmpi slt, %parallel_loop3A_247, %parallel_loop3A_263 : vector<16xi32>
            %parallel_loop3A_265 = arith.andi %parallel_loop3A_261, %parallel_loop3A_264 : vector<16xi1>
            %parallel_loop3A_266 = vector.broadcast %squeeze3A_27 : i32 to vector<16xi32>
            %parallel_loop3A_267 = arith.cmpi slt, %parallel_loop3A_252, %parallel_loop3A_266 : vector<16xi32>
            %parallel_loop3A_268 = arith.andi %parallel_loop3A_265, %parallel_loop3A_267 : vector<16xi1>
            tpu.vector_store_idx %arg6[%parallel_loop3A_247], %parallel_loop3A_245 masked %parallel_loop3A_268 : memref<32768xf32, #tpu.memory_space<vmem>>[vector<16xi32>], vector<16xf32>, vector<16xi1>
          } {sc.loop_unroll_factor = 4 : i64, sc.parallel_access}
        } else {
        }
        %while3A_202 = arith.constant 0 : i32
        scf.yield %while3A_202 : i32
      }
    } else {
    }
    %mul3A_75 = arith.constant 1204224 : i32
    %mul3A_76 = arith.muli %add3A, %mul3A_75 : i32
    %add3A_77 = arith.constant 1179648 : i32
    %add3A_78 = arith.addi %mul3A_76, %add3A_77 : i32
    %dma_start3A = arith.constant 0 : i32
    %dma_start3A_79 = tpu.memref_slice %arg6[%dma_start3A] : memref<32768xf32, #tpu.memory_space<vmem>> -> memref<24576xf32, #tpu.memory_space<vmem>>
    %dma_start3A_80 = tpu.memref_slice %arg5[%add3A_78] : memref<38535168xf32, #tpu.memory_space<hbm>> -> memref<24576xf32, #tpu.memory_space<hbm>>
    %dma_start3A_81 = tpu.memref_slice %arg5[%add3A_78] : memref<38535168xf32, #tpu.memory_space<hbm>> -> memref<24576xf32, #tpu.memory_space<hbm>>
    %dma_start3A_82 = arith.constant 0 : i32
    %dma_start3A_83 = tpu.memref_slice %arg6[%dma_start3A_82] : memref<32768xf32, #tpu.memory_space<vmem>> -> memref<24576xf32, #tpu.memory_space<vmem>>
    tpu.enqueue_dma source(%dma_start3A_83 : memref<24576xf32, #tpu.memory_space<vmem>>) target(%dma_start3A_81 : memref<24576xf32, #tpu.memory_space<hbm>>) target_semaphore(%arg17 : memref<!tpu.dma_semaphore, #tpu.memory_space<semaphore_mem>>)
    %dma_wait3A_84 = arith.constant 0 : i32
    %dma_wait3A_85 = tpu.memref_slice %arg6[%dma_wait3A_84] : memref<32768xf32, #tpu.memory_space<vmem>> -> memref<24576xf32, #tpu.memory_space<vmem>>
    %dma_wait3A_86 = arith.constant 0 : i32
    %dma_wait3A_87 = tpu.memref_slice %arg5[%dma_wait3A_86] : memref<38535168xf32, #tpu.memory_space<hbm>> -> memref<24576xf32, #tpu.memory_space<hbm>>
    %dma_wait3A_88 = arith.constant 0 : i32
    %dma_wait3A_89 = tpu.memref_slice %arg5[%dma_wait3A_88] : memref<38535168xf32, #tpu.memory_space<hbm>> -> memref<24576xf32, #tpu.memory_space<hbm>>
    %dma_wait3A_90 = arith.constant 0 : i32
    %dma_wait3A_91 = tpu.memref_slice %arg6[%dma_wait3A_90] : memref<32768xf32, #tpu.memory_space<vmem>> -> memref<24576xf32, #tpu.memory_space<vmem>>
    tpu.wait_dma2 semaphore(%arg17 : memref<!tpu.dma_semaphore, #tpu.memory_space<semaphore_mem>>) src(%dma_wait3A_91 : memref<24576xf32, #tpu.memory_space<vmem>>) dst(%dma_wait3A_89 : memref<24576xf32, #tpu.memory_space<hbm>>)
    %dma_wait3A_92 = arith.constant 0 : i32
    %dma_wait3A_93 = tpu.memref_slice %arg7[%dma_wait3A_92] : memref<32768xf32, #tpu.memory_space<vmem>> -> memref<32768xf32, #tpu.memory_space<vmem>>
    %dma_wait3A_94 = arith.constant 0 : i32
    %dma_wait3A_95 = tpu.memref_slice %arg5[%dma_wait3A_94] : memref<38535168xf32, #tpu.memory_space<hbm>> -> memref<32768xf32, #tpu.memory_space<hbm>>
    %dma_wait3A_96 = arith.constant 0 : i32
    %dma_wait3A_97 = tpu.memref_slice %arg5[%dma_wait3A_96] : memref<38535168xf32, #tpu.memory_space<hbm>> -> memref<32768xf32, #tpu.memory_space<hbm>>
    %dma_wait3A_98 = arith.constant 0 : i32
    %dma_wait3A_99 = tpu.memref_slice %arg7[%dma_wait3A_98] : memref<32768xf32, #tpu.memory_space<vmem>> -> memref<32768xf32, #tpu.memory_space<vmem>>
    tpu.wait_dma2 semaphore(%arg18 : memref<!tpu.dma_semaphore, #tpu.memory_space<semaphore_mem>>) src(%dma_wait3A_99 : memref<32768xf32, #tpu.memory_space<vmem>>) dst(%dma_wait3A_97 : memref<32768xf32, #tpu.memory_space<hbm>>)
    return
  }
}

</mosaic_0001>

<sc_bundles>
// kernel: kernel.3.cloned.1.call-start
scs
__scs_entry_jumppad:
0x0: {  	(pc) =	sbr.rel $0x88, $3  }
0x1: {  	(tag) =	ssettag $0x0;
	lr =	simm.s32 $0x1  }
0x2: {  	[smem:$0x3F9F] =	sst lr;
	_ =	strace $0xD0000000  }
0x3: {  	_ = 	snop  }
0x4: {  	_ = 	snop  }
0x5: {  	_ = 	snop  }
0x6: {  	_ = 	snop  }
0x7: {  	_ = 	snop  }
__scs_overlays_trampoline_lowered:
0x8: {  	[smem:$0x3FAE] =	sst s0  }
0x9: {  	[smem:$0x3FAF] =	sst s1  }
0xa: {  	[smem:$0x3FB0] =	sst s2  }
0xb: {  	[smem:$0x3FB1] =	sst s3  }
0xc: {  	[smem:$0x3FB2] =	sst s4  }
0xd: {  	[smem:$0x3FB3] =	sst s5  }
0xe: {  	[smem:$0x3FB4] =	sst s6  }
0xf: {  	[smem:$0x3FB5] =	sst s7  }
0x10: {  	[smem:$0x3FB6] =	sst s8  }
0x11: {  	[smem:$0x3FB7] =	sst s9;
	s0 =	simm.s32 @!p0 $0x0  }
0x12: {  	s1 =	sld [smem:$0x3F9D];
	s0 =	simm.s32 @p0 $0x1  }
0x13: {  	[smem:$0x3FB8] =	sst s0;
	s0 =	simm.s32 @!p1 $0x0  }
0x14: {  	s2 =	sld [smem:$0x3F9C];
	s0 =	simm.s32 @p1 $0x1  }
0x15: {  	[smem:$0x3FB9] =	sst s0;
	s0 =	simm.s32 @!p2 $0x0  }
0x16: {  	s3 =	sld [smem:$0x3FDB];
	s0 =	simm.s32 @p2 $0x1  }
0x17: {  	s4 =	simm.s32 $0x1BF5;
	[smem:$0x3FBB] =	sst s0  }
0x18: {  	s0 =	sld [smem:$0x3F9E];
	_ =	swait.ge [sflag:s4], $0x0  }
0x19: {  	s7 =	sld [smem:$0x3F9F]  }
0x1a: {  	s8 =	sadd.s32 $0xFFFFE003, lr  }
0x1b: {  	s9 =	sadd.s32 $0xFFFFFEF7, lr;
	s5 =	simm.s32 $0xFFFFFFFF;
	p2 =	slt.u32 s8, $0xFFFFF086  }
0x1c: {  	p1 =	slt.u32 s9, $0xF7A;
	s5 =	simm.s32 @!p2 $0x0  }
0x1d: {  	s5 =	simm.s32 @p1 $0x1;
	p0 =	seq.s32 s7, s2  }
0x1e: {  	s7 =	smul.u32 @!p0 $0xF7A, s2;
	p2 =	seq.s32 @!p0 s5, $0x0  }
0x1f: {  	s9 =	smul.u32 $0xF7A, s1;
	s8 =	simm.s32 @!p0 $0x1BF5;
	p2 =	por !p2, p0  }
0x20: {  	[sflag:s8] =	ssyncset.s32 @!p0 $0xFFFFF086;
	s6 =	sadd.s32 @!p0 s3, s7;
	s7 =	simm.s32 @!p0 $0x108  }
0x21: {  	s3 =	sadd.s32 s3, s9;
	s6 =	sadd.s32 @!p0 $0x88, s6;
	s7 =	simm.s32 @p2 $0x1082  }
0x22: {  	[simem:s7], [sflag:s8] =	dma.local @!p0 [hbm:s6], $0xF7A  }
0x23: {  	s9 =	sor.u32 $0xD0000000, s2;
	s6 =	simm.s32 $0x108;
	_ =	swait.ge @!p0 [sflag:s8], $0x0  }
0x24: {  	s3 =	sadd.s32 $0x88, s3;
	s6 =	simm.s32 @!p1 $0x1082;
	[sflag:s4] =	ssyncset.s32 $0xFFFFF086  }
0x25: {  	[simem:s6], [sflag:s4] =	dma.local [hbm:s3], $0xF7A  }
0x26: {  	[smem:$0x3F9F] =	sst s1;
	(tag) =	ssettag s2;
	_ =	strace s9  }
0x27: {  	s1 =	sld [smem:$0x3FAF]  }
0x28: {  	s2 =	sld [smem:$0x3FB0]  }
0x29: {  	s4 =	sld [smem:$0x3FB2]  }
0x2a: {  	p0 =	seq.s32 s5, $0x0;
	s5 =	sld [smem:$0x3FB3]  }
0x2b: {  	s6 =	sld [smem:$0x3FB4]  }
0x2c: {  	s7 =	sld [smem:$0x3FB5]  }
0x2d: {  	s3 =	simm.s32 $0x108;
	s8 =	sld [smem:$0x3FB6]  }
0x2e: {  	s3 =	simm.s32 @!p0 $0x1082;
	s9 =	sld [smem:$0x3FB7]  }
0x2f: {  	lr =	sadd.s32 s0, s3;
	s0 =	sld [smem:$0x3FAE]  }
0x30: {  	s3 =	sld [smem:$0x3FB1]  }
0x31: {  	[smem:$0x3FBA] =	sst s10  }
0x32: {  	s10 =	sld [smem:$0x3FB8];
	_ =	sdelay $0x3  }
0x33: {  	p0 =	seq.s32 s10, $0x1;
	s10 =	sld [smem:$0x3FBA];
	_ =	sdelay $0x3  }
0x34: {  	[smem:$0x3FBA] =	sst s10  }
0x35: {  	s10 =	sld [smem:$0x3FB9];
	_ =	sdelay $0x3  }
0x36: {  	p1 =	seq.s32 s10, $0x1;
	s10 =	sld [smem:$0x3FBA];
	_ =	sdelay $0x3  }
0x37: {  	[smem:$0x3FBA] =	sst s10  }
0x38: {  	s10 =	sld [smem:$0x3FBB]  }
0x39: {  	_ = 	snop;
	(pc) =	sbr.ind lr, $3  }
0x3a: {  	_ = 	snop  }
0x3b: {  	_ = 	snop  }
0x3c: {  	p2 =	seq.s32 s10, $0x1;
	s10 =	sld [smem:$0x3FBA]  }
0x3d: {  	_ =	shalt  }
0x3e: {  	_ =	shalt  }
0x3f: {  	_ =	shalt  }
0x40: {  	_ =	shalt  }
0x41: {  	_ =	shalt  }
0x42: {  	_ =	shalt  }
0x43: {  	_ =	shalt  }
0x44: {  	_ =	shalt  }
0x45: {  	_ =	shalt  }
0x46: {  	_ =	shalt  }
0x47: {  	_ =	shalt  }
0x48: {  	_ =	shalt  }
0x49: {  	_ =	shalt  }
0x4a: {  	_ =	shalt  }
0x4b: {  	_ =	shalt  }
0x4c: {  	_ =	shalt  }
0x4d: {  	_ =	shalt  }
0x4e: {  	_ =	shalt  }
0x4f: {  	_ =	shalt  }
0x50: {  	_ =	shalt  }
0x51: {  	_ =	shalt  }
0x52: {  	_ =	shalt  }
0x53: {  	_ =	shalt  }
0x54: {  	_ =	shalt  }
0x55: {  	_ =	shalt  }
0x56: {  	_ =	shalt  }
0x57: {  	_ =	shalt  }
0x58: {  	_ =	shalt  }
0x59: {  	_ =	shalt  }
0x5a: {  	_ =	shalt  }
0x5b: {  	_ =	shalt  }
0x5c: {  	_ =	shalt  }
0x5d: {  	_ =	shalt  }
0x5e: {  	_ =	shalt  }
0x5f: {  	_ =	shalt  }
0x60: {  	_ =	shalt  }
0x61: {  	_ =	shalt  }
0x62: {  	_ =	shalt  }
0x63: {  	_ =	shalt  }
0x64: {  	_ =	shalt  }
0x65: {  	_ =	shalt  }
0x66: {  	_ =	shalt  }
0x67: {  	_ =	shalt  }
0x68: {  	_ =	shalt  }
0x69: {  	_ =	shalt  }
0x6a: {  	_ =	shalt  }
0x6b: {  	_ =	shalt  }
0x6c: {  	_ =	shalt  }
0x6d: {  	_ =	shalt  }
0x6e: {  	_ =	shalt  }
0x6f: {  	_ =	shalt  }
0x70: {  	_ =	shalt  }
0x71: {  	_ =	shalt  }
0x72: {  	_ =	shalt  }
0x73: {  	_ =	shalt  }
0x74: {  	_ =	shalt  }
0x75: {  	_ =	shalt  }
0x76: {  	_ =	shalt  }
0x77: {  	_ =	shalt  }
0x78: {  	_ =	shalt  }
0x79: {  	_ =	shalt  }
0x7a: {  	_ =	shalt  }
0x7b: {  	_ =	shalt  }
0x7c: {  	_ =	shalt  }
0x7d: {  	_ =	shalt  }
0x7e: {  	_ =	shalt  }
0x7f: {  	_ =	shalt  }
0x80: {  	_ =	shalt  }
0x81: {  	_ =	shalt  }
0x82: {  	_ =	shalt  }
0x83: {  	_ =	shalt  }
0x84: {  	_ =	shalt  }
0x85: {  	_ =	shalt  }
0x86: {  	_ =	shalt  }
0x87: {  	_ =	shalt  }
.Lfunc_end0:
.L_simem_size_0:
called_computation.1_lowered:
.L_overlay_start_0:
0x88: {  	s2 =	sld [smem:$0x3FD9]  }
0x89: {  	s3 =	sld [smem:$0x3FFE];
	_ =	sdelay $0x1  }
0x8a: {  	s1 =	srdreg.scid  }
0x8b: {  	s0 =	sand.u32 $0x1, s1  }
0x8c: {  	s17 =	sshll.u32 s0, $0xA;
	s2 =	sadd.s32 s3, s2  }
0x8d: {  	s2 =	sadd.s32 s2, s17  }
0x8e: {  	[smem:$0x3FC6] =	sst s2  }
0x8f: {  	_ = 	snop  }
0x90: {  	s2 =	sld [smem:$0x3FD0];
	(tm) =	ssettm $0x1  }
0x91: {  	s18 =	sld [smem:$0x3FFB];
	_ =	sdelay $0x3  }
0x92: {  	_ =	strace s18  }
0x93: {  	s3 =	sld [smem:$0x3FFC];
	_ =	sdelay $0x3  }
0x94: {  	_ =	strace s3  }
0x95: {  	s3 =	sld [smem:$0x3FFD];
	_ =	sdelay $0x3  }
0x96: {  	_ =	strace s3  }
0x97: {  	_ =	strace $0x8FFFFFFF  }
0x98: {  	s19 =	sld [smem:$0x3FDB];
	_ =	sdelay $0x1  }
0x99: {  	s4 =	simm.s32 $_scs_section_size  }
0x9a: {  	s5 =	simm.s32 $_size__tile_overlayer_lowered;
	s6 =	simm.s32 $_tile_overlayer_lowered  }
0x9b: {  	s22 =	simm.s32 $0x1BFF;
	s21 =	sshll.u32 s6, $0x1;
	s3 =	sadd.s32 s4, s19  }
0x9c: {  	s7 =	simm.s32 $0x0;
	s20 =	sshll.u32 s5, $0x1;
	s5 =	sadd.s32 s21, s3  }
0x9d: {  	[timem:s7], [sflag:s22] =	dma.local [hbm:s5], s20  }
0x9e: {  	_ =	swait.ge [sflag:s22], s20  }
0x9f: {  	s4 =	ssub.s32 $0x0, s20;
	[sflag:s22] =	ssyncset.done $0x0  }
0xa0: {  	[sflag:s22] =	ssyncadd.s32 s4;
	_ =	sdelay $0x1  }
0xa1: {  	s23 =	simm.s32 $0x1B8B  }
0xa2: {  	_ =	swait.ge [sflag:s23], $0x1  }
0xa3: {  	[sflag:s23] =	ssyncset.done $0x0  }
0xa4: {  	s25 =	simm.s32 $0x1B8E;
	s24 =	sld [smem:$0x3FFE];
	[sflag:s23] =	ssyncadd.s32 $0xFFFFFFFF  }
0xa5: {  	s26 =	simm.s32 $execute0_lowered;
	[smem:$0x3FD2] =	sst s25  }
0xa6: {  	s5 =	sshll.u32 s26, $0x1;
	_ =	strace $0x80000046;
	[dreg:$0x1] =	wrdreg $0xFFFFFFFF  }
0xa7: {  	s28 =	simm.s32 $_size_execute0_lowered;
	s3 =	sadd.s32 s3, s5;
	[dreg:$0x0] =	wrdreg $0x0  }
0xa8: {  	s5 =	sshll.u32 s28, $0x1;
	[dreg:$0x2] =	wrdreg s3  }
0xa9: {  	[dreg:$0x3] =	wrdreg s5  }
0xaa: {  	[dreg:$0x4] =	wrdreg $0xC0  }
0xab: {  	_ =	task [dreg:s7], $0x5FFFF  }
0xac: {  	[dreg:$0x1] =	wrdreg $0xFFFFFFFF  }
0xad: {  	[dreg:$0x0] =	wrdreg $0x60  }
0xae: {  	[dreg:$0x2] =	wrdreg s24  }
0xaf: {  	[dreg:$0x3] =	wrdreg s2  }
0xb0: {  	[dreg:$0x4] =	wrdreg $0x9  }
0xb1: {  	_ =	task.clear_ibuf [dreg:s7], $0x5FFFF;
	_ =	strace $0x90000046  }
0xb2: {  	s29 =	simm.s32 $0x9;
	_ =	strace $0x80000048  }
0xb3: {  	_ =	swait.ge [sflag:s29], $0x1  }
0xb4: {  	[sflag:s29] =	ssyncadd.s32 $0xFFFFFFFF  }
0xb5: {  	_ =	strace $0x90000048  }
0xb6: {  	_ =	sfence  }
0xb7: {  	s30 =	sld [smem:$0x0];
	_ =	sdelay $0x2  }
0xb8: {  	s31 =	sshll.u32 s1, $0xD;
	s1 =	sshrl.u32 s1, $0x2  }
0xb9: {  	s3 =	sand.u32 $0x4000, s31;
	s1 =	sadd.s32 s1, s30  }
0xba: {  	s0 =	sor.u32 s3, s0;
	s1 =	sshll.u32 s1, $0x11  }
0xbb: {  	s0 =	sor.u32 s1, s0  }
0xbc: {  	s0 =	sadd.s32 $0x8F2B, s0  }
0xbd: {  	[sflag:s0] =	ssyncadd.remote.s32 $0x1  }
0xbe: {  	_ =	sfence.sel $0xFFFF  }
0xbf: {  	[dreg:$0x0] =	wrdreg $0xFFFFFFFF;
	(pc) =	sbr.abs _section_cstart, $3  }
0xc0: {  	[dreg:$0x1] =	wrdreg $0xFFFFFFFF  }
0xc1: {  	_ =	task.clear_ibuf [dreg:s7], $0x2FFFF;
	_ =	strace $0x9FFFFFFF  }
0xc2: {  	(tm) =	ssettm $0x7FFFFFFF  }
0xc3: {  	_ =	shalt  }
tec
execute0_lowered:
.L_overlay_start_1:
0x0: {  	(tag) =	ssettag $0x1  }
0x1: {  	s0 =	rddreg [dreg:$0x0]  }
0x2: {  	s5 =	rddreg [dreg:$0x1];
	s3 =	simm.s32 $0x0;
	s1 =	srdreg.scid  }
0x3: {  	s2 =	stileid.u32;
	s14 =	simm.s32 $0x1;
	s17 =	simm.s32 $0x3  }
0x4: {  	s18 =	simm.s32 $0x2;
	s1 =	sand.u32 $0x1, s1;
	s2 =	sshll.u32 s2, $0x1  }
0x5: {  	[smem:$0x7FF] =	sst s3;
	s4 =	sadd.s32 $0x126A00, s0;
	s2 =	sor.u32 s1, s2  }
0x6: {  	s6 =	sadd.s32 $0xA00, s0;
	s1 =	ssub.s32 $0x2, s1;
	s7 =	smul.u32 $0x126000, s2  }
0x7: {  	s0 =	sadd.s32 $0x24CA00, s0;
	s2 =	smul.u32 $0x94, s2;
	s30 =	sshrl.u32 s1, $0x1  }
0x8: {  	_ =	strace $0x80000047;
	[dreg:$0x4] =	wrdreg s0;
	s0 =	ssub.s32 s1, s30  }
.Ltmp0:
0x9: {  	[dreg:$0x3] =	wrdreg s7;
	s2 =	sshrl.u32 s2, $0x2;
	(pc) =	sbr.rel .LBB2_1-.Ltmp0, $4  }
0xa: {  	v0 =	vlaneseq.u32;
	s7 =	sadd.s32 $0x120000, s7;
	s0 =	smax.u32 s0, $0x1;
	[dreg:$0x5] =	wrdreg s2  }
0xb: {  	v3 =	vmul.u32 $0xFFFFFFFF, v0;
	s31 =	sshrl.u32 s7, $0x3;
	s2 =	sadd.s32 $0x14200, s2;
	[dreg:$0x8] =	wrdreg s0  }
0xc: {  	s19 =	simm.s32 $0x4;
	v2 =	vimm.f32 $0.0e+00;
	s1 =	sadd.s32 s5, s31;
	[dreg:$0x6] =	wrdreg s2  }
0xd: {  	s20 =	simm.s32 $0x8000;
	v3 =	vadd.s32 $0x92FFFF, v3;
	v1 =	vmov s7;
	v4 =	vmov s2;
	s2 =	simm.s32 $0x0;
	[dreg:$0x7] =	wrdreg s1  }
.LBB2_36:
0xe: {  	s0 =	rddreg [dreg:$0x7]  }
0xf: {  	[hbm4b:s0+s3] =	stream.linear.scatter [tilespmem:s3], [sflag:$0x5], $0x6000, $0x38;
	[tilespmem:$0x14700] =	vst v63  }
0x10: {  	_ =	swait.ge [sflag:s29], $0x6000  }
0x11: {  	[sflag:s29] =	ssyncset.done $0x0  }
0x12: {  	s1 =	simm.s32 $0x6;
	[sflag:s29] =	ssyncadd.s32 $0xFFFFA000  }
0x13: {  	_ =	swait.ge [sflag:s1], $0x8000  }
0x14: {  	s2 =	rddreg [dreg:$0x9]  }
0x15: {  	s31 =	rddreg [dreg:$0x8];
	s2 =	sadd.s32 $0x1, s2  }
0x16: {  	p0 =	sne.s32 s2, s31  }
.Ltmp1:
0x17: {  	_ = 	snop;
	(pc) =	sbr.rel @!p0 .LBB2_37-.Ltmp1, $3  }
0x18: {  	_ =	sdelay $0x1  }
0x19: {  	[sflag:s1] =	ssyncset.done $0x0  }
0x1a: {  	[sflag:s1] =	ssyncadd.s32 $0xFFFF8000  }
.LBB2_1:
0x1b: {  	[dreg:$0x9] =	wrdreg s2  }
0x1c: {  	s0 =	rddreg [dreg:$0x4]  }
.Ltmp2:
0x1d: {  	s1 =	simm.s32 $0x14200;
	s31 =	simm.s32 $0x7;
	(pc) =	sbr.rel .LBB2_2-.Ltmp2, $4  }
0x1e: {  	[tilespmem:s1], [sflag:$0x7] =	stream.linear.gather [hbm4b:s0+s3], $0x500, $0x38;
	[tilespmem:$0x14700] =	vst v63  }
0x1f: {  	_ =	swait.ge [sflag:s31], $0x500  }
0x20: {  	[sflag:s31] =	ssyncset.done $0x0  }
0x21: {  	s24 =	simm.s32 $0x0;
	[sflag:s31] =	ssyncadd.s32 $0xFFFFFB00  }
.LBB2_24:
0x22: {  	s24 =	sadd.s32 $0x1, s24  }
0x23: {  	p0 =	sne.s32 s24, $0x12  }
.Ltmp3:
0x24: {  	_ = 	snop;
	(pc) =	sbr.rel @!p0 .LBB2_25-.Ltmp3, $4  }
0x25: {  	_ = 	snop  }
0x26: {  	s0 =	sshrl.u32 s25, $0x3  }
0x27: {  	s0 =	sadd.s32 s31, s0  }
0x28: {  	[hbm4b:s0+s3] =	stream.linear.scatter [tilespmem:s20], [sflag:$0x6], $0x8000, $0x38;
	[tilespmem:$0x14700] =	vst v63  }
.LBB2_2:
0x29: {  	p0 =	seq.s32 s24, $0x0  }
0x2a: {  	s0 =	simm.s32 @!p0 $0x5  }
0x2b: {  	_ =	swait.ge @!p0 [sflag:s0], $0x8000  }
0x2c: {  	[sflag:s0] =	ssyncset.done @!p0 $0x0  }
0x2d: {  	[sflag:s0] =	ssyncadd.s32 @!p0 $0xFFFF8000;
	s0 =	simm.s32 $0x40  }
0x2e: {  	[tilespmem:s0+$0xFFFFFFC0] =	vst v2  }
0x2f: {  	[tilespmem:s0+$0x30] =	vst v2  }
0x30: {  	[tilespmem:s0+$0x20] =	vst v2  }
0x31: {  	[tilespmem:s0+$0x10] =	vst v2  }
0x32: {  	[tilespmem:s0+$0x0] =	vst v2  }
0x33: {  	[tilespmem:s0+$0xFFFFFFF0] =	vst v2  }
0x34: {  	s1 =	simm.s32 $0x0;
	[tilespmem:s0+$0xFFFFFFE0] =	vst v2  }
.LBB2_3:
0x35: {  	s1 =	sadd.s32 $0x8, s1;
	[tilespmem:s0+$0xFFFFFFD0] =	vst v2;
	s0 =	sadd.s32 $0x80, s0  }
0x36: {  	[tilespmem:s0+$0xFFFFFFC0] =	vst v2;
	p1 =	slt.u32 s1, $0x7F8  }
0x37: {  	[tilespmem:s0+$0x30] =	vst v2  }
.Ltmp4:
0x38: {  	[tilespmem:s0+$0x20] =	vst v2;
	(pc) =	sbr.rel @p1 .LBB2_3-.Ltmp4, $4  }
0x39: {  	[tilespmem:s0+$0x10] =	vst v2  }
0x3a: {  	[tilespmem:s0+$0x0] =	vst v2  }
0x3b: {  	[tilespmem:s0+$0xFFFFFFF0] =	vst v2  }
0x3c: {  	[tilespmem:s0+$0xFFFFFFE0] =	vst v2  }
0x3d: {  	_ =	sdelay $0x1  }
0x3e: {  	s1 =	sshll.u32 s24, $0x1  }
0x3f: {  	[tilespmem:s0+$0xFFFFFFD0] =	vst v2;
	s15 =	sand.u32 $0x3FFFFFFE, s1  }
0x40: {  	v6 =	vld.idx.msk [tilespmem:v4+s15+$0x0 ss:$0x1], $0xffff;
	_ =	sdelay $0x4  }
0x41: {  	(v2sf) =	vpush v6, $0x0;
	_ =	sdelay $0x6  }
0x42: {  	(v2sf) =	vpush v6, $0x1;
	_ =	sdelay $0x7  }
0x43: {  	s16 =	spop (v2sf)  }
0x44: {  	s2 =	sand.u32 $0xF, s16  }
0x45: {  	s7 =	sshra.s32 s16, $0x1F;
	p1 =	slt.s32 s16, $0x1;
	p2 =	sne.s32 s2, $0x0  }
0x46: {  	s21 =	sshrl.u32 s7, $0x1C;
	p1 =	por !p1, !p2  }
0x47: {  	s2 =	simm.s32 $0x1;
	s1 =	sadd.s32 s21, s16;
	p1 =	por !p1, !p1  }
0x48: {  	s1 =	sshrl.u32 s1, $0x4;
	s2 =	simm.s32 @!p1 $0x0  }
0x49: {  	s1 =	ssub.s32 s1, s2  }
0x4a: {  	s22 =	spop (v2sf);
	s10 =	sshll.u32 s1, $0x4  }
0x4b: {  	s1 =	ssub.s32 s22, s10  }
0x4c: {  	s1 =	sadd.s32 $0xFFF, s1  }
0x4d: {  	s23 =	sand.u32 $0xFFF, s1  }
0x4e: {  	s25 =	sshra.s32 s1, $0x1F;
	p5 =	slt.s32 s1, $0x1;
	p6 =	sne.s32 s23, $0x0  }
0x4f: {  	s26 =	sshrl.u32 s25, $0x14;
	p1 =	por !p5, !p6  }
0x50: {  	s2 =	simm.s32 $0x1;
	s1 =	sadd.s32 s26, s1;
	p1 =	por !p1, !p1  }
0x51: {  	s1 =	sshra.s32 s1, $0xC;
	s2 =	simm.s32 @!p1 $0x0  }
0x52: {  	s29 =	ssub.s32 s1, s2  }
0x53: {  	p1 =	slt.s32 s29, $0x1  }
.Ltmp5:
0x54: {  	_ = 	snop;
	(pc) =	sbr.rel @p1 .LBB2_13-.Ltmp5, $4  }
0x55: {  	_ = 	snop  }
0x56: {  	s31 =	rddreg [dreg:$0x6]  }
0x57: {  	s28 =	rddreg [dreg:$0x3];
	s0 =	sadd.s32 s15, s31;
	s25 =	sshll.u32 s24, $0x10  }
0x58: {  	[dreg:$0xa] =	wrdreg s0;
	s30 =	sadd.s32 s28, s25  }
0x59: {  	p1 =	slt.s32 s10, $0x92EFF0;
	s0 =	smov.u32 s10  }
0x5a: {  	s31 =	simm.s32 $0x0;
	s0 =	simm.s32 @!p1 $0x92EFF0  }
0x5b: {  	s2 =	simm.s32 $0x10000;
	s23 =	simm.s32 $0x12100;
	s0 =	sshrl.u32 s0, $0x3  }
.Ltmp6:
0x5c: {  	s26 =	sadd.s32 $0x1, s29;
	s1 =	sadd.s32 s4, s0;
	(pc) =	sbr.rel .LBB2_6-.Ltmp6, $4  }
0x5d: {  	[tilespmem:s2], [sflag:$0x1] =	stream.linear.gather [hbm4b:s1+s31], $0x1010, $0x38;
	[tilespmem:$0x14700] =	vst v63  }
0x5e: {  	s12 =	sadd.s32 $0x1030, s10;
	s7 =	sadd.s32 $0x1000, s10;
	s0 =	sadd.s32 s6, s0  }
0x5f: {  	[tilespmem:s23], [sflag:$0x3] =	stream.linear.gather [hbm4b:s0+s31], $0x1010, $0x38;
	[tilespmem:$0x14700] =	vst v63  }
0x60: {  	v5 =	vmov s30;
	v6 =	vbroadcast v6, $0x1;
	s28 =	smov.u32 s10;
	s1 =	sadd.s32 $0x30, s10;
	s0 =	sshrl.u32 s26, $0x1  }
.LBB2_11:
0x61: {  	vm3 =	vlt.u32 v14, $0x8000;
	vm4 =	vmand vm9, vm6;
	vm15 =	vmand vm10, vm7  }
0x62: {  	v16 =	vand.u32 $0xFFFFFF80, v16;
	v17 =	vand.u32 $0xFFFFFF80, v17;
	v10 =	vand.u32 $0x7F, v10  }
0x63: {  	v11 =	vand.u32 $0x7F, v11;
	v63 =	vand.u32 $0xFFFFFF80, v14;
	vm1 =	vmand vm1, vm4  }
0x64: {  	vm3 =	vmand vm3, vm8;
	vm0 =	vmand vm0, vm15;
	v10 =	vor.u32 v10, v16  }
0x65: {  	v12 =	vand.u32 $0x7F, v12;
	v11 =	vor.u32 v11, v17;
	vm2 =	vmand vm2, vm3  }
0x66: {  	v12 =	vor.u32 v12, v63;
	_ =	sdelay $0x1  }
0x67: {  	[tilespmem:v13+s3+$0x0] =	vst.idx.msk vm5, v15  }
0x68: {  	[tilespmem:v10+s3+$0x0] =	vst.idx.msk vm1, v7  }
0x69: {  	[tilespmem:v11+s3+$0x0] =	vst.idx.msk vm0, v8  }
0x6a: {  	[tilespmem:v12+s3+$0x0] =	vst.idx.msk vm2, v9  }
.LBB2_12:
0x6b: {  	s31 =	sadd.s32 $0x1, s31  }
0x6c: {  	p1 =	sne.s32 s31, s0  }
.Ltmp7:
0x6d: {  	_ = 	snop;
	(pc) =	sbr.rel @!p1 .LBB2_13-.Ltmp7, $3  }
0x6e: {  	_ =	sdelay $0x1  }
0x6f: {  	s1 =	sadd.s32 $0x2000, s1  }
0x70: {  	s28 =	sadd.s32 $0x2000, s28;
	s12 =	sadd.s32 $0x2000, s12;
	s7 =	sadd.s32 $0x2000, s7  }
.LBB2_6:
0x71: {  	s2 =	sshllo.u32 s31, $0x1  }
0x72: {  	p1 =	sge.s32 s2, s29  }
0x73: {  	s2 =	sshll.u32 @!p1 s2, $0xC  }
0x74: {  	_ =	swait.ge [sflag:s14], $0x1010;
	s2 =	sadd.s32 @!p1 s10, s2  }
0x75: {  	p3 =	slt.s32 s28, $0x92EFF0;
	[sflag:s14] =	ssyncset.done $0x0;
	p2 =	slt.s32 @!p1 s2, $0x92EFF0  }
0x76: {  	s8 =	smov.u32 s28;
	[sflag:s14] =	ssyncadd.s32 $0xFFFFEFF0;
	p2 =	por !p2, p1  }
0x77: {  	s8 =	simm.s32 @!p3 $0x92EFF0;
	_ =	swait.ge [sflag:s17], $0x1010;
	s2 =	simm.s32 @p2 $0x92EFF0  }
0x78: {  	s13 =	simm.s32 @!p1 $0x0;
	[sflag:s17] =	ssyncset.done $0x0;
	s2 =	sshrl.u32 @!p1 s2, $0x3  }
0x79: {  	s15 =	simm.s32 @!p1 $0x11080;
	[sflag:s17] =	ssyncadd.s32 $0xFFFFEFF0;
	s11 =	sadd.s32 @!p1 s4, s2  }
0x7a: {  	[tilespmem:s15], [sflag:$0x2] =	stream.linear.gather @!p1 [hbm4b:s11+s13], $0x1010, $0x38;
	[tilespmem:$0x14700] =	vst v63  }
0x7b: {  	s8 =	ssub.s32 $0x0, s8;
	s2 =	sadd.s32 @!p1 s6, s2;
	s11 =	simm.s32 @!p1 $0x13180  }
0x7c: {  	[tilespmem:s11], [sflag:$0x4] =	stream.linear.gather @!p1 [hbm4b:s2+s13], $0x1010, $0x38;
	[tilespmem:$0x14700] =	vst v63  }
0x7d: {  	s2 =	sadd.s32 s1, s8  }
0x7e: {  	s13 =	sadd.s32 $0xFFFFFFF0, s2  }
0x7f: {  	p2 =	slt.s32 s13, $0x1010  }
0x80: {  	s21 =	sadd.s32 $0xFFFFFFD0, s1;
	s11 =	sadd.s32 $0xFFFFFFD0, s2;
	s13 =	simm.s32 @!p2 $0x1010  }
0x81: {  	s15 =	sadd.s32 $0xFFFFFFE0, s2;
	p3 =	slt.s32 s11, $0x1010;
	v7 =	vld [tilespmem:s13+$0x10000];
	s16 =	sor.u32 $0x1, s13  }
0x82: {  	v8 =	vmov s1;
	v10 =	vmov s21;
	p2 =	slt.s32 s15, $0x1010;
	s11 =	simm.s32 @!p3 $0x1010;
	v12 =	vld [tilespmem:s16+$0x10000]  }
0x83: {  	v9 =	vor.u32 s1, v0;
	s23 =	sadd.s32 $0xFFFFFFF0, s1;
	v11 =	vor.u32 s21, v0;
	vm5 =	veq.s32 v10, v3;
	s15 =	simm.s32 @!p2 $0x1010;
	s22 =	sor.u32 $0x1, s11;
	v10 =	vld [tilespmem:s11+$0x10000]  }
0x84: {  	vm3 =	veq.s32 v8, v3;
	vm2 =	vlt.s32 v9, v6;
	v15 =	vor.u32 s23, v0;
	p2 =	slt.s32 s2, $0x1010;
	s21 =	sor.u32 $0x1, s15;
	v8 =	vld [tilespmem:s22+$0x10000];
	s22 =	sadd.s32 $0xFFFFFFE0, s1  }
0x85: {  	vm1 =	vlt.s32 v11, v6;
	s2 =	simm.s32 @!p2 $0x1010;
	v13 =	vld [tilespmem:s21+$0x10000];
	v11 =	vmov s22;
	v9 =	vor.u32 s22, v0  }
0x86: {  	s26 =	sor.u32 $0x1, s2;
	vm7 =	veq.s32 v11, v3;
	vm0 =	vlt.s32 v9, v6;
	v11 =	vld [tilespmem:s15+$0x10000];
	v9 =	vmov s23  }
0x87: {  	vm6 =	veq.s32 v9, v3;
	v9 =	vld [tilespmem:s26+$0x10000];
	v14 =	vsub.s32 v7, v5;
	vm4 =	vne.s32 v7, v12  }
0x88: {  	vm2 =	vmmov vm2;
	v12 =	vld [tilespmem:s2+$0x10000];
	vm4 =	vmor vm6, vm4;
	vm6 =	vlt.u32 v14, $0x8000  }
0x89: {  	vm1 =	vmmov vm1;
	vm4 =	vmand vm6, vm4;
	vm6 =	vlt.s32 v15, v6  }
0x8a: {  	v14 =	vand.u32 $0xFFFFFF80, v14;
	v15 =	vand.u32 $0x7F, v7;
	vm4 =	vmand vm6, vm4  }
0x8b: {  	v16 =	vsub.s32 v10, v5;
	vm8 =	vne.s32 v11, v13;
	v13 =	vor.u32 v15, v14;
	v14 =	vld [tilespmem:s13+$0x12100]  }
0x8c: {  	p2 =	slt.s32 s7, $0x92EFF0;
	s16 =	smov.u32 s7;
	vm9 =	vlt.u32 v16, $0x8000;
	v7 =	vld [tilespmem:s11+$0x12100];
	v17 =	vsub.s32 v11, v5;
	vm6 =	vne.s32 v10, v8  }
0x8d: {  	s16 =	simm.s32 @!p2 $0x92EFF0;
	s22 =	simm.s32 $0x0;
	v8 =	vld [tilespmem:s15+$0x12100];
	vm7 =	vmor vm7, vm8;
	vm6 =	vmor vm5, vm6;
	vm5 =	vne.s32 v12, v9  }
0x8e: {  	s21 =	sadd.s32 $0x40, s1;
	s11 =	ssub.s32 $0x0, s16;
	s13 =	sshll.u32 s31, $0x1;
	vm10 =	vlt.u32 v17, $0x8000;
	v15 =	vsub.s32 v12, v5;
	v9 =	vld [tilespmem:s2+$0x12100];
	vm8 =	vmor vm3, vm5  }
.LBB2_7:
0x8f: {  	s23 =	sadd.s32 s21, s8;
	s2 =	sadd.s32 $0xFFFFFFD0, s21;
	v18 =	vmov s21;
	v19 =	vor.u32 s21, v0;
	s22 =	sadd.s32 $0x4, s22;
	vm11 =	vlt.u32 v15, $0x8000  }
0x90: {  	s16 =	sadd.s32 $0xFFFFFFD0, s23;
	v20 =	vmov s2;
	v21 =	vor.u32 s2, v0;
	s15 =	sadd.s32 $0xFFFFFFF0, s23;
	vm3 =	veq.s32 v18, v3;
	p2 =	slt.u32 s22, $0xFC;
	[tilespmem:v13+s3+$0x0] =	vst.idx.msk vm4, v14  }
0x91: {  	vm6 =	vmand vm9, vm6;
	vm7 =	vmand vm10, vm7;
	s2 =	sadd.s32 $0xFFFFFFE0, s23;
	p4 =	slt.s32 s16, $0x1010;
	vm5 =	veq.s32 v20, v3;
	p3 =	slt.s32 s15, $0x1010  }
0x92: {  	v13 =	vand.u32 $0xFFFFFF80, v16;
	v14 =	vand.u32 $0xFFFFFF80, v17;
	vm8 =	vmand vm11, vm8;
	p5 =	slt.s32 s2, $0x1010;
	s15 =	simm.s32 @!p3 $0x1010;
	p3 =	slt.s32 s23, $0x1010  }
0x93: {  	v10 =	vand.u32 $0x7F, v10;
	v11 =	vand.u32 $0x7F, v11;
	v15 =	vand.u32 $0xFFFFFF80, v15;
	s16 =	simm.s32 @!p4 $0x1010;
	s2 =	simm.s32 @!p5 $0x1010;
	v16 =	vld [tilespmem:s15+$0x10000];
	s9 =	sor.u32 $0x1, s15  }
0x94: {  	v12 =	vand.u32 $0x7F, v12;
	vm4 =	vlt.s32 v19, v6;
	vm9 =	vlt.s32 v21, v6;
	s5 =	sor.u32 $0x1, s16;
	s26 =	sor.u32 $0x1, s2;
	s23 =	simm.s32 @!p3 $0x1010;
	v17 =	vld [tilespmem:s9+$0x10000]  }
0x95: {  	vm10 =	vmand vm1, vm6;
	vm6 =	vmand vm0, vm7;
	vm7 =	vmand vm2, vm8;
	s9 =	sor.u32 $0x1, s23;
	v18 =	vld [tilespmem:s5+$0x10000];
	s5 =	sadd.s32 $0xFFFFFFE0, s21  }
0x96: {  	v13 =	vor.u32 v10, v13;
	v19 =	vld [tilespmem:s26+$0x10000];
	v20 =	vmov s5;
	v21 =	vor.u32 s5, v0  }
0x97: {  	v14 =	vor.u32 v11, v14;
	s5 =	sadd.s32 $0xFFFFFFF0, s21;
	v10 =	vld [tilespmem:s16+$0x10000];
	vm8 =	veq.s32 v20, v3;
	vm0 =	vlt.s32 v21, v6  }
0x98: {  	v15 =	vor.u32 v12, v15;
	vm1 =	vmmov vm9;
	v20 =	vmov s5;
	v11 =	vld [tilespmem:s2+$0x10000]  }
0x99: {  	v21 =	vsub.s32 v16, v5;
	vm9 =	veq.s32 v20, v3;
	vm2 =	vne.s32 v16, v17;
	v20 =	vld [tilespmem:s9+$0x10000]  }
0x9a: {  	v17 =	vor.u32 s5, v0;
	vm2 =	vmor vm9, vm2;
	vm9 =	vlt.u32 v21, $0x8000;
	v12 =	vld [tilespmem:s23+$0x10000]  }
0x9b: {  	vm11 =	vlt.s32 v17, v6;
	vm9 =	vmand vm9, vm2;
	[tilespmem:v13+s3+$0x0] =	vst.idx.msk vm10, v7;
	v7 =	vld [tilespmem:s16+$0x12100];
	vm2 =	vmmov vm4  }
.Ltmp8:
0x9c: {  	v16 =	vand.u32 $0x7F, v16;
	v13 =	vand.u32 $0xFFFFFF80, v21;
	vm4 =	vmand vm11, vm9;
	[tilespmem:v14+s3+$0x0] =	vst.idx.msk vm6, v8;
	v8 =	vld [tilespmem:s2+$0x12100];
	(pc) =	sbr.rel @p2 .LBB2_7-.Ltmp8, $4  }
0x9d: {  	vm6 =	vne.s32 v10, v18;
	v13 =	vor.u32 v16, v13;
	vm9 =	vne.s32 v11, v19;
	v14 =	vld [tilespmem:s15+$0x12100]  }
0x9e: {  	v16 =	vsub.s32 v10, v5;
	vm6 =	vmor vm5, vm6;
	v17 =	vsub.s32 v11, v5;
	[tilespmem:v15+s3+$0x0] =	vst.idx.msk vm7, v9;
	v9 =	vld [tilespmem:s23+$0x12100]  }
0x9f: {  	vm7 =	vmor vm8, vm9;
	v15 =	vsub.s32 v12, v5;
	vm5 =	vne.s32 v12, v20  }
0xa0: {  	s21 =	sadd.s32 $0x40, s21;
	vm9 =	vlt.u32 v16, $0x8000;
	vm10 =	vlt.u32 v17, $0x8000;
	vm8 =	vmor vm3, vm5  }
0xa1: {  	vm3 =	vlt.u32 v15, $0x8000;
	vm5 =	vmand vm9, vm6;
	vm15 =	vmand vm10, vm7  }
0xa2: {  	v16 =	vand.u32 $0xFFFFFF80, v16;
	v17 =	vand.u32 $0xFFFFFF80, v17;
	v10 =	vand.u32 $0x7F, v10  }
0xa3: {  	v11 =	vand.u32 $0x7F, v11;
	s2 =	sadd.s32 $0x2, s13;
	v63 =	vand.u32 $0xFFFFFF80, v15;
	vm1 =	vmand vm1, vm5  }
0xa4: {  	vm3 =	vmand vm3, vm8;
	vm0 =	vmand vm0, vm15;
	v10 =	vor.u32 v10, v16;
	p2 =	sge.s32 s2, s29  }
0xa5: {  	v12 =	vand.u32 $0x7F, v12;
	v11 =	vor.u32 v11, v17;
	vm2 =	vmand vm2, vm3;
	s2 =	sshll.u32 @!p2 s2, $0xC  }
0xa6: {  	v12 =	vor.u32 v12, v63;
	s2 =	sadd.s32 @!p2 s10, s2  }
0xa7: {  	p3 =	slt.s32 @!p2 s2, $0x92EFF0  }
0xa8: {  	[tilespmem:v13+s3+$0x0] =	vst.idx.msk vm4, v14;
	p3 =	por !p3, p2  }
0xa9: {  	s2 =	simm.s32 @p3 $0x92EFF0;
	[tilespmem:v10+s3+$0x0] =	vst.idx.msk vm1, v7  }
.Ltmp9:
0xaa: {  	[tilespmem:v11+s3+$0x0] =	vst.idx.msk vm0, v8;
	s2 =	sshrl.u32 @!p2 s2, $0x3;
	(pc) =	sbr.rel @p1 .LBB2_12-.Ltmp9, $4  }
0xab: {  	s8 =	simm.s32 @!p2 $0x0;
	s9 =	simm.s32 @!p2 $0x10000;
	[tilespmem:v12+s3+$0x0] =	vst.idx.msk vm2, v9;
	s5 =	sadd.s32 @!p2 s4, s2  }
0xac: {  	[tilespmem:s9], [sflag:$0x1] =	stream.linear.gather @!p2 [hbm4b:s5+s8], $0x1010, $0x38;
	[tilespmem:$0x14700] =	vst v63  }
0xad: {  	s2 =	sadd.s32 @!p2 s6, s2;
	s5 =	simm.s32 @!p2 $0x12100  }
0xae: {  	[tilespmem:s5], [sflag:$0x3] =	stream.linear.gather @!p2 [hbm4b:s2+s8], $0x1010, $0x38;
	[tilespmem:$0x14700] =	vst v63  }
0xaf: {  	_ =	swait.ge [sflag:s18], $0x1010  }
0xb0: {  	[sflag:s18] =	ssyncset.done $0x0  }
0xb1: {  	s2 =	sadd.s32 s12, s11;
	[sflag:s18] =	ssyncadd.s32 $0xFFFFEFF0  }
0xb2: {  	s5 =	sadd.s32 $0xFFFFFFF0, s2;
	s8 =	sadd.s32 $0xFFFFFFD0, s2;
	_ =	swait.ge [sflag:s19], $0x1010  }
0xb3: {  	s9 =	sadd.s32 $0xFFFFFFE0, s2;
	p1 =	slt.s32 s5, $0x1010;
	[sflag:s19] =	ssyncset.done $0x0  }
0xb4: {  	p2 =	slt.s32 s8, $0x1010;
	s5 =	simm.s32 @!p1 $0x1010;
	[sflag:s19] =	ssyncadd.s32 $0xFFFFEFF0  }
0xb5: {  	p1 =	slt.s32 s9, $0x1010;
	s8 =	simm.s32 @!p2 $0x1010;
	s13 =	sor.u32 $0x1, s5;
	v7 =	vld [tilespmem:s5+$0x11080]  }
0xb6: {  	s15 =	sadd.s32 $0xFFFFFFD0, s12;
	v8 =	vmov s12;
	v9 =	vor.u32 s12, v0;
	s9 =	simm.s32 @!p1 $0x1010;
	s16 =	sor.u32 $0x1, s8;
	v12 =	vld [tilespmem:s13+$0x11080]  }
0xb7: {  	s22 =	sadd.s32 $0xFFFFFFE0, s12;
	s23 =	sadd.s32 $0xFFFFFFF0, s12;
	v10 =	vmov s15;
	v11 =	vor.u32 s15, v0;
	vm3 =	veq.s32 v8, v3;
	s21 =	sor.u32 $0x1, s9;
	v8 =	vld [tilespmem:s16+$0x11080]  }
0xb8: {  	vm2 =	vlt.s32 v9, v6;
	v9 =	vor.u32 s22, v0;
	v15 =	vor.u32 s23, v0;
	p1 =	slt.s32 s2, $0x1010;
	v13 =	vld [tilespmem:s21+$0x11080]  }
0xb9: {  	vm4 =	veq.s32 v10, v3;
	vm1 =	vlt.s32 v11, v6;
	v11 =	vmov s22;
	s2 =	simm.s32 @!p1 $0x1010;
	v10 =	vld [tilespmem:s8+$0x11080]  }
0xba: {  	vm0 =	vlt.s32 v9, v6;
	v9 =	vmov s23;
	vm7 =	veq.s32 v11, v3;
	s26 =	sor.u32 $0x1, s2;
	v11 =	vld [tilespmem:s9+$0x11080]  }
0xbb: {  	vm6 =	veq.s32 v9, v3;
	v9 =	vld [tilespmem:s26+$0x11080];
	v14 =	vsub.s32 v7, v5;
	vm5 =	vne.s32 v7, v12  }
0xbc: {  	vm2 =	vmmov vm2;
	v12 =	vld [tilespmem:s2+$0x11080];
	vm5 =	vmor vm6, vm5;
	vm6 =	vlt.u32 v14, $0x8000  }
0xbd: {  	vm1 =	vmmov vm1;
	vm5 =	vmand vm6, vm5;
	vm6 =	vlt.s32 v15, v6  }
0xbe: {  	v14 =	vand.u32 $0xFFFFFF80, v14;
	v15 =	vand.u32 $0x7F, v7;
	vm5 =	vmand vm6, vm5  }
0xbf: {  	vm8 =	vne.s32 v11, v13;
	v16 =	vsub.s32 v10, v5;
	v13 =	vor.u32 v15, v14;
	v15 =	vld [tilespmem:s5+$0x13180]  }
0xc0: {  	v17 =	vsub.s32 v11, v5;
	vm7 =	vmor vm7, vm8;
	v7 =	vld [tilespmem:s8+$0x13180];
	vm6 =	vne.s32 v10, v8  }
0xc1: {  	vm9 =	vlt.u32 v16, $0x8000;
	v8 =	vld [tilespmem:s9+$0x13180];
	vm6 =	vmor vm4, vm6;
	vm4 =	vne.s32 v12, v9  }
0xc2: {  	s13 =	sadd.s32 $0x40, s12;
	vm10 =	vlt.u32 v17, $0x8000;
	s8 =	simm.s32 $0x0;
	v14 =	vsub.s32 v12, v5;
	v9 =	vld [tilespmem:s2+$0x13180];
	vm8 =	vmor vm3, vm4  }
.LBB2_10:
0xc3: {  	s21 =	sadd.s32 s13, s11;
	s2 =	sadd.s32 $0xFFFFFFD0, s13;
	v18 =	vmov s13;
	v19 =	vor.u32 s13, v0;
	s8 =	sadd.s32 $0x4, s8;
	vm11 =	vlt.u32 v14, $0x8000  }
0xc4: {  	s16 =	sadd.s32 $0xFFFFFFD0, s21;
	v20 =	vmov s2;
	v21 =	vor.u32 s2, v0;
	s15 =	sadd.s32 $0xFFFFFFF0, s21;
	vm3 =	veq.s32 v18, v3;
	p1 =	slt.u32 s8, $0xFC;
	[tilespmem:v13+s3+$0x0] =	vst.idx.msk vm5, v15  }
0xc5: {  	vm6 =	vmand vm9, vm6;
	vm7 =	vmand vm10, vm7;
	s2 =	sadd.s32 $0xFFFFFFE0, s21;
	p3 =	slt.s32 s16, $0x1010;
	vm4 =	veq.s32 v20, v3;
	p2 =	slt.s32 s15, $0x1010  }
0xc6: {  	v13 =	vand.u32 $0xFFFFFF80, v16;
	v15 =	vand.u32 $0xFFFFFF80, v17;
	vm8 =	vmand vm11, vm8;
	p4 =	slt.s32 s2, $0x1010;
	s15 =	simm.s32 @!p2 $0x1010;
	p2 =	slt.s32 s21, $0x1010  }
0xc7: {  	v10 =	vand.u32 $0x7F, v10;
	v11 =	vand.u32 $0x7F, v11;
	v14 =	vand.u32 $0xFFFFFF80, v14;
	s16 =	simm.s32 @!p3 $0x1010;
	s2 =	simm.s32 @!p4 $0x1010;
	v16 =	vld [tilespmem:s15+$0x11080];
	s5 =	sor.u32 $0x1, s15  }
0xc8: {  	v12 =	vand.u32 $0x7F, v12;
	vm5 =	vlt.s32 v19, v6;
	vm9 =	vlt.s32 v21, v6;
	s9 =	sor.u32 $0x1, s16;
	s22 =	sor.u32 $0x1, s2;
	s21 =	simm.s32 @!p2 $0x1010;
	v17 =	vld [tilespmem:s5+$0x11080]  }
0xc9: {  	vm10 =	vmand vm1, vm6;
	vm6 =	vmand vm0, vm7;
	vm7 =	vmand vm2, vm8;
	s5 =	sadd.s32 $0xFFFFFFE0, s13;
	v18 =	vld [tilespmem:s9+$0x11080];
	s9 =	sor.u32 $0x1, s21  }
0xca: {  	v13 =	vor.u32 v10, v13;
	v20 =	vmov s5;
	v21 =	vor.u32 s5, v0;
	v19 =	vld [tilespmem:s22+$0x11080]  }
0xcb: {  	v15 =	vor.u32 v11, v15;
	s5 =	sadd.s32 $0xFFFFFFF0, s13;
	vm8 =	veq.s32 v20, v3;
	vm0 =	vlt.s32 v21, v6;
	v10 =	vld [tilespmem:s16+$0x11080]  }
0xcc: {  	v14 =	vor.u32 v12, v14;
	vm1 =	vmmov vm9;
	v20 =	vmov s5;
	v11 =	vld [tilespmem:s2+$0x11080]  }
0xcd: {  	vm9 =	veq.s32 v20, v3;
	v21 =	vsub.s32 v16, v5;
	vm2 =	vne.s32 v16, v17;
	v20 =	vld [tilespmem:s9+$0x11080]  }
0xce: {  	v17 =	vor.u32 s5, v0;
	vm2 =	vmor vm9, vm2;
	vm9 =	vlt.u32 v21, $0x8000;
	v12 =	vld [tilespmem:s21+$0x11080]  }
0xcf: {  	vm11 =	vlt.s32 v17, v6;
	vm9 =	vmand vm9, vm2;
	[tilespmem:v13+s3+$0x0] =	vst.idx.msk vm10, v7;
	v7 =	vld [tilespmem:s16+$0x13180];
	vm2 =	vmmov vm5  }
.Ltmp10:
0xd0: {  	v16 =	vand.u32 $0x7F, v16;
	v13 =	vand.u32 $0xFFFFFF80, v21;
	vm5 =	vmand vm11, vm9;
	[tilespmem:v15+s3+$0x0] =	vst.idx.msk vm6, v8;
	v8 =	vld [tilespmem:s2+$0x13180];
	(pc) =	sbr.rel @p1 .LBB2_10-.Ltmp10, $4  }
0xd1: {  	vm6 =	vne.s32 v10, v18;
	v13 =	vor.u32 v16, v13;
	vm9 =	vne.s32 v11, v19;
	v15 =	vld [tilespmem:s15+$0x13180]  }
0xd2: {  	v16 =	vsub.s32 v10, v5;
	vm6 =	vmor vm4, vm6;
	v17 =	vsub.s32 v11, v5;
	[tilespmem:v14+s3+$0x0] =	vst.idx.msk vm7, v9;
	v9 =	vld [tilespmem:s21+$0x13180]  }
0xd3: {  	vm7 =	vmor vm8, vm9;
	v14 =	vsub.s32 v12, v5;
	vm4 =	vne.s32 v12, v20  }
0xd4: {  	s13 =	sadd.s32 $0x40, s13;
	vm9 =	vlt.u32 v16, $0x8000;
	vm10 =	vlt.u32 v17, $0x8000;
	vm8 =	vmor vm3, vm4  }
.Ltmp11:
0xd5: {  	_ = 	snop;
	(pc) =	sbr.rel .LBB2_11-.Ltmp11, $1  }
0xd6: {  	_ =	sdelay $0x3  }
.LBB2_13:
0xd7: {  	s0 =	sshrl.u32 s30, $0x3;
	s31 =	rddreg [dreg:$0x1]  }
0xd8: {  	s0 =	sadd.s32 s31, s0  }
0xd9: {  	[hbm4b:s0+s3] =	stream.linear.scatter [tilespmem:s3], [sflag:$0x5], $0x8000, $0x38;
	[tilespmem:$0x14700] =	vst v63  }
0xda: {  	s0 =	simm.s32 @!p0 $0x6  }
0xdb: {  	_ =	swait.ge @!p0 [sflag:s0], $0x8000  }
0xdc: {  	[sflag:s0] =	ssyncset.done @!p0 $0x0  }
0xdd: {  	[sflag:s0] =	ssyncadd.s32 @!p0 $0xFFFF8000;
	s0 =	simm.s32 $0x8040  }
0xde: {  	[tilespmem:s0+$0xFFFFFFC0] =	vst v2  }
0xdf: {  	[tilespmem:s0+$0x30] =	vst v2  }
0xe0: {  	[tilespmem:s0+$0x20] =	vst v2  }
0xe1: {  	[tilespmem:s0+$0x10] =	vst v2  }
0xe2: {  	[tilespmem:s0+$0x0] =	vst v2  }
0xe3: {  	[tilespmem:s0+$0xFFFFFFF0] =	vst v2  }
0xe4: {  	s1 =	simm.s32 $0x0;
	[tilespmem:s0+$0xFFFFFFE0] =	vst v2  }
.LBB2_14:
0xe5: {  	s1 =	sadd.s32 $0x8, s1;
	[tilespmem:s0+$0xFFFFFFD0] =	vst v2;
	s0 =	sadd.s32 $0x80, s0  }
0xe6: {  	[tilespmem:s0+$0xFFFFFFC0] =	vst v2;
	p0 =	slt.u32 s1, $0x7F8  }
0xe7: {  	[tilespmem:s0+$0x30] =	vst v2  }
.Ltmp12:
0xe8: {  	[tilespmem:s0+$0x20] =	vst v2;
	(pc) =	sbr.rel @p0 .LBB2_14-.Ltmp12, $4  }
0xe9: {  	[tilespmem:s0+$0x10] =	vst v2  }
0xea: {  	[tilespmem:s0+$0x0] =	vst v2  }
0xeb: {  	[tilespmem:s0+$0xFFFFFFF0] =	vst v2  }
0xec: {  	[tilespmem:s0+$0xFFFFFFE0] =	vst v2  }
0xed: {  	[tilespmem:s0+$0xFFFFFFD0] =	vst v2  }
0xee: {  	s0 =	rddreg [dreg:$0xa]  }
0xef: {  	v6 =	vld [tilespmem:s0+$0x1];
	_ =	sdelay $0x4  }
0xf0: {  	(v2sf) =	vpush v6, $0x0;
	_ =	sdelay $0x6  }
0xf1: {  	(v2sf) =	vpush v6, $0x1;
	_ =	sdelay $0x7  }
0xf2: {  	s16 =	spop (v2sf)  }
0xf3: {  	s1 =	sand.u32 $0xF, s16  }
0xf4: {  	s2 =	sshra.s32 s16, $0x1F;
	p0 =	slt.s32 s16, $0x1;
	p1 =	sne.s32 s1, $0x0  }
0xf5: {  	s21 =	sshrl.u32 s2, $0x1C;
	p0 =	por !p0, !p1  }
0xf6: {  	s1 =	simm.s32 $0x1;
	s0 =	sadd.s32 s21, s16;
	p0 =	por !p0, !p0  }
0xf7: {  	s0 =	sshrl.u32 s0, $0x4;
	s1 =	simm.s32 @!p0 $0x0  }
0xf8: {  	s0 =	ssub.s32 s0, s1  }
0xf9: {  	s22 =	spop (v2sf);
	s26 =	sshll.u32 s0, $0x4  }
0xfa: {  	s0 =	ssub.s32 s22, s26  }
0xfb: {  	s0 =	sadd.s32 $0xFFF, s0  }
0xfc: {  	s23 =	sand.u32 $0xFFF, s0  }
0xfd: {  	s29 =	sshra.s32 s0, $0x1F;
	p6 =	slt.s32 s0, $0x1;
	p5 =	sne.s32 s23, $0x0  }
0xfe: {  	s1 =	sshrl.u32 s29, $0x14;
	p0 =	por !p6, !p5  }
0xff: {  	s0 =	sadd.s32 s1, s0;
	s1 =	simm.s32 $0x1;
	p0 =	por !p0, !p0  }
0x100: {  	s0 =	sshra.s32 s0, $0xC;
	s1 =	simm.s32 @!p0 $0x0  }
0x101: {  	s28 =	ssub.s32 s0, s1  }
0x102: {  	p0 =	slt.s32 s28, $0x1  }
.Ltmp13:
0x103: {  	_ = 	snop;
	(pc) =	sbr.rel @p0 .LBB2_24-.Ltmp13, $4  }
0x104: {  	_ = 	snop  }
0x105: {  	s30 =	rddreg [dreg:$0x3]  }
0x106: {  	s0 =	sadd.s32 s25, s30  }
0x107: {  	s25 =	sadd.s32 $0x8000, s0  }
0x108: {  	p0 =	slt.s32 s26, $0x92EFF0;
	s0 =	smov.u32 s26  }
0x109: {  	s29 =	simm.s32 $0x0;
	s0 =	simm.s32 @!p0 $0x92EFF0  }
0x10a: {  	s2 =	simm.s32 $0x10000;
	s23 =	simm.s32 $0x12100;
	s0 =	sshrl.u32 s0, $0x3  }
.Ltmp14:
0x10b: {  	s30 =	sadd.s32 $0x1, s28;
	s1 =	sadd.s32 s4, s0;
	(pc) =	sbr.rel .LBB2_17-.Ltmp14, $4  }
0x10c: {  	[tilespmem:s2], [sflag:$0x1] =	stream.linear.gather [hbm4b:s1+s29], $0x1010, $0x38;
	[tilespmem:$0x14700] =	vst v63  }
0x10d: {  	s12 =	sadd.s32 $0x1030, s26;
	s7 =	sadd.s32 $0x1000, s26;
	s0 =	sadd.s32 s6, s0  }
0x10e: {  	[tilespmem:s23], [sflag:$0x3] =	stream.linear.gather [hbm4b:s0+s29], $0x1010, $0x38;
	[tilespmem:$0x14700] =	vst v63  }
0x10f: {  	v5 =	vmov s25;
	v6 =	vbroadcast v6, $0x1;
	s10 =	smov.u32 s26;
	s1 =	sadd.s32 $0x30, s26;
	s0 =	sshrl.u32 s30, $0x1  }
.LBB2_22:
0x110: {  	vm3 =	vlt.u32 v14, $0x8000;
	vm4 =	vmand vm9, vm6;
	vm15 =	vmand vm10, vm7  }
0x111: {  	v16 =	vand.u32 $0xFFFFFF80, v16;
	v17 =	vand.u32 $0xFFFFFF80, v17;
	v10 =	vand.u32 $0x7F, v10  }
0x112: {  	v11 =	vand.u32 $0x7F, v11;
	v63 =	vand.u32 $0xFFFFFF80, v14;
	vm1 =	vmand vm1, vm4  }
0x113: {  	vm3 =	vmand vm3, vm8;
	vm0 =	vmand vm0, vm15;
	v10 =	vor.u32 v10, v16  }
0x114: {  	v12 =	vand.u32 $0x7F, v12;
	v11 =	vor.u32 v11, v17;
	vm2 =	vmand vm2, vm3  }
0x115: {  	v12 =	vor.u32 v12, v63;
	_ =	sdelay $0x1  }
0x116: {  	[tilespmem:v13+s20+$0x0] =	vst.idx.msk vm5, v15  }
0x117: {  	[tilespmem:v10+s20+$0x0] =	vst.idx.msk vm1, v7  }
0x118: {  	[tilespmem:v11+s20+$0x0] =	vst.idx.msk vm0, v8  }
0x119: {  	[tilespmem:v12+s20+$0x0] =	vst.idx.msk vm2, v9  }
.LBB2_23:
0x11a: {  	s29 =	sadd.s32 $0x1, s29  }
0x11b: {  	p0 =	sne.s32 s29, s0  }
.Ltmp15:
0x11c: {  	_ = 	snop;
	(pc) =	sbr.rel @!p0 .LBB2_24-.Ltmp15, $3  }
0x11d: {  	_ =	sdelay $0x1  }
0x11e: {  	s1 =	sadd.s32 $0x2000, s1  }
0x11f: {  	s10 =	sadd.s32 $0x2000, s10;
	s12 =	sadd.s32 $0x2000, s12;
	s7 =	sadd.s32 $0x2000, s7  }
.LBB2_17:
0x120: {  	s2 =	sshllo.u32 s29, $0x1  }
0x121: {  	p0 =	sge.s32 s2, s28  }
0x122: {  	s2 =	sshll.u32 @!p0 s2, $0xC  }
0x123: {  	_ =	swait.ge [sflag:s14], $0x1010;
	s2 =	sadd.s32 @!p0 s26, s2  }
0x124: {  	p2 =	slt.s32 s10, $0x92EFF0;
	[sflag:s14] =	ssyncset.done $0x0;
	p1 =	slt.s32 @!p0 s2, $0x92EFF0  }
0x125: {  	s5 =	smov.u32 s10;
	[sflag:s14] =	ssyncadd.s32 $0xFFFFEFF0;
	p1 =	por !p1, p0  }
0x126: {  	s5 =	simm.s32 @!p2 $0x92EFF0;
	_ =	swait.ge [sflag:s17], $0x1010;
	s2 =	simm.s32 @p1 $0x92EFF0  }
0x127: {  	s9 =	simm.s32 @!p0 $0x0;
	[sflag:s17] =	ssyncset.done $0x0;
	s2 =	sshrl.u32 @!p0 s2, $0x3  }
0x128: {  	s11 =	simm.s32 @!p0 $0x11080;
	[sflag:s17] =	ssyncadd.s32 $0xFFFFEFF0;
	s8 =	sadd.s32 @!p0 s4, s2  }
0x129: {  	[tilespmem:s11], [sflag:$0x2] =	stream.linear.gather @!p0 [hbm4b:s8+s9], $0x1010, $0x38;
	[tilespmem:$0x14700] =	vst v63  }
0x12a: {  	s2 =	sadd.s32 @!p0 s6, s2;
	s8 =	ssub.s32 $0x0, s5;
	s5 =	simm.s32 @!p0 $0x13180  }
0x12b: {  	[tilespmem:s5], [sflag:$0x4] =	stream.linear.gather @!p0 [hbm4b:s2+s9], $0x1010, $0x38;
	[tilespmem:$0x14700] =	vst v63  }
0x12c: {  	s2 =	sadd.s32 s1, s8  }
0x12d: {  	s13 =	sadd.s32 $0xFFFFFFF0, s2  }
0x12e: {  	p1 =	slt.s32 s13, $0x1010  }
0x12f: {  	s5 =	sadd.s32 $0xFFFFFFD0, s2;
	s13 =	simm.s32 @!p1 $0x1010  }
0x130: {  	s15 =	sadd.s32 $0xFFFFFFD0, s1;
	p2 =	slt.s32 s5, $0x1010;
	v7 =	vld [tilespmem:s13+$0x10000];
	s30 =	sor.u32 $0x1, s13  }
0x131: {  	v8 =	vmov s1;
	v10 =	vmov s15;
	s9 =	sadd.s32 $0xFFFFFFE0, s2;
	s5 =	simm.s32 @!p2 $0x1010;
	v12 =	vld [tilespmem:s30+$0x10000]  }
0x132: {  	v9 =	vor.u32 s1, v0;
	s22 =	sadd.s32 $0xFFFFFFE0, s1;
	v11 =	vor.u32 s15, v0;
	vm5 =	veq.s32 v10, v3;
	p1 =	slt.s32 s9, $0x1010;
	s16 =	sor.u32 $0x1, s5;
	v10 =	vld [tilespmem:s5+$0x10000]  }
0x133: {  	vm3 =	veq.s32 v8, v3;
	vm1 =	vlt.s32 v11, v6;
	v11 =	vmov s22;
	s9 =	simm.s32 @!p1 $0x1010;
	p1 =	slt.s32 s2, $0x1010;
	v8 =	vld [tilespmem:s16+$0x10000]  }
0x134: {  	s23 =	sadd.s32 $0xFFFFFFF0, s1;
	vm2 =	vlt.s32 v9, v6;
	v9 =	vor.u32 s22, v0;
	vm7 =	veq.s32 v11, v3;
	s21 =	sor.u32 $0x1, s9;
	s2 =	simm.s32 @!p1 $0x1010;
	v11 =	vld [tilespmem:s9+$0x10000]  }
0x135: {  	v15 =	vor.u32 s23, v0;
	vm0 =	vlt.s32 v9, v6;
	v9 =	vmov s23;
	v13 =	vld [tilespmem:s21+$0x10000];
	s30 =	sor.u32 $0x1, s2  }
0x136: {  	vm6 =	veq.s32 v9, v3;
	v9 =	vld [tilespmem:s30+$0x10000];
	v14 =	vsub.s32 v7, v5;
	vm4 =	vne.s32 v7, v12  }
0x137: {  	vm2 =	vmmov vm2;
	v12 =	vld [tilespmem:s2+$0x10000];
	vm4 =	vmor vm6, vm4;
	vm6 =	vlt.u32 v14, $0x8000  }
0x138: {  	vm1 =	vmmov vm1;
	vm4 =	vmand vm6, vm4;
	vm6 =	vlt.s32 v15, v6  }
0x139: {  	v14 =	vand.u32 $0xFFFFFF80, v14;
	v15 =	vand.u32 $0x7F, v7;
	vm4 =	vmand vm6, vm4  }
0x13a: {  	v16 =	vsub.s32 v10, v5;
	vm8 =	vne.s32 v11, v13;
	v13 =	vor.u32 v15, v14;
	v14 =	vld [tilespmem:s13+$0x12100]  }
0x13b: {  	s11 =	smov.u32 s7;
	p1 =	slt.s32 s7, $0x92EFF0;
	v17 =	vsub.s32 v11, v5;
	vm9 =	vlt.u32 v16, $0x8000;
	v7 =	vld [tilespmem:s5+$0x12100];
	vm6 =	vne.s32 v10, v8  }
0x13c: {  	s22 =	simm.s32 $0x0;
	s11 =	simm.s32 @!p1 $0x92EFF0;
	vm10 =	vlt.u32 v17, $0x8000;
	v8 =	vld [tilespmem:s9+$0x12100];
	vm6 =	vmor vm5, vm6;
	vm5 =	vne.s32 v12, v9  }
0x13d: {  	s21 =	sadd.s32 $0x40, s1;
	s11 =	ssub.s32 $0x0, s11;
	vm7 =	vmor vm7, vm8;
	s13 =	sshll.u32 s29, $0x1;
	v15 =	vsub.s32 v12, v5;
	v9 =	vld [tilespmem:s2+$0x12100];
	vm8 =	vmor vm3, vm5  }
.LBB2_18:
0x13e: {  	s23 =	sadd.s32 s21, s8;
	s2 =	sadd.s32 $0xFFFFFFD0, s21;
	v18 =	vmov s21;
	v19 =	vor.u32 s21, v0;
	s22 =	sadd.s32 $0x4, s22;
	vm11 =	vlt.u32 v15, $0x8000  }
0x13f: {  	s16 =	sadd.s32 $0xFFFFFFD0, s23;
	v20 =	vmov s2;
	v21 =	vor.u32 s2, v0;
	s15 =	sadd.s32 $0xFFFFFFF0, s23;
	vm3 =	veq.s32 v18, v3;
	p1 =	slt.u32 s22, $0xFC;
	[tilespmem:v13+s20+$0x0] =	vst.idx.msk vm4, v14  }
0x140: {  	vm6 =	vmand vm9, vm6;
	vm7 =	vmand vm10, vm7;
	s2 =	sadd.s32 $0xFFFFFFE0, s23;
	p3 =	slt.s32 s16, $0x1010;
	vm5 =	veq.s32 v20, v3;
	p2 =	slt.s32 s15, $0x1010  }
0x141: {  	v13 =	vand.u32 $0xFFFFFF80, v16;
	v14 =	vand.u32 $0xFFFFFF80, v17;
	vm8 =	vmand vm11, vm8;
	p4 =	slt.s32 s2, $0x1010;
	s15 =	simm.s32 @!p2 $0x1010;
	p2 =	slt.s32 s23, $0x1010  }
0x142: {  	v10 =	vand.u32 $0x7F, v10;
	v11 =	vand.u32 $0x7F, v11;
	v15 =	vand.u32 $0xFFFFFF80, v15;
	s16 =	simm.s32 @!p3 $0x1010;
	s2 =	simm.s32 @!p4 $0x1010;
	v16 =	vld [tilespmem:s15+$0x10000];
	s5 =	sor.u32 $0x1, s15  }
0x143: {  	v12 =	vand.u32 $0x7F, v12;
	vm4 =	vlt.s32 v19, v6;
	vm9 =	vlt.s32 v21, v6;
	s9 =	sor.u32 $0x1, s16;
	s30 =	sor.u32 $0x1, s2;
	s23 =	simm.s32 @!p2 $0x1010;
	v17 =	vld [tilespmem:s5+$0x10000]  }
0x144: {  	vm10 =	vmand vm1, vm6;
	vm6 =	vmand vm0, vm7;
	vm7 =	vmand vm2, vm8;
	s5 =	sadd.s32 $0xFFFFFFE0, s21;
	v18 =	vld [tilespmem:s9+$0x10000];
	s9 =	sor.u32 $0x1, s23  }
0x145: {  	v13 =	vor.u32 v10, v13;
	v20 =	vmov s5;
	v21 =	vor.u32 s5, v0;
	v19 =	vld [tilespmem:s30+$0x10000]  }
0x146: {  	v14 =	vor.u32 v11, v14;
	s5 =	sadd.s32 $0xFFFFFFF0, s21;
	vm8 =	veq.s32 v20, v3;
	vm0 =	vlt.s32 v21, v6;
	v10 =	vld [tilespmem:s16+$0x10000]  }
0x147: {  	v15 =	vor.u32 v12, v15;
	vm1 =	vmmov vm9;
	v20 =	vmov s5;
	v11 =	vld [tilespmem:s2+$0x10000]  }
0x148: {  	vm9 =	veq.s32 v20, v3;
	v21 =	vsub.s32 v16, v5;
	vm2 =	vne.s32 v16, v17;
	v20 =	vld [tilespmem:s9+$0x10000]  }
0x149: {  	v17 =	vor.u32 s5, v0;
	vm2 =	vmor vm9, vm2;
	vm9 =	vlt.u32 v21, $0x8000;
	v12 =	vld [tilespmem:s23+$0x10000]  }
0x14a: {  	vm11 =	vlt.s32 v17, v6;
	vm9 =	vmand vm9, vm2;
	[tilespmem:v13+s20+$0x0] =	vst.idx.msk vm10, v7;
	v7 =	vld [tilespmem:s16+$0x12100];
	vm2 =	vmmov vm4  }
.Ltmp16:
0x14b: {  	v16 =	vand.u32 $0x7F, v16;
	v13 =	vand.u32 $0xFFFFFF80, v21;
	vm4 =	vmand vm11, vm9;
	[tilespmem:v14+s20+$0x0] =	vst.idx.msk vm6, v8;
	v8 =	vld [tilespmem:s2+$0x12100];
	(pc) =	sbr.rel @p1 .LBB2_18-.Ltmp16, $4  }
0x14c: {  	vm6 =	vne.s32 v10, v18;
	v13 =	vor.u32 v16, v13;
	vm9 =	vne.s32 v11, v19;
	v14 =	vld [tilespmem:s15+$0x12100]  }
0x14d: {  	v16 =	vsub.s32 v10, v5;
	vm6 =	vmor vm5, vm6;
	v17 =	vsub.s32 v11, v5;
	[tilespmem:v15+s20+$0x0] =	vst.idx.msk vm7, v9;
	v9 =	vld [tilespmem:s23+$0x12100]  }
0x14e: {  	vm7 =	vmor vm8, vm9;
	v15 =	vsub.s32 v12, v5;
	vm5 =	vne.s32 v12, v20  }
0x14f: {  	s21 =	sadd.s32 $0x40, s21;
	vm9 =	vlt.u32 v16, $0x8000;
	vm10 =	vlt.u32 v17, $0x8000;
	vm8 =	vmor vm3, vm5  }
0x150: {  	vm3 =	vlt.u32 v15, $0x8000;
	vm5 =	vmand vm9, vm6;
	vm15 =	vmand vm10, vm7  }
0x151: {  	v16 =	vand.u32 $0xFFFFFF80, v16;
	v17 =	vand.u32 $0xFFFFFF80, v17;
	v10 =	vand.u32 $0x7F, v10  }
0x152: {  	v11 =	vand.u32 $0x7F, v11;
	s2 =	sadd.s32 $0x2, s13;
	v63 =	vand.u32 $0xFFFFFF80, v15;
	vm1 =	vmand vm1, vm5  }
0x153: {  	vm3 =	vmand vm3, vm8;
	vm0 =	vmand vm0, vm15;
	v10 =	vor.u32 v10, v16;
	p1 =	sge.s32 s2, s28  }
0x154: {  	v12 =	vand.u32 $0x7F, v12;
	v11 =	vor.u32 v11, v17;
	vm2 =	vmand vm2, vm3;
	s2 =	sshll.u32 @!p1 s2, $0xC  }
0x155: {  	v12 =	vor.u32 v12, v63;
	s2 =	sadd.s32 @!p1 s26, s2  }
0x156: {  	p2 =	slt.s32 @!p1 s2, $0x92EFF0  }
0x157: {  	[tilespmem:v13+s20+$0x0] =	vst.idx.msk vm4, v14;
	p2 =	por !p2, p1  }
0x158: {  	s2 =	simm.s32 @p2 $0x92EFF0;
	[tilespmem:v10+s20+$0x0] =	vst.idx.msk vm1, v7  }
.Ltmp17:
0x159: {  	[tilespmem:v11+s20+$0x0] =	vst.idx.msk vm0, v8;
	s2 =	sshrl.u32 @!p1 s2, $0x3;
	(pc) =	sbr.rel @p0 .LBB2_23-.Ltmp17, $4  }
0x15a: {  	s8 =	simm.s32 @!p1 $0x0;
	s9 =	simm.s32 @!p1 $0x10000;
	[tilespmem:v12+s20+$0x0] =	vst.idx.msk vm2, v9;
	s5 =	sadd.s32 @!p1 s4, s2  }
0x15b: {  	[tilespmem:s9], [sflag:$0x1] =	stream.linear.gather @!p1 [hbm4b:s5+s8], $0x1010, $0x38;
	[tilespmem:$0x14700] =	vst v63  }
0x15c: {  	s2 =	sadd.s32 @!p1 s6, s2;
	s5 =	simm.s32 @!p1 $0x12100  }
0x15d: {  	[tilespmem:s5], [sflag:$0x3] =	stream.linear.gather @!p1 [hbm4b:s2+s8], $0x1010, $0x38;
	[tilespmem:$0x14700] =	vst v63  }
0x15e: {  	_ =	swait.ge [sflag:s18], $0x1010  }
0x15f: {  	[sflag:s18] =	ssyncset.done $0x0  }
0x160: {  	s2 =	sadd.s32 s12, s11;
	[sflag:s18] =	ssyncadd.s32 $0xFFFFEFF0  }
0x161: {  	s5 =	sadd.s32 $0xFFFFFFF0, s2;
	s8 =	sadd.s32 $0xFFFFFFD0, s2;
	_ =	swait.ge [sflag:s19], $0x1010  }
0x162: {  	s9 =	sadd.s32 $0xFFFFFFE0, s2;
	p0 =	slt.s32 s5, $0x1010;
	[sflag:s19] =	ssyncset.done $0x0  }
0x163: {  	p1 =	slt.s32 s8, $0x1010;
	s5 =	simm.s32 @!p0 $0x1010;
	[sflag:s19] =	ssyncadd.s32 $0xFFFFEFF0  }
0x164: {  	p0 =	slt.s32 s9, $0x1010;
	s8 =	simm.s32 @!p1 $0x1010;
	s13 =	sor.u32 $0x1, s5;
	v7 =	vld [tilespmem:s5+$0x11080]  }
0x165: {  	s15 =	sadd.s32 $0xFFFFFFD0, s12;
	v8 =	vmov s12;
	v9 =	vor.u32 s12, v0;
	s9 =	simm.s32 @!p0 $0x1010;
	s16 =	sor.u32 $0x1, s8;
	v12 =	vld [tilespmem:s13+$0x11080]  }
0x166: {  	s22 =	sadd.s32 $0xFFFFFFE0, s12;
	s23 =	sadd.s32 $0xFFFFFFF0, s12;
	v10 =	vmov s15;
	v11 =	vor.u32 s15, v0;
	vm3 =	veq.s32 v8, v3;
	s21 =	sor.u32 $0x1, s9;
	v8 =	vld [tilespmem:s16+$0x11080]  }
0x167: {  	vm2 =	vlt.s32 v9, v6;
	v9 =	vor.u32 s22, v0;
	v15 =	vor.u32 s23, v0;
	p0 =	slt.s32 s2, $0x1010;
	v13 =	vld [tilespmem:s21+$0x11080]  }
0x168: {  	vm4 =	veq.s32 v10, v3;
	vm1 =	vlt.s32 v11, v6;
	v11 =	vmov s22;
	s2 =	simm.s32 @!p0 $0x1010;
	v10 =	vld [tilespmem:s8+$0x11080]  }
0x169: {  	vm0 =	vlt.s32 v9, v6;
	v9 =	vmov s23;
	vm7 =	veq.s32 v11, v3;
	s30 =	sor.u32 $0x1, s2;
	v11 =	vld [tilespmem:s9+$0x11080]  }
0x16a: {  	vm6 =	veq.s32 v9, v3;
	v9 =	vld [tilespmem:s30+$0x11080];
	v14 =	vsub.s32 v7, v5;
	vm5 =	vne.s32 v7, v12  }
0x16b: {  	vm2 =	vmmov vm2;
	v12 =	vld [tilespmem:s2+$0x11080];
	vm5 =	vmor vm6, vm5;
	vm6 =	vlt.u32 v14, $0x8000  }
0x16c: {  	vm1 =	vmmov vm1;
	vm5 =	vmand vm6, vm5;
	vm6 =	vlt.s32 v15, v6  }
0x16d: {  	v14 =	vand.u32 $0xFFFFFF80, v14;
	v15 =	vand.u32 $0x7F, v7;
	vm5 =	vmand vm6, vm5  }
0x16e: {  	vm8 =	vne.s32 v11, v13;
	v16 =	vsub.s32 v10, v5;
	v13 =	vor.u32 v15, v14;
	v15 =	vld [tilespmem:s5+$0x13180]  }
0x16f: {  	v17 =	vsub.s32 v11, v5;
	vm7 =	vmor vm7, vm8;
	v7 =	vld [tilespmem:s8+$0x13180];
	vm6 =	vne.s32 v10, v8  }
0x170: {  	vm9 =	vlt.u32 v16, $0x8000;
	v8 =	vld [tilespmem:s9+$0x13180];
	vm6 =	vmor vm4, vm6;
	vm4 =	vne.s32 v12, v9  }
0x171: {  	s13 =	sadd.s32 $0x40, s12;
	vm10 =	vlt.u32 v17, $0x8000;
	s8 =	simm.s32 $0x0;
	v14 =	vsub.s32 v12, v5;
	v9 =	vld [tilespmem:s2+$0x13180];
	vm8 =	vmor vm3, vm4  }
.LBB2_21:
0x172: {  	s21 =	sadd.s32 s13, s11;
	s2 =	sadd.s32 $0xFFFFFFD0, s13;
	v18 =	vmov s13;
	v19 =	vor.u32 s13, v0;
	s8 =	sadd.s32 $0x4, s8;
	vm11 =	vlt.u32 v14, $0x8000  }
0x173: {  	s16 =	sadd.s32 $0xFFFFFFD0, s21;
	v20 =	vmov s2;
	v21 =	vor.u32 s2, v0;
	s15 =	sadd.s32 $0xFFFFFFF0, s21;
	vm3 =	veq.s32 v18, v3;
	p0 =	slt.u32 s8, $0xFC;
	[tilespmem:v13+s20+$0x0] =	vst.idx.msk vm5, v15  }
0x174: {  	vm6 =	vmand vm9, vm6;
	vm7 =	vmand vm10, vm7;
	s2 =	sadd.s32 $0xFFFFFFE0, s21;
	p2 =	slt.s32 s16, $0x1010;
	vm4 =	veq.s32 v20, v3;
	p1 =	slt.s32 s15, $0x1010  }
0x175: {  	v13 =	vand.u32 $0xFFFFFF80, v16;
	v15 =	vand.u32 $0xFFFFFF80, v17;
	vm8 =	vmand vm11, vm8;
	p3 =	slt.s32 s2, $0x1010;
	s15 =	simm.s32 @!p1 $0x1010;
	p1 =	slt.s32 s21, $0x1010  }
0x176: {  	v10 =	vand.u32 $0x7F, v10;
	v11 =	vand.u32 $0x7F, v11;
	v14 =	vand.u32 $0xFFFFFF80, v14;
	s16 =	simm.s32 @!p2 $0x1010;
	s2 =	simm.s32 @!p3 $0x1010;
	v16 =	vld [tilespmem:s15+$0x11080];
	s5 =	sor.u32 $0x1, s15  }
0x177: {  	v12 =	vand.u32 $0x7F, v12;
	vm5 =	vlt.s32 v19, v6;
	vm9 =	vlt.s32 v21, v6;
	s9 =	sor.u32 $0x1, s16;
	s22 =	sor.u32 $0x1, s2;
	s21 =	simm.s32 @!p1 $0x1010;
	v17 =	vld [tilespmem:s5+$0x11080]  }
0x178: {  	vm10 =	vmand vm1, vm6;
	vm6 =	vmand vm0, vm7;
	vm7 =	vmand vm2, vm8;
	s5 =	sadd.s32 $0xFFFFFFE0, s13;
	v18 =	vld [tilespmem:s9+$0x11080];
	s9 =	sor.u32 $0x1, s21  }
0x179: {  	v13 =	vor.u32 v10, v13;
	v20 =	vmov s5;
	v21 =	vor.u32 s5, v0;
	v19 =	vld [tilespmem:s22+$0x11080]  }
0x17a: {  	v15 =	vor.u32 v11, v15;
	s5 =	sadd.s32 $0xFFFFFFF0, s13;
	vm8 =	veq.s32 v20, v3;
	vm0 =	vlt.s32 v21, v6;
	v10 =	vld [tilespmem:s16+$0x11080]  }
0x17b: {  	v14 =	vor.u32 v12, v14;
	vm1 =	vmmov vm9;
	v20 =	vmov s5;
	v11 =	vld [tilespmem:s2+$0x11080]  }
0x17c: {  	vm9 =	veq.s32 v20, v3;
	v21 =	vsub.s32 v16, v5;
	vm2 =	vne.s32 v16, v17;
	v20 =	vld [tilespmem:s9+$0x11080]  }
0x17d: {  	v17 =	vor.u32 s5, v0;
	vm2 =	vmor vm9, vm2;
	vm9 =	vlt.u32 v21, $0x8000;
	v12 =	vld [tilespmem:s21+$0x11080]  }
0x17e: {  	vm11 =	vlt.s32 v17, v6;
	vm9 =	vmand vm9, vm2;
	[tilespmem:v13+s20+$0x0] =	vst.idx.msk vm10, v7;
	v7 =	vld [tilespmem:s16+$0x13180];
	vm2 =	vmmov vm5  }
.Ltmp18:
0x17f: {  	v16 =	vand.u32 $0x7F, v16;
	v13 =	vand.u32 $0xFFFFFF80, v21;
	vm5 =	vmand vm11, vm9;
	[tilespmem:v15+s20+$0x0] =	vst.idx.msk vm6, v8;
	v8 =	vld [tilespmem:s2+$0x13180];
	(pc) =	sbr.rel @p0 .LBB2_21-.Ltmp18, $4  }
0x180: {  	vm6 =	vne.s32 v10, v18;
	v13 =	vor.u32 v16, v13;
	vm9 =	vne.s32 v11, v19;
	v15 =	vld [tilespmem:s15+$0x13180]  }
0x181: {  	v16 =	vsub.s32 v10, v5;
	vm6 =	vmor vm4, vm6;
	v17 =	vsub.s32 v11, v5;
	[tilespmem:v14+s20+$0x0] =	vst.idx.msk vm7, v9;
	v9 =	vld [tilespmem:s21+$0x13180]  }
0x182: {  	vm7 =	vmor vm8, vm9;
	v14 =	vsub.s32 v12, v5;
	vm4 =	vne.s32 v12, v20  }
0x183: {  	s13 =	sadd.s32 $0x40, s13;
	vm9 =	vlt.u32 v16, $0x8000;
	vm10 =	vlt.u32 v17, $0x8000;
	vm8 =	vmor vm3, vm4  }
.Ltmp19:
0x184: {  	_ = 	snop;
	(pc) =	sbr.rel .LBB2_22-.Ltmp19, $1  }
0x185: {  	_ =	sdelay $0x3  }
.LBB2_25:
0x186: {  	s29 =	simm.s32 $0x5  }
0x187: {  	_ =	swait.ge [sflag:s29], $0x8000  }
0x188: {  	[sflag:s29] =	ssyncset.done $0x0  }
0x189: {  	s0 =	simm.s32 $0x40;
	[sflag:s29] =	ssyncadd.s32 $0xFFFF8000  }
0x18a: {  	[tilespmem:s0+$0xFFFFFFC0] =	vst v2  }
0x18b: {  	[tilespmem:s0+$0x30] =	vst v2  }
0x18c: {  	[tilespmem:s0+$0x20] =	vst v2  }
0x18d: {  	[tilespmem:s0+$0x10] =	vst v2  }
0x18e: {  	[tilespmem:s0+$0x0] =	vst v2  }
0x18f: {  	[tilespmem:s0+$0xFFFFFFF0] =	vst v2  }
0x190: {  	s1 =	simm.s32 $0x0;
	[tilespmem:s0+$0xFFFFFFE0] =	vst v2  }
.LBB2_26:
0x191: {  	s1 =	sadd.s32 $0x8, s1;
	[tilespmem:s0+$0xFFFFFFD0] =	vst v2;
	s0 =	sadd.s32 $0x80, s0  }
0x192: {  	[tilespmem:s0+$0xFFFFFFC0] =	vst v2;
	p0 =	slt.u32 s1, $0x5F8  }
0x193: {  	[tilespmem:s0+$0x30] =	vst v2  }
.Ltmp20:
0x194: {  	[tilespmem:s0+$0x20] =	vst v2;
	(pc) =	sbr.rel @p0 .LBB2_26-.Ltmp20, $4  }
0x195: {  	[tilespmem:s0+$0x10] =	vst v2  }
0x196: {  	[tilespmem:s0+$0x0] =	vst v2  }
0x197: {  	[tilespmem:s0+$0xFFFFFFF0] =	vst v2  }
0x198: {  	[tilespmem:s0+$0xFFFFFFE0] =	vst v2  }
0x199: {  	[tilespmem:s0+$0xFFFFFFD0] =	vst v2  }
0x19a: {  	s0 =	rddreg [dreg:$0x5]  }
0x19b: {  	v5 =	vld [tilespmem:s0+$0x14224];
	_ =	sdelay $0x4  }
0x19c: {  	(v2sf) =	vpush v5, $0x0;
	_ =	sdelay $0x6  }
0x19d: {  	(v2sf) =	vpush v5, $0x1;
	_ =	sdelay $0x7  }
0x19e: {  	s25 =	spop (v2sf)  }
0x19f: {  	s1 =	sand.u32 $0xF, s25  }
0x1a0: {  	s2 =	sshra.s32 s25, $0x1F;
	p0 =	slt.s32 s25, $0x1;
	p1 =	sne.s32 s1, $0x0  }
0x1a1: {  	s26 =	sshrl.u32 s2, $0x1C;
	p0 =	por !p0, !p1  }
0x1a2: {  	s1 =	simm.s32 $0x1;
	s0 =	sadd.s32 s26, s25;
	p0 =	por !p0, !p0  }
0x1a3: {  	s0 =	sshrl.u32 s0, $0x4;
	s1 =	simm.s32 @!p0 $0x0  }
0x1a4: {  	s0 =	ssub.s32 s0, s1  }
0x1a5: {  	s28 =	spop (v2sf);
	s24 =	sshll.u32 s0, $0x4  }
0x1a6: {  	s0 =	ssub.s32 s28, s24  }
0x1a7: {  	s0 =	sadd.s32 $0xFFF, s0  }
0x1a8: {  	s30 =	sand.u32 $0xFFF, s0  }
0x1a9: {  	s31 =	sshra.s32 s0, $0x1F;
	p6 =	slt.s32 s0, $0x1;
	p5 =	sne.s32 s30, $0x0  }
0x1aa: {  	s1 =	sshrl.u32 s31, $0x14;
	p0 =	por !p6, !p5  }
0x1ab: {  	s0 =	sadd.s32 s1, s0;
	s1 =	simm.s32 $0x1;
	p0 =	por !p0, !p0  }
0x1ac: {  	s0 =	sshra.s32 s0, $0xC;
	s1 =	simm.s32 @!p0 $0x0  }
0x1ad: {  	s25 =	ssub.s32 s0, s1  }
0x1ae: {  	p0 =	slt.s32 s25, $0x1  }
.Ltmp21:
0x1af: {  	_ = 	snop;
	(pc) =	sbr.rel @p0 .LBB2_36-.Ltmp21, $1  }
0x1b0: {  	_ =	sdelay $0x3  }
0x1b1: {  	p0 =	slt.s32 s24, $0x92EFF0;
	s0 =	smov.u32 s24  }
0x1b2: {  	s26 =	simm.s32 $0x0;
	s0 =	simm.s32 @!p0 $0x92EFF0  }
0x1b3: {  	s2 =	simm.s32 $0x10000;
	s30 =	simm.s32 $0x12100;
	s0 =	sshrl.u32 s0, $0x3  }
.Ltmp22:
0x1b4: {  	s31 =	sadd.s32 $0x1, s25;
	s1 =	sadd.s32 s4, s0;
	(pc) =	sbr.rel .LBB2_29-.Ltmp22, $4  }
0x1b5: {  	[tilespmem:s2], [sflag:$0x1] =	stream.linear.gather [hbm4b:s1+s26], $0x1010, $0x38;
	[tilespmem:$0x14700] =	vst v63  }
0x1b6: {  	s12 =	sadd.s32 $0x1030, s24;
	s7 =	sadd.s32 $0x1000, s24;
	s0 =	sadd.s32 s6, s0  }
0x1b7: {  	[tilespmem:s30], [sflag:$0x3] =	stream.linear.gather [hbm4b:s0+s26], $0x1010, $0x38;
	[tilespmem:$0x14700] =	vst v63  }
0x1b8: {  	v5 =	vbroadcast v5, $0x1;
	s10 =	smov.u32 s24;
	s1 =	sadd.s32 $0x30, s24;
	s0 =	sshrl.u32 s31, $0x1  }
.LBB2_35:
0x1b9: {  	s26 =	sadd.s32 $0x1, s26  }
0x1ba: {  	p0 =	sne.s32 s26, s0  }
.Ltmp23:
0x1bb: {  	_ = 	snop;
	(pc) =	sbr.rel @!p0 .LBB2_36-.Ltmp23, $3  }
0x1bc: {  	_ =	sdelay $0x1  }
0x1bd: {  	s1 =	sadd.s32 $0x2000, s1  }
0x1be: {  	s10 =	sadd.s32 $0x2000, s10;
	s12 =	sadd.s32 $0x2000, s12;
	s7 =	sadd.s32 $0x2000, s7  }
.LBB2_29:
0x1bf: {  	s2 =	sshllo.u32 s26, $0x1  }
0x1c0: {  	p0 =	sge.s32 s2, s25  }
0x1c1: {  	s2 =	sshll.u32 @!p0 s2, $0xC  }
0x1c2: {  	_ =	swait.ge [sflag:s14], $0x1010;
	s2 =	sadd.s32 @!p0 s24, s2  }
0x1c3: {  	p2 =	slt.s32 s10, $0x92EFF0;
	[sflag:s14] =	ssyncset.done $0x0;
	p1 =	slt.s32 @!p0 s2, $0x92EFF0  }
0x1c4: {  	s5 =	smov.u32 s10;
	[sflag:s14] =	ssyncadd.s32 $0xFFFFEFF0;
	p1 =	por !p1, p0  }
0x1c5: {  	s5 =	simm.s32 @!p2 $0x92EFF0;
	_ =	swait.ge [sflag:s17], $0x1010;
	s2 =	simm.s32 @p1 $0x92EFF0  }
0x1c6: {  	s9 =	simm.s32 @!p0 $0x0;
	[sflag:s17] =	ssyncset.done $0x0;
	s2 =	sshrl.u32 @!p0 s2, $0x3  }
0x1c7: {  	s11 =	simm.s32 @!p0 $0x11080;
	[sflag:s17] =	ssyncadd.s32 $0xFFFFEFF0;
	s8 =	sadd.s32 @!p0 s4, s2  }
0x1c8: {  	[tilespmem:s11], [sflag:$0x2] =	stream.linear.gather @!p0 [hbm4b:s8+s9], $0x1010, $0x38;
	[tilespmem:$0x14700] =	vst v63  }
0x1c9: {  	s2 =	sadd.s32 @!p0 s6, s2;
	s8 =	ssub.s32 $0x0, s5;
	s5 =	simm.s32 @!p0 $0x13180  }
0x1ca: {  	[tilespmem:s5], [sflag:$0x4] =	stream.linear.gather @!p0 [hbm4b:s2+s9], $0x1010, $0x38;
	[tilespmem:$0x14700] =	vst v63  }
0x1cb: {  	s2 =	sadd.s32 s1, s8  }
0x1cc: {  	s13 =	sadd.s32 $0xFFFFFFF0, s2  }
0x1cd: {  	p1 =	slt.s32 s13, $0x1010  }
0x1ce: {  	s5 =	sadd.s32 $0xFFFFFFD0, s2;
	s13 =	simm.s32 @!p1 $0x1010  }
0x1cf: {  	s15 =	sadd.s32 $0xFFFFFFD0, s1;
	p2 =	slt.s32 s5, $0x1010;
	v6 =	vld [tilespmem:s13+$0x10000];
	s22 =	sor.u32 $0x1, s13  }
0x1d0: {  	v7 =	vmov s1;
	v9 =	vmov s15;
	s9 =	sadd.s32 $0xFFFFFFE0, s2;
	s5 =	simm.s32 @!p2 $0x1010;
	v11 =	vld [tilespmem:s22+$0x10000]  }
0x1d1: {  	v8 =	vor.u32 s1, v0;
	s28 =	sadd.s32 $0xFFFFFFE0, s1;
	v10 =	vor.u32 s15, v0;
	vm5 =	veq.s32 v9, v3;
	p1 =	slt.s32 s9, $0x1010;
	s16 =	sor.u32 $0x1, s5;
	v9 =	vld [tilespmem:s5+$0x10000]  }
0x1d2: {  	vm3 =	veq.s32 v7, v3;
	vm1 =	vlt.s32 v10, v5;
	v10 =	vmov s28;
	s9 =	simm.s32 @!p1 $0x1010;
	p1 =	slt.s32 s2, $0x1010;
	v7 =	vld [tilespmem:s16+$0x10000]  }
0x1d3: {  	s30 =	sadd.s32 $0xFFFFFFF0, s1;
	vm2 =	vlt.s32 v8, v5;
	v8 =	vor.u32 s28, v0;
	vm7 =	veq.s32 v10, v3;
	s23 =	sor.u32 $0x1, s9;
	s2 =	simm.s32 @!p1 $0x1010;
	v10 =	vld [tilespmem:s9+$0x10000]  }
0x1d4: {  	v14 =	vor.u32 s30, v0;
	vm0 =	vlt.s32 v8, v5;
	v8 =	vmov s30;
	v12 =	vld [tilespmem:s23+$0x10000];
	s31 =	sor.u32 $0x1, s2  }
0x1d5: {  	vm6 =	veq.s32 v8, v3;
	v8 =	vld [tilespmem:s31+$0x10000];
	v13 =	vsub.s32 v6, v1;
	vm4 =	vne.s32 v6, v11  }
0x1d6: {  	vm2 =	vmmov vm2;
	v11 =	vld [tilespmem:s2+$0x10000];
	vm4 =	vmor vm6, vm4;
	vm6 =	vlt.u32 v13, $0x6000  }
0x1d7: {  	vm1 =	vmmov vm1;
	vm4 =	vmand vm6, vm4;
	vm6 =	vlt.s32 v14, v5  }
0x1d8: {  	v13 =	vand.u32 $0xFFFFFF80, v13;
	v14 =	vand.u32 $0x7F, v6;
	vm4 =	vmand vm6, vm4  }
0x1d9: {  	v15 =	vsub.s32 v9, v1;
	vm8 =	vne.s32 v10, v12;
	v12 =	vor.u32 v14, v13;
	v13 =	vld [tilespmem:s13+$0x12100]  }
0x1da: {  	s11 =	smov.u32 s7;
	p1 =	slt.s32 s7, $0x92EFF0;
	v16 =	vsub.s32 v10, v1;
	vm9 =	vlt.u32 v15, $0x6000;
	v6 =	vld [tilespmem:s5+$0x12100];
	vm6 =	vne.s32 v9, v7  }
0x1db: {  	s21 =	sadd.s32 $0x40, s1;
	s11 =	simm.s32 @!p1 $0x92EFF0;
	vm10 =	vlt.u32 v16, $0x6000;
	v7 =	vld [tilespmem:s9+$0x12100];
	vm6 =	vmor vm5, vm6;
	vm5 =	vne.s32 v11, v8  }
0x1dc: {  	s22 =	simm.s32 $0x0;
	s11 =	ssub.s32 $0x0, s11;
	vm7 =	vmor vm7, vm8;
	s13 =	sshll.u32 s26, $0x1;
	v14 =	vsub.s32 v11, v1;
	v8 =	vld [tilespmem:s2+$0x12100];
	vm8 =	vmor vm3, vm5  }
.LBB2_30:
0x1dd: {  	s23 =	sadd.s32 s21, s8;
	s2 =	sadd.s32 $0xFFFFFFD0, s21;
	v17 =	vmov s21;
	v18 =	vor.u32 s21, v0;
	s22 =	sadd.s32 $0x4, s22;
	vm11 =	vlt.u32 v14, $0x6000  }
0x1de: {  	s16 =	sadd.s32 $0xFFFFFFD0, s23;
	v19 =	vmov s2;
	v20 =	vor.u32 s2, v0;
	s15 =	sadd.s32 $0xFFFFFFF0, s23;
	vm3 =	veq.s32 v17, v3;
	p1 =	slt.u32 s22, $0xFC;
	[tilespmem:v12+s3+$0x0] =	vst.idx.msk vm4, v13  }
0x1df: {  	vm6 =	vmand vm9, vm6;
	vm7 =	vmand vm10, vm7;
	s2 =	sadd.s32 $0xFFFFFFE0, s23;
	p3 =	slt.s32 s16, $0x1010;
	vm5 =	veq.s32 v19, v3;
	p2 =	slt.s32 s15, $0x1010  }
0x1e0: {  	v12 =	vand.u32 $0xFFFFFF80, v15;
	v13 =	vand.u32 $0xFFFFFF80, v16;
	vm8 =	vmand vm11, vm8;
	p4 =	slt.s32 s2, $0x1010;
	s15 =	simm.s32 @!p2 $0x1010;
	p2 =	slt.s32 s23, $0x1010  }
0x1e1: {  	v9 =	vand.u32 $0x7F, v9;
	v10 =	vand.u32 $0x7F, v10;
	v14 =	vand.u32 $0xFFFFFF80, v14;
	s16 =	simm.s32 @!p3 $0x1010;
	s2 =	simm.s32 @!p4 $0x1010;
	v15 =	vld [tilespmem:s15+$0x10000];
	s5 =	sor.u32 $0x1, s15  }
0x1e2: {  	v11 =	vand.u32 $0x7F, v11;
	vm4 =	vlt.s32 v18, v5;
	vm9 =	vlt.s32 v20, v5;
	s9 =	sor.u32 $0x1, s16;
	s28 =	sor.u32 $0x1, s2;
	s23 =	simm.s32 @!p2 $0x1010;
	v16 =	vld [tilespmem:s5+$0x10000]  }
0x1e3: {  	vm10 =	vmand vm1, vm6;
	vm6 =	vmand vm0, vm7;
	vm7 =	vmand vm2, vm8;
	s5 =	sadd.s32 $0xFFFFFFE0, s21;
	v17 =	vld [tilespmem:s9+$0x10000];
	s9 =	sor.u32 $0x1, s23  }
0x1e4: {  	v12 =	vor.u32 v9, v12;
	v19 =	vmov s5;
	v20 =	vor.u32 s5, v0;
	v18 =	vld [tilespmem:s28+$0x10000]  }
0x1e5: {  	v13 =	vor.u32 v10, v13;
	s5 =	sadd.s32 $0xFFFFFFF0, s21;
	vm8 =	veq.s32 v19, v3;
	vm0 =	vlt.s32 v20, v5;
	v9 =	vld [tilespmem:s16+$0x10000]  }
0x1e6: {  	v14 =	vor.u32 v11, v14;
	vm1 =	vmmov vm9;
	v19 =	vmov s5;
	v10 =	vld [tilespmem:s2+$0x10000]  }
0x1e7: {  	vm9 =	veq.s32 v19, v3;
	v20 =	vsub.s32 v15, v1;
	vm2 =	vne.s32 v15, v16;
	v19 =	vld [tilespmem:s9+$0x10000]  }
0x1e8: {  	v16 =	vor.u32 s5, v0;
	vm2 =	vmor vm9, vm2;
	vm9 =	vlt.u32 v20, $0x6000;
	v11 =	vld [tilespmem:s23+$0x10000]  }
0x1e9: {  	vm11 =	vlt.s32 v16, v5;
	vm9 =	vmand vm9, vm2;
	[tilespmem:v12+s3+$0x0] =	vst.idx.msk vm10, v6;
	v6 =	vld [tilespmem:s16+$0x12100];
	vm2 =	vmmov vm4  }
.Ltmp24:
0x1ea: {  	v15 =	vand.u32 $0x7F, v15;
	v12 =	vand.u32 $0xFFFFFF80, v20;
	vm4 =	vmand vm11, vm9;
	[tilespmem:v13+s3+$0x0] =	vst.idx.msk vm6, v7;
	v7 =	vld [tilespmem:s2+$0x12100];
	(pc) =	sbr.rel @p1 .LBB2_30-.Ltmp24, $4  }
0x1eb: {  	vm6 =	vne.s32 v9, v17;
	v12 =	vor.u32 v15, v12;
	vm9 =	vne.s32 v10, v18;
	v13 =	vld [tilespmem:s15+$0x12100]  }
0x1ec: {  	v15 =	vsub.s32 v9, v1;
	vm6 =	vmor vm5, vm6;
	v16 =	vsub.s32 v10, v1;
	[tilespmem:v14+s3+$0x0] =	vst.idx.msk vm7, v8;
	v8 =	vld [tilespmem:s23+$0x12100]  }
0x1ed: {  	vm7 =	vmor vm8, vm9;
	v14 =	vsub.s32 v11, v1;
	vm5 =	vne.s32 v11, v19  }
0x1ee: {  	s21 =	sadd.s32 $0x40, s21;
	vm9 =	vlt.u32 v15, $0x6000;
	vm10 =	vlt.u32 v16, $0x6000;
	vm8 =	vmor vm3, vm5  }
0x1ef: {  	vm3 =	vlt.u32 v14, $0x6000;
	vm5 =	vmand vm9, vm6;
	vm15 =	vmand vm10, vm7  }
0x1f0: {  	v15 =	vand.u32 $0xFFFFFF80, v15;
	v16 =	vand.u32 $0xFFFFFF80, v16;
	v9 =	vand.u32 $0x7F, v9  }
0x1f1: {  	v10 =	vand.u32 $0x7F, v10;
	s2 =	sadd.s32 $0x2, s13;
	v63 =	vand.u32 $0xFFFFFF80, v14;
	vm1 =	vmand vm1, vm5  }
0x1f2: {  	vm3 =	vmand vm3, vm8;
	vm0 =	vmand vm0, vm15;
	v9 =	vor.u32 v9, v15;
	p1 =	sge.s32 s2, s25  }
0x1f3: {  	v11 =	vand.u32 $0x7F, v11;
	v10 =	vor.u32 v10, v16;
	vm2 =	vmand vm2, vm3;
	s2 =	sshll.u32 @!p1 s2, $0xC  }
0x1f4: {  	v11 =	vor.u32 v11, v63;
	s2 =	sadd.s32 @!p1 s24, s2  }
0x1f5: {  	p2 =	slt.s32 @!p1 s2, $0x92EFF0  }
0x1f6: {  	[tilespmem:v12+s3+$0x0] =	vst.idx.msk vm4, v13;
	p2 =	por !p2, p1  }
0x1f7: {  	s2 =	simm.s32 @p2 $0x92EFF0;
	[tilespmem:v9+s3+$0x0] =	vst.idx.msk vm1, v6  }
.Ltmp25:
0x1f8: {  	[tilespmem:v10+s3+$0x0] =	vst.idx.msk vm0, v7;
	s2 =	sshrl.u32 @!p1 s2, $0x3;
	(pc) =	sbr.rel @p0 .LBB2_35-.Ltmp25, $4  }
0x1f9: {  	s8 =	simm.s32 @!p1 $0x0;
	s9 =	simm.s32 @!p1 $0x10000;
	[tilespmem:v11+s3+$0x0] =	vst.idx.msk vm2, v8;
	s5 =	sadd.s32 @!p1 s4, s2  }
0x1fa: {  	[tilespmem:s9], [sflag:$0x1] =	stream.linear.gather @!p1 [hbm4b:s5+s8], $0x1010, $0x38;
	[tilespmem:$0x14700] =	vst v63  }
0x1fb: {  	s2 =	sadd.s32 @!p1 s6, s2;
	s5 =	simm.s32 @!p1 $0x12100  }
0x1fc: {  	[tilespmem:s5], [sflag:$0x3] =	stream.linear.gather @!p1 [hbm4b:s2+s8], $0x1010, $0x38;
	[tilespmem:$0x14700] =	vst v63  }
0x1fd: {  	_ =	swait.ge [sflag:s18], $0x1010  }
0x1fe: {  	[sflag:s18] =	ssyncset.done $0x0  }
0x1ff: {  	s2 =	sadd.s32 s12, s11;
	[sflag:s18] =	ssyncadd.s32 $0xFFFFEFF0  }
0x200: {  	s5 =	sadd.s32 $0xFFFFFFF0, s2;
	s8 =	sadd.s32 $0xFFFFFFD0, s2;
	_ =	swait.ge [sflag:s19], $0x1010  }
0x201: {  	s9 =	sadd.s32 $0xFFFFFFE0, s2;
	p0 =	slt.s32 s5, $0x1010;
	[sflag:s19] =	ssyncset.done $0x0  }
0x202: {  	p1 =	slt.s32 s8, $0x1010;
	s5 =	simm.s32 @!p0 $0x1010;
	[sflag:s19] =	ssyncadd.s32 $0xFFFFEFF0  }
0x203: {  	p0 =	slt.s32 s9, $0x1010;
	s8 =	simm.s32 @!p1 $0x1010;
	s13 =	sor.u32 $0x1, s5;
	v6 =	vld [tilespmem:s5+$0x11080]  }
0x204: {  	s15 =	sadd.s32 $0xFFFFFFD0, s12;
	v7 =	vmov s12;
	v8 =	vor.u32 s12, v0;
	s9 =	simm.s32 @!p0 $0x1010;
	s16 =	sor.u32 $0x1, s8;
	v11 =	vld [tilespmem:s13+$0x11080]  }
0x205: {  	s28 =	sadd.s32 $0xFFFFFFE0, s12;
	s30 =	sadd.s32 $0xFFFFFFF0, s12;
	v9 =	vmov s15;
	v10 =	vor.u32 s15, v0;
	vm3 =	veq.s32 v7, v3;
	s23 =	sor.u32 $0x1, s9;
	v7 =	vld [tilespmem:s16+$0x11080]  }
0x206: {  	vm2 =	vlt.s32 v8, v5;
	v8 =	vor.u32 s28, v0;
	v14 =	vor.u32 s30, v0;
	p0 =	slt.s32 s2, $0x1010;
	v12 =	vld [tilespmem:s23+$0x11080]  }
0x207: {  	vm4 =	veq.s32 v9, v3;
	vm1 =	vlt.s32 v10, v5;
	v10 =	vmov s28;
	s2 =	simm.s32 @!p0 $0x1010;
	v9 =	vld [tilespmem:s8+$0x11080]  }
0x208: {  	vm0 =	vlt.s32 v8, v5;
	v8 =	vmov s30;
	vm7 =	veq.s32 v10, v3;
	s31 =	sor.u32 $0x1, s2;
	v10 =	vld [tilespmem:s9+$0x11080]  }
0x209: {  	vm6 =	veq.s32 v8, v3;
	v8 =	vld [tilespmem:s31+$0x11080];
	v13 =	vsub.s32 v6, v1;
	vm5 =	vne.s32 v6, v11  }
0x20a: {  	vm2 =	vmmov vm2;
	v11 =	vld [tilespmem:s2+$0x11080];
	vm5 =	vmor vm6, vm5;
	vm6 =	vlt.u32 v13, $0x6000  }
0x20b: {  	vm1 =	vmmov vm1;
	vm5 =	vmand vm6, vm5;
	vm6 =	vlt.s32 v14, v5  }
0x20c: {  	v13 =	vand.u32 $0xFFFFFF80, v13;
	v14 =	vand.u32 $0x7F, v6;
	vm5 =	vmand vm6, vm5  }
0x20d: {  	vm8 =	vne.s32 v10, v12;
	v15 =	vsub.s32 v9, v1;
	v12 =	vor.u32 v14, v13;
	v14 =	vld [tilespmem:s5+$0x13180]  }
0x20e: {  	v16 =	vsub.s32 v10, v1;
	vm7 =	vmor vm7, vm8;
	v6 =	vld [tilespmem:s8+$0x13180];
	vm6 =	vne.s32 v9, v7  }
0x20f: {  	vm9 =	vlt.u32 v15, $0x6000;
	v7 =	vld [tilespmem:s9+$0x13180];
	vm6 =	vmor vm4, vm6;
	vm4 =	vne.s32 v11, v8  }
0x210: {  	s13 =	sadd.s32 $0x40, s12;
	vm10 =	vlt.u32 v16, $0x6000;
	s8 =	simm.s32 $0x0;
	v13 =	vsub.s32 v11, v1;
	v8 =	vld [tilespmem:s2+$0x13180];
	vm8 =	vmor vm3, vm4  }
.LBB2_33:
0x211: {  	s21 =	sadd.s32 s13, s11;
	s2 =	sadd.s32 $0xFFFFFFD0, s13;
	v17 =	vmov s13;
	v18 =	vor.u32 s13, v0;
	s8 =	sadd.s32 $0x4, s8;
	vm11 =	vlt.u32 v13, $0x6000  }
0x212: {  	s16 =	sadd.s32 $0xFFFFFFD0, s21;
	v19 =	vmov s2;
	v20 =	vor.u32 s2, v0;
	s15 =	sadd.s32 $0xFFFFFFF0, s21;
	vm3 =	veq.s32 v17, v3;
	p0 =	slt.u32 s8, $0xFC;
	[tilespmem:v12+s3+$0x0] =	vst.idx.msk vm5, v14  }
0x213: {  	vm6 =	vmand vm9, vm6;
	vm7 =	vmand vm10, vm7;
	s2 =	sadd.s32 $0xFFFFFFE0, s21;
	p2 =	slt.s32 s16, $0x1010;
	vm4 =	veq.s32 v19, v3;
	p1 =	slt.s32 s15, $0x1010  }
0x214: {  	v12 =	vand.u32 $0xFFFFFF80, v15;
	v14 =	vand.u32 $0xFFFFFF80, v16;
	vm8 =	vmand vm11, vm8;
	p3 =	slt.s32 s2, $0x1010;
	s15 =	simm.s32 @!p1 $0x1010;
	p1 =	slt.s32 s21, $0x1010  }
0x215: {  	v9 =	vand.u32 $0x7F, v9;
	v10 =	vand.u32 $0x7F, v10;
	v13 =	vand.u32 $0xFFFFFF80, v13;
	s16 =	simm.s32 @!p2 $0x1010;
	s2 =	simm.s32 @!p3 $0x1010;
	v15 =	vld [tilespmem:s15+$0x11080];
	s5 =	sor.u32 $0x1, s15  }
0x216: {  	v11 =	vand.u32 $0x7F, v11;
	vm5 =	vlt.s32 v18, v5;
	vm9 =	vlt.s32 v20, v5;
	s9 =	sor.u32 $0x1, s16;
	s22 =	sor.u32 $0x1, s2;
	s21 =	simm.s32 @!p1 $0x1010;
	v16 =	vld [tilespmem:s5+$0x11080]  }
0x217: {  	vm10 =	vmand vm1, vm6;
	vm6 =	vmand vm0, vm7;
	vm7 =	vmand vm2, vm8;
	s5 =	sadd.s32 $0xFFFFFFE0, s13;
	v17 =	vld [tilespmem:s9+$0x11080];
	s9 =	sor.u32 $0x1, s21  }
0x218: {  	v12 =	vor.u32 v9, v12;
	v19 =	vmov s5;
	v20 =	vor.u32 s5, v0;
	v18 =	vld [tilespmem:s22+$0x11080]  }
0x219: {  	v14 =	vor.u32 v10, v14;
	s5 =	sadd.s32 $0xFFFFFFF0, s13;
	vm8 =	veq.s32 v19, v3;
	vm0 =	vlt.s32 v20, v5;
	v9 =	vld [tilespmem:s16+$0x11080]  }
0x21a: {  	v13 =	vor.u32 v11, v13;
	vm1 =	vmmov vm9;
	v19 =	vmov s5;
	v10 =	vld [tilespmem:s2+$0x11080]  }
0x21b: {  	vm9 =	veq.s32 v19, v3;
	v20 =	vsub.s32 v15, v1;
	vm2 =	vne.s32 v15, v16;
	v19 =	vld [tilespmem:s9+$0x11080]  }
0x21c: {  	v16 =	vor.u32 s5, v0;
	vm2 =	vmor vm9, vm2;
	vm9 =	vlt.u32 v20, $0x6000;
	v11 =	vld [tilespmem:s21+$0x11080]  }
0x21d: {  	vm11 =	vlt.s32 v16, v5;
	vm9 =	vmand vm9, vm2;
	[tilespmem:v12+s3+$0x0] =	vst.idx.msk vm10, v6;
	v6 =	vld [tilespmem:s16+$0x13180];
	vm2 =	vmmov vm5  }
.Ltmp26:
0x21e: {  	v15 =	vand.u32 $0x7F, v15;
	v12 =	vand.u32 $0xFFFFFF80, v20;
	vm5 =	vmand vm11, vm9;
	[tilespmem:v14+s3+$0x0] =	vst.idx.msk vm6, v7;
	v7 =	vld [tilespmem:s2+$0x13180];
	(pc) =	sbr.rel @p0 .LBB2_33-.Ltmp26, $4  }
0x21f: {  	vm6 =	vne.s32 v9, v17;
	v12 =	vor.u32 v15, v12;
	vm9 =	vne.s32 v10, v18;
	v14 =	vld [tilespmem:s15+$0x13180]  }
0x220: {  	v15 =	vsub.s32 v9, v1;
	vm6 =	vmor vm4, vm6;
	v16 =	vsub.s32 v10, v1;
	[tilespmem:v13+s3+$0x0] =	vst.idx.msk vm7, v8;
	v8 =	vld [tilespmem:s21+$0x13180]  }
0x221: {  	vm7 =	vmor vm8, vm9;
	v13 =	vsub.s32 v11, v1;
	vm4 =	vne.s32 v11, v19  }
0x222: {  	s13 =	sadd.s32 $0x40, s13;
	vm9 =	vlt.u32 v15, $0x6000;
	vm10 =	vlt.u32 v16, $0x6000;
	vm8 =	vmor vm3, vm4  }
0x223: {  	vm3 =	vlt.u32 v13, $0x6000;
	vm4 =	vmand vm9, vm6;
	vm15 =	vmand vm10, vm7  }
0x224: {  	v15 =	vand.u32 $0xFFFFFF80, v15;
	v16 =	vand.u32 $0xFFFFFF80, v16;
	v9 =	vand.u32 $0x7F, v9  }
0x225: {  	v10 =	vand.u32 $0x7F, v10;
	v63 =	vand.u32 $0xFFFFFF80, v13;
	vm1 =	vmand vm1, vm4  }
0x226: {  	vm3 =	vmand vm3, vm8;
	vm0 =	vmand vm0, vm15;
	v9 =	vor.u32 v9, v15  }
0x227: {  	v11 =	vand.u32 $0x7F, v11;
	v10 =	vor.u32 v10, v16;
	vm2 =	vmand vm2, vm3  }
0x228: {  	v11 =	vor.u32 v11, v63  }
.Ltmp27:
0x229: {  	_ = 	snop;
	(pc) =	sbr.rel .LBB2_35-.Ltmp27, $4  }
0x22a: {  	[tilespmem:v12+s3+$0x0] =	vst.idx.msk vm5, v14  }
0x22b: {  	[tilespmem:v9+s3+$0x0] =	vst.idx.msk vm1, v6  }
0x22c: {  	[tilespmem:v10+s3+$0x0] =	vst.idx.msk vm0, v7  }
0x22d: {  	[tilespmem:v11+s3+$0x0] =	vst.idx.msk vm2, v8  }
.LBB2_37:
0x22e: {  	_ =	sfence.sel $0x180000  }
0x22f: {  	[bflag:$0x0] =	sbarrier.arrive $0xFFFF  }
0x230: {  	_ =	strace $0x90000047  }
0x231: {  	s0 =	stileid.u32;
	[bflag:$0x2] =	sbarrier.arrive $0xFFFF  }
0x232: {  	p0 =	sne.s32 s0, $0x0;
	s0 =	rddreg [dreg:$0x2]  }
0x233: {  	s0 =	sadd.s32 @!p0 $0x100000, s0  }
0x234: {  	[sflag:s0] =	ssyncadd.tile.s32 @!p0 $0x1;
	_ =	shalt  }
.Lfunc_end2:
_tile_overlayer_lowered:
.L_overlay_start_2:
0x235: {  	(tag) =	ssettag $0x2  }
0x236: {  	s0 =	rddreg [dreg:$0x0];
	s2 =	stileid.u32  }
0x237: {  	s1 =	rddreg [dreg:$0x1];
	p0 =	sne.s32 s2, $0x0  }
0x238: {  	s3 =	rddreg [dreg:$0x2];
	[bflag:$0x3] =	sbarrier.arrive $0xFFFF;
	s2 =	simm.s32 @!p0 $0x1C07  }
0x239: {  	[timem:s3], [sflag:s2] =	dma.local @!p0 [hbm:s0], s1  }
0x23a: {  	s0 =	simm.s32 @!p0 $0x7  }
0x23b: {  	_ =	swait.ge @!p0 [sflag:s0], s1  }
0x23c: {  	s1 =	ssub.s32 @!p0 $0x0, s1;
	[sflag:s0] =	ssyncset.done @!p0 $0x0  }
0x23d: {  	[sflag:s0] =	ssyncadd.s32 @!p0 s1  }
0x23e: {  	[bflag:$0x3] =	sbarrier.arrive $0xFFFF  }
0x23f: {  	_ =	shalt  }

// kernel: sparse-core-data-format-call.cloned.1.call-start
scs
called_computation_lowered:
.L_overlay_start_0:
0x0: {  	s2 =	sld [smem:$0x3FD9]  }
0x1: {  	s3 =	sld [smem:$0x3FFE];
	_ =	sdelay $0x1  }
0x2: {  	s1 =	srdreg.scid  }
0x3: {  	s0 =	sand.u32 $0x1, s1  }
0x4: {  	s18 =	sshll.u32 s0, $0xA;
	s2 =	sadd.s32 s3, s2  }
0x5: {  	s2 =	sadd.s32 s2, s18  }
0x6: {  	[smem:$0x3FC6] =	sst s2  }
0x7: {  	_ = 	snop  }
0x8: {  	s2 =	sld [smem:$0x3FD0];
	(tm) =	ssettm $0x1  }
0x9: {  	s19 =	sld [smem:$0x3FFB];
	_ =	sdelay $0x3  }
0xa: {  	_ =	strace s19  }
0xb: {  	s3 =	sld [smem:$0x3FFC];
	_ =	sdelay $0x3  }
0xc: {  	_ =	strace s3  }
0xd: {  	s3 =	sld [smem:$0x3FFD];
	_ =	sdelay $0x3  }
0xe: {  	_ =	strace s3  }
0xf: {  	_ =	strace $0x8FFFFFFF  }
0x10: {  	s20 =	sld [smem:$0x3FDB];
	_ =	sdelay $0x1  }
0x11: {  	s4 =	simm.s32 $_scs_section_size  }
0x12: {  	s5 =	simm.s32 $_size__tile_overlayer_lowered;
	s6 =	simm.s32 $_tile_overlayer_lowered  }
0x13: {  	s23 =	simm.s32 $0x1BFF;
	s22 =	sshll.u32 s6, $0x1;
	s3 =	sadd.s32 s4, s20  }
0x14: {  	s7 =	simm.s32 $0x0;
	s21 =	sshll.u32 s5, $0x1;
	s5 =	sadd.s32 s22, s3  }
0x15: {  	[timem:s7], [sflag:s23] =	dma.local [hbm:s5], s21  }
0x16: {  	_ =	swait.ge [sflag:s23], s21  }
0x17: {  	s4 =	ssub.s32 $0x0, s21;
	[sflag:s23] =	ssyncset.done $0x0  }
0x18: {  	[sflag:s23] =	ssyncadd.s32 s4;
	_ =	sdelay $0x1  }
0x19: {  	s24 =	simm.s32 $0x1B8B  }
0x1a: {  	_ =	swait.ge [sflag:s24], $0x1  }
0x1b: {  	[sflag:s24] =	ssyncset.done $0x0  }
0x1c: {  	s26 =	simm.s32 $0x1B8E;
	s25 =	sld [smem:$0x3FFE];
	[sflag:s24] =	ssyncadd.s32 $0xFFFFFFFF  }
0x1d: {  	s27 =	simm.s32 $execute0_lowered;
	[smem:$0x3FD2] =	sst s26  }
0x1e: {  	s5 =	sshll.u32 s27, $0x1;
	_ =	strace $0x80000049;
	[dreg:$0x1] =	wrdreg $0xFFFFFFFF  }
0x1f: {  	s28 =	simm.s32 $_size_execute0_lowered;
	s3 =	sadd.s32 s3, s5;
	[dreg:$0x0] =	wrdreg $0x0  }
0x20: {  	s5 =	sshll.u32 s28, $0x1;
	[dreg:$0x2] =	wrdreg s3  }
0x21: {  	[dreg:$0x3] =	wrdreg s5  }
0x22: {  	[dreg:$0x4] =	wrdreg $0xC0  }
0x23: {  	_ =	task [dreg:s7], $0x5FFFF  }
0x24: {  	[dreg:$0x1] =	wrdreg $0xFFFFFFFF  }
0x25: {  	[dreg:$0x0] =	wrdreg $0x60  }
0x26: {  	[dreg:$0x2] =	wrdreg s25  }
0x27: {  	[dreg:$0x3] =	wrdreg s2  }
0x28: {  	[dreg:$0x4] =	wrdreg $0x9  }
0x29: {  	_ =	task.clear_ibuf [dreg:s7], $0x5FFFF;
	_ =	strace $0x90000049  }
0x2a: {  	s29 =	simm.s32 $0x9;
	_ =	strace $0x8000004B  }
0x2b: {  	_ =	swait.ge [sflag:s29], $0x1  }
0x2c: {  	[sflag:s29] =	ssyncadd.s32 $0xFFFFFFFF  }
0x2d: {  	_ =	strace $0x9000004B  }
0x2e: {  	_ =	sfence  }
0x2f: {  	s30 =	sld [smem:$0x0];
	_ =	sdelay $0x2  }
0x30: {  	s31 =	sshll.u32 s1, $0xD;
	s1 =	sshrl.u32 s1, $0x2  }
0x31: {  	s3 =	sand.u32 $0x4000, s31;
	s1 =	sadd.s32 s1, s30  }
0x32: {  	s0 =	sor.u32 s3, s0;
	s1 =	sshll.u32 s1, $0x11  }
0x33: {  	s0 =	sor.u32 s1, s0  }
0x34: {  	s0 =	sadd.s32 $0x8F2B, s0  }
0x35: {  	[sflag:s0] =	ssyncadd.remote.s32 $0x1  }
0x36: {  	_ =	sfence.sel $0xFFFF  }
0x37: {  	[dreg:$0x0] =	wrdreg $0xFFFFFFFF;
	(pc) =	sbr.abs _section_cstart, $3  }
0x38: {  	[dreg:$0x1] =	wrdreg $0xFFFFFFFF  }
0x39: {  	_ =	task.clear_ibuf [dreg:s7], $0x2FFFF;
	_ =	strace $0x9FFFFFFF  }
0x3a: {  	(tm) =	ssettm $0x7FFFFFFF  }
0x3b: {  	_ =	shalt  }
tec
execute0_lowered:
.L_overlay_start_1:
0x0: {  	(tag) =	ssettag $0x1  }
0x1: {  	s0 =	rddreg [dreg:$0x0]  }
0x2: {  	s1 =	srdreg.scid;
	_ =	strace $0x8000004A;
	s2 =	stileid.u32  }
0x3: {  	s30 =	simm.s32 $0x1;
	s31 =	simm.s32 $0x2;
	s15 =	simm.s32 $0x0  }
0x4: {  	s16 =	simm.s32 $0x0;
	s17 =	simm.s32 $0x0;
	s8 =	simm.s32 $0x0  }
0x5: {  	s10 =	simm.s32 $0x0;
	s12 =	simm.s32 $0x0;
	s11 =	simm.s32 $0x0  }
.Ltmp0:
0x6: {  	s9 =	simm.s32 $0x0;
	s29 =	sshll.u32 s1, $0x4;
	(pc) =	sbr.rel .LBB1_1-.Ltmp0, $4  }
0x7: {  	s6 =	sadd.s32 $0x800, s0;
	[sflag:s30] =	ssyncpa.u1 $0x0;
	s0 =	sand.u32 $0x10, s29  }
0x8: {  	s7 =	sand.u32 $0x7, s2;
	[dreg:$0x3] =	wrdreg s6;
	s0 =	sor.u32 s2, s0  }
0x9: {  	[sflag:s31] =	ssyncpa.u1 $0x0;
	[dreg:$0x4] =	wrdreg s7;
	s22 =	sshrl.u32 s0, $0x3  }
0xa: {  	s14 =	smov.u32 s7;
	s13 =	smov.u32 s22;
	[dreg:$0x5] =	wrdreg s22  }
.LBB1_9:
0xb: {  	p0 =	sgt.s32 s8, $0x80;
	s3 =	smul.u32 $0xA8000, s12  }
0xc: {  	s0 =	smov.u32 s8;
	s1 =	sshrl.u32 s8, $0x5;
	s27 =	smul.u32 $0xC00, s10  }
0xd: {  	s4 =	sshrl.u32 s8, $0x3;
	s5 =	rddreg [dreg:$0x1];
	s0 =	simm.s32 @!p0 $0x80  }
0xe: {  	s28 =	sand.u32 $0x7, s8;
	s1 =	sand.u32 $0xFFFFFC, s1;
	s0 =	sadd.s32 s19, s0  }
0xf: {  	s29 =	rddreg [dreg:$0x6];
	s26 =	smulhi.u32 $0x2AAAAAB, s1;
	s2 =	sadd.s32 $0xFFFFFF80, s0  }
0x10: {  	s6 =	rddreg [dreg:$0x3];
	s0 =	ssub.s32 $0x100, s0;
	p0 =	sgt.s32 s2, $0x7F  }
0x11: {  	s7 =	rddreg [dreg:$0x4];
	s2 =	smul.u32 $0x60, s26;
	s0 =	simm.s32 @p0 $0x0  }
0x12: {  	s31 =	simm.s32 $0x800;
	s22 =	rddreg [dreg:$0x5];
	s0 =	smul.u32 s0, s18  }
0x13: {  	s4 =	sand.u32 $0xF, s4;
	s3 =	sadd.s32 s5, s3;
	s1 =	ssub.s32 s1, s2  }
0x14: {  	s2 =	sadd.s32 s27, s3;
	s3 =	sshll.u32 s28, $0x12;
	s0 =	smul.u32 $0x60, s0  }
0x15: {  	s1 =	sshll.u32 s1, $0x5;
	s2 =	sadd.s32 s4, s2;
	s4 =	sor.u32 $0x8000, s29  }
0x16: {  	s30 =	sor.u32 $0x400, s3;
	s1 =	sadd.s32 s1, s2;
	s0 =	sand.u32 $0x3FFFFFE0, s0  }
0x17: {  	[hbm4b:s1+s30] =	stream.strided.scatter [tilespmem:s4], [sflag:$0x2], s0, s31, s30, $0x20;
	[tilespmem:$0x10100] =	vst v63  }
.LBB1_10:
0x18: {  	p0 =	slt.u32 s9, $0x2  }
0x19: {  	p1 =	sgt.s32 @!p0 s17, $0x7  }
0x1a: {  	s0 =	smov.u32 s17;
	s1 =	sshra.s32 @!p0 s17, $0x1F;
	p1 =	por !p1, p0  }
0x1b: {  	s2 =	smov.u32 s16;
	s1 =	sand.u32 @!p0 s1, s17;
	s0 =	simm.s32 @p1 $0x7  }
0x1c: {  	s3 =	sshra.s32 @!p0 s16, $0x1F;
	p1 =	sgt.s32 @!p0 s16, $0xDF;
	s0 =	ssub.s32 @!p0 s0, s1  }
0x1d: {  	s4 =	sshra.s32 @!p0 s15, $0x1F;
	p2 =	por !p1, p0;
	s1 =	sadd.s32 @!p0 $0xFFFFFFF9, s0  }
0x1e: {  	s2 =	simm.s32 @p2 $0xDF;
	p1 =	sgt.s32 @!p0 s1, $0x0;
	s1 =	sand.u32 @!p0 s3, s16  }
0x1f: {  	s0 =	ssub.s32 @!p0 $0x8, s0;
	p2 =	sgt.s32 @!p0 s15, $0x80;
	s1 =	ssub.s32 @!p0 s2, s1  }
0x20: {  	p2 =	por !p2, p0;
	s3 =	smov.u32 s15;
	s2 =	sadd.s32 @!p0 $0xFFFFFF21, s1  }
0x21: {  	s3 =	simm.s32 @p2 $0x80;
	p2 =	sgt.s32 @!p0 s2, $0x0;
	s2 =	sand.u32 @!p0 s4, s15  }
0x22: {  	s0 =	smul.u32 @!p0 $0x60, s0;
	p1 =	por !p1, p0;
	s2 =	ssub.s32 @!p0 s3, s2  }
0x23: {  	s1 =	ssub.s32 @!p0 $0xE0, s1;
	p2 =	por !p2, p0;
	s3 =	sadd.s32 @!p0 $0xFFFFFF80, s2  }
0x24: {  	s0 =	simm.s32 @!p1 $0x0;
	s1 =	simm.s32 @!p2 $0x0;
	p2 =	sgt.s32 @!p0 s3, $0x7F  }
0x25: {  	s2 =	ssub.s32 @!p0 $0x100, s2;
	s0 =	smul.u32 @!p0 s1, s0;
	p1 =	por !p2, p0  }
0x26: {  	s1 =	sadd.s32 $0x80, s11;
	s3 =	smov.u32 s13;
	s2 =	simm.s32 @!p1 $0x0  }
0x27: {  	p1 =	sgt.s32 s1, $0xDF;
	s0 =	smul.u32 @!p0 s2, s0;
	s2 =	sadd.s32 $0x4, s13  }
0x28: {  	s3 =	smov.u32 @p1 s2  }
0x29: {  	s5 =	smov.u32 s14;
	s2 =	sadd.s32 $0x8, s14;
	p2 =	sgt.s32 s3, $0xDF  }
0x2a: {  	s9 =	sadd.s32 $0x1, s9;
	s5 =	smov.u32 @p2 s2  }
0x2b: {  	s17 =	smov.u32 s12;
	s1 =	simm.s32 @p1 $0x0;
	p1 =	sgt.s32 s5, $0x7  }
0x2c: {  	s12 =	smov.u32 s14;
	s5 =	smov.u32 @p1 s7;
	p1 =	sne.s32 s9, $0x72  }
.Ltmp1:
0x2d: {  	s16 =	smov.u32 s10;
	s10 =	smov.u32 s13;
	(pc) =	sbr.rel @!p1 .LBB1_11-.Ltmp1, $4  }
0x2e: {  	s4 =	simm.s32 @!p0 $0x2;
	s15 =	smov.u32 s8;
	s0 =	sand.u32 @!p0 $0x3FFFFFE0, s0  }
0x2f: {  	s8 =	smov.u32 s11;
	s11 =	smov.u32 s1;
	_ =	swait.ge @!p0 [sflag:s4], s0  }
0x30: {  	s0 =	ssub.s32 @!p0 $0x0, s0;
	s3 =	smov.u32 @p2 s22;
	[sflag:s4] =	ssyncset.done @!p0 $0x0  }
0x31: {  	s13 =	smov.u32 s3;
	[sflag:s4] =	ssyncadd.s32 @!p0 s0;
	s14 =	smov.u32 s5  }
.LBB1_1:
0x32: {  	p0 =	sgt.u32 s9, $0x6F;
	s18 =	smov.u32 s14  }
0x33: {  	s0 =	sand.u32 @!p0 $0x1FFFFFF, s11;
	p1 =	sgt.s32 @!p0 s14, $0x7;
	s19 =	sshra.s32 @!p0 s14, $0x1F  }
0x34: {  	s20 =	sshra.s32 @!p0 s13, $0x1F;
	s1 =	smulhi.u32 @!p0 $0x2492493, s0;
	p1 =	por !p1, p0  }
0x35: {  	s19 =	sand.u32 @!p0 s19, s14;
	s20 =	sand.u32 @!p0 s20, s13;
	s18 =	simm.s32 @p1 $0x7  }
0x36: {  	p1 =	sgt.s32 @!p0 s13, $0xDF;
	s1 =	sshrl.u32 @!p0 s1, $0x1;
	s18 =	ssub.s32 @!p0 s18, s19  }
0x37: {  	p1 =	por !p1, p0;
	s19 =	smov.u32 s13;
	s1 =	smul.u32 @!p0 $0xE0, s1  }
0x38: {  	s19 =	simm.s32 @p1 $0xDF;
	p1 =	sgt.s32 @!p0 s11, $0x60;
	s18 =	sadd.s32 @!p0 $0xFFFFFFF9, s18  }
0x39: {  	s19 =	ssub.s32 @!p0 s19, s20;
	p1 =	por !p1, p0;
	s20 =	smov.u32 s11  }
0x3a: {  	p2 =	sgt.s32 @!p0 s18, $0x0;
	s18 =	sshll.u32 @!p0 s18, $0x7;
	s21 =	sadd.s32 @!p0 $0xFFFFFF21, s19  }
0x3b: {  	s20 =	simm.s32 @p1 $0x60;
	p1 =	sgt.s32 @!p0 s21, $0x0;
	s21 =	sshra.s32 @!p0 s11, $0x1F  }
0x3c: {  	s19 =	ssub.s32 @!p0 $0xE0, s19;
	s18 =	ssub.s32 @!p0 $0x80, s18;
	s21 =	sand.u32 @!p0 s21, s11  }
0x3d: {  	p2 =	por !p2, p0;
	p1 =	por !p1, p0;
	s20 =	ssub.s32 @!p0 s20, s21  }
0x3e: {  	s18 =	simm.s32 @!p2 $0x0;
	s19 =	simm.s32 @!p1 $0x0;
	s21 =	sadd.s32 @!p0 $0xFFFFFFA0, s20  }
0x3f: {  	s0 =	ssub.s32 @!p0 s0, s1;
	s18 =	smul.u32 @!p0 s19, s18;
	p1 =	sgt.s32 @!p0 s21, $0x7F  }
0x40: {  	s19 =	ssub.s32 @!p0 $0xE0, s20;
	s20 =	smul.u32 @!p0 $0xC4000, s14;
	p1 =	por !p1, p0  }
0x41: {  	s1 =	smul.u32 @!p0 $0xE00, s13;
	s21 =	sxor.u32 @!p0 $0xFFFFFFFF, s9;
	s19 =	simm.s32 @!p1 $0x0  }
0x42: {  	s21 =	sshll.u32 @!p0 s21, $0xE;
	s18 =	smul.u32 @!p0 s19, s18;
	s19 =	sadd.s32 @!p0 s6, s20  }
0x43: {  	s0 =	sshll.u32 @!p0 s0, $0x4;
	s20 =	sand.u32 @!p0 $0x4000, s21;
	s1 =	sadd.s32 @!p0 s1, s19  }
0x44: {  	s18 =	sand.u32 @!p0 $0x3FFFFF80, s18;
	s0 =	sadd.s32 @!p0 s0, s1;
	s1 =	simm.s32 @!p0 $0x0  }
0x45: {  	[tilespmem:s20], [sflag:$0x1] =	stream.linear.gather @!p0 [hbm4b:s0+s1], s18, $0x38;
	[tilespmem:$0x10100] =	vst v63  }
0x46: {  	p0 =	seq.s32 s9, $0x0  }
0x47: {  	p1 =	seq.s32 @!p0 s9, $0x71  }
0x48: {  	p0 =	por p0, p1  }
.Ltmp2:
0x49: {  	_ = 	snop;
	(pc) =	sbr.rel @p0 .LBB1_10-.Ltmp2, $1  }
0x4a: {  	_ =	sdelay $0x3  }
0x4b: {  	p0 =	sgt.s32 s12, $0x7;
	s0 =	smov.u32 s12;
	s1 =	sshra.s32 s12, $0x1F  }
0x4c: {  	s18 =	sshra.s32 s10, $0x1F;
	s26 =	ssub.s32 $0x0, s8;
	s27 =	sshra.s32 s8, $0x1F  }
0x4d: {  	p1 =	sgt.s32 s8, $0x60;
	s20 =	smov.u32 s8;
	s0 =	simm.s32 @!p0 $0x7  }
0x4e: {  	s1 =	sand.u32 s1, s12;
	p0 =	sgt.s32 s10, $0xDF;
	s18 =	sand.u32 s18, s10  }
0x4f: {  	s20 =	simm.s32 @!p1 $0x60;
	s0 =	ssub.s32 s0, s1;
	s1 =	smov.u32 s10  }
0x50: {  	s19 =	sadd.s32 $0xFFFFFFF9, s0;
	s1 =	simm.s32 @!p0 $0xDF;
	s0 =	ssub.s32 $0x8, s0  }
0x51: {  	p0 =	sgt.s32 s19, $0x0;
	s1 =	ssub.s32 s1, s18;
	s19 =	sand.u32 s26, s27  }
0x52: {  	s21 =	sadd.s32 $0xFFFFFF21, s1;
	s1 =	ssub.s32 $0xE0, s1;
	s18 =	sadd.s32 s19, s20  }
0x53: {  	s0 =	simm.s32 @p0 $0x0;
	p1 =	sgt.s32 s21, $0x0;
	s20 =	sadd.s32 $0xFFFFFFA0, s18  }
0x54: {  	s1 =	simm.s32 @p1 $0x0;
	s28 =	sshll.u32 s20, $0x7;
	p0 =	sgt.s32 s20, $0x7F  }
0x55: {  	s18 =	smul.u32 s0, s1;
	s0 =	ssub.s32 $0x4000, s28;
	s1 =	sadd.s32 $0x1, s12  }
0x56: {  	s20 =	sadd.s32 $0x1, s10;
	s0 =	simm.s32 @p0 $0x0;
	p0 =	slt.s32 s1, $0x8  }
0x57: {  	s1 =	simm.s32 @!p0 $0x8;
	p0 =	slt.s32 s20, $0xE0  }
0x58: {  	s21 =	ssub.s32 s1, s12;
	s20 =	simm.s32 @!p0 $0xE0;
	s1 =	sadd.s32 $0x80, s8  }
0x59: {  	s22 =	ssub.s32 s20, s10;
	p1 =	slt.s32 s1, $0xE0;
	p0 =	slt.s32 s21, $0x1  }
0x5a: {  	s1 =	simm.s32 @!p1 $0xE0;
	p1 =	slt.s32 @!p0 s22, $0x1  }
0x5b: {  	s23 =	ssub.s32 s1, s8;
	p1 =	por p0, p1  }
0x5c: {  	p2 =	slt.s32 @!p1 s23, $0x1  }
0x5d: {  	s0 =	smul.u32 s18, s0;
	p1 =	por p1, p2  }
.Ltmp3:
0x5e: {  	_ = 	snop;
	(pc) =	sbr.rel @p1 .LBB1_9-.Ltmp3, $4  }
0x5f: {  	s2 =	simm.s32 $0x1;
	s29 =	sand.u32 $0x3FFFFF80, s0;
	s0 =	sand.u32 $0x1, s9  }
0x60: {  	_ =	swait.ge [sflag:s2], s29;
	s31 =	smul.u32 $0x4080, s0  }
0x61: {  	s30 =	ssub.s32 $0x0, s29;
	[sflag:s2] =	ssyncset.done $0x0  }
0x62: {  	[sflag:s2] =	ssyncadd.s32 s30;
	[dreg:$0x6] =	wrdreg s31  }
0x63: {  	s24 =	sshll.u32 @!p0 s0, $0xE;
	s0 =	rddreg [dreg:$0x6]  }
0x64: {  	s26 =	simm.s32 $0x0;
	s25 =	sor.u32 @!p0 $0x8000, s0  }
.LBB1_4:
0x65: {  	s27 =	simm.s32 $0x0  }
.LBB1_5:
0x66: {  	s0 =	sadd.s32 s26, s27  }
0x67: {  	s1 =	sshll.u32 s0, $0x10  }
0x68: {  	s1 =	sshra.s32 s1, $0x2  }
0x69: {  	s1 =	sadd.s32 s1, s24  }
0x6a: {  	s29 =	simm.s32 $0x0;
	s7 =	simm.s32 $0x0;
	s0 =	smul.u32 $0x10200, s0;
	v0 =	vmov s1  }
0x6b: {  	s31 =	simm.s32 $0x10;
	s4 =	simm.s32 $0x30;
	s3 =	simm.s32 $0x50  }
0x6c: {  	s31 =	sand.u32 $0x78, s31;
	s4 =	sand.u32 $0x78, s4;
	s0 =	sshra.s32 s0, $0x2  }
0x6d: {  	s31 =	smul.u32 $0x204, s31;
	s28 =	sadd.s32 s0, s25;
	s0 =	sand.u32 $0x78, s7  }
0x6e: {  	s4 =	smul.u32 $0x204, s4;
	s1 =	sand.u32 $0x3F80, s29;
	s2 =	sxor.u32 $0x40, s0  }
0x6f: {  	s30 =	simm.s32 $0x1;
	s3 =	sand.u32 $0x78, s3;
	s2 =	smul.u32 $0x204, s2;
	v1 =	vld.idx.msk [tilespmem:v0+s1+$0x40 ss:$0x1], $0xffff  }
0x70: {  	p0 =	sne.s32 s23, $0x1;
	s5 =	sand.u32 $0x7F, s29;
	s3 =	smul.u32 $0x204, s3  }
0x71: {  	s7 =	simm.s32 $0x20;
	s0 =	smul.u32 $0x204, s0;
	s2 =	sshrl.u32 s2, $0x2;
	v2 =	vld.idx.msk [tilespmem:v0+s1+$0x0 ss:$0x1], $0xffff  }
0x72: {  	s31 =	sshrl.u32 s31, $0x2;
	s7 =	sand.u32 $0x78, s7;
	v3 =	vld.idx.msk [tilespmem:v0+s1+$0x10 ss:$0x1], $0xffff;
	s2 =	sadd.s32 s2, s28  }
0x73: {  	s7 =	smul.u32 $0x204, s7;
	s0 =	sshrl.u32 s0, $0x2;
	v4 =	vld.idx.msk [tilespmem:v0+s1+$0x20 ss:$0x1], $0xffff;
	s2 =	sadd.s32 s5, s2  }
.Ltmp4:
0x74: {  	s4 =	sshrl.u32 s4, $0x2;
	s0 =	sadd.s32 s0, s28;
	[tilespmem:s2+$0x0 ss:$0x81] =	vst.msk $0xffff, v1;
	v1 =	vld.idx.msk [tilespmem:v0+s1+$0x30 ss:$0x1], $0xffff;
	(pc) =	sbr.rel @!p0 .LBB1_7-.Ltmp4, $4  }
0x75: {  	s20 =	sadd.s32 s31, s28;
	s7 =	sshrl.u32 s7, $0x2;
	s0 =	sadd.s32 s5, s0  }
0x76: {  	s3 =	sshrl.u32 s3, $0x2;
	s7 =	sadd.s32 s7, s28;
	[tilespmem:s0+$0x0 ss:$0x81] =	vst.msk $0xffff, v2;
	s2 =	sadd.s32 s5, s20;
	v2 =	vld.idx.msk [tilespmem:v0+s1+$0x50 ss:$0x1], $0xffff  }
0x77: {  	s6 =	sadd.s32 s4, s28;
	s20 =	sadd.s32 s5, s7;
	[tilespmem:s2+$0x0 ss:$0x81] =	vst.msk $0xffff, v3;
	s2 =	sadd.s32 s3, s28  }
0x78: {  	s31 =	simm.s32 $0x2808;
	s1 =	sadd.s32 s5, s6;
	[tilespmem:s20+$0x0 ss:$0x81] =	vst.msk $0xffff, v4;
	s0 =	sadd.s32 s5, s2  }
.LBB1_6:
0x79: {  	s2 =	sadd.s32 $0xFFFFD800, s31;
	s3 =	sadd.s32 $0xFFFFE000, s31;
	[tilespmem:s1+$0x0 ss:$0x81] =	vst.msk $0xffff, v1;
	s1 =	smov.u32 s30  }
0x7a: {  	s30 =	sadd.s32 $0x1, s30;
	s29 =	sadd.s32 $0x80, s29;
	s4 =	sadd.s32 $0xFFFFE800, s31  }
0x7b: {  	s5 =	sadd.s32 $0xFFFFF000, s31;
	s2 =	sshrl.u32 s2, $0x7;
	p0 =	sne.s32 s23, s30;
	[tilespmem:s0+$0x0 ss:$0x81] =	vst.msk $0xffff, v2  }
0x7c: {  	s6 =	sshrl.u32 s31, $0x7;
	s0 =	sand.u32 $0x3F80, s29;
	s2 =	sand.u32 $0x78, s2  }
0x7d: {  	s3 =	sshrl.u32 s3, $0x7;
	s4 =	sshrl.u32 s4, $0x7;
	v3 =	vld.idx.msk [tilespmem:v0+s0+$0x40 ss:$0x1], $0xffff;
	s7 =	sxor.u32 $0x40, s2  }
0x7e: {  	s5 =	sshrl.u32 s5, $0x7;
	s6 =	sand.u32 $0x78, s6;
	v4 =	vld.idx.msk [tilespmem:v0+s0+$0x0 ss:$0x1], $0xffff;
	s7 =	smul.u32 $0x204, s7  }
0x7f: {  	s20 =	sand.u32 $0x7F, s1;
	s3 =	sand.u32 $0x78, s3;
	s4 =	sand.u32 $0x78, s4;
	v5 =	vld.idx.msk [tilespmem:v0+s0+$0x10 ss:$0x1], $0xffff  }
0x80: {  	s5 =	sand.u32 $0x78, s5;
	s1 =	smul.u32 $0x204, s2;
	v6 =	vld.idx.msk [tilespmem:v0+s0+$0x20 ss:$0x1], $0xffff;
	s7 =	sshrl.u32 s7, $0x2  }
0x81: {  	s3 =	smul.u32 $0x204, s3;
	v1 =	vld.idx.msk [tilespmem:v0+s0+$0x30 ss:$0x1], $0xffff;
	s2 =	sadd.s32 s7, s28  }
0x82: {  	s2 =	sadd.s32 s20, s2;
	v2 =	vld.idx.msk [tilespmem:v0+s0+$0x50 ss:$0x1], $0xffff;
	s0 =	sshrl.u32 s1, $0x2;
	s1 =	smul.u32 $0x204, s4  }
0x83: {  	s4 =	smul.u32 $0x204, s6;
	[tilespmem:s2+$0x0 ss:$0x81] =	vst.msk $0xffff, v3  }
0x84: {  	s0 =	sadd.s32 s0, s28;
	s2 =	sshrl.u32 s3, $0x2;
	s3 =	smul.u32 $0x204, s5  }
.Ltmp5:
0x85: {  	s2 =	sadd.s32 s2, s28;
	s1 =	sshrl.u32 s1, $0x2;
	(pc) =	sbr.rel @p0 .LBB1_6-.Ltmp5, $4  }
0x86: {  	s0 =	sadd.s32 s20, s0;
	s1 =	sadd.s32 s1, s28;
	s3 =	sshrl.u32 s3, $0x2  }
0x87: {  	[tilespmem:s0+$0x0 ss:$0x81] =	vst.msk $0xffff, v4;
	s0 =	sadd.s32 s20, s2;
	s2 =	sadd.s32 s3, s28;
	s3 =	sshrl.u32 s4, $0x2  }
0x88: {  	[tilespmem:s0+$0x0 ss:$0x81] =	vst.msk $0xffff, v5;
	s0 =	sadd.s32 s20, s1;
	s1 =	sadd.s32 s20, s2;
	s2 =	sadd.s32 s3, s28  }
0x89: {  	s31 =	sadd.s32 $0x8, s31;
	[tilespmem:s0+$0x0 ss:$0x81] =	vst.msk $0xffff, v6;
	s0 =	sadd.s32 s20, s2  }
.LBB1_7:
0x8a: {  	s27 =	sadd.s32 $0x1, s27  }
0x8b: {  	p0 =	sne.s32 s27, s22  }
.Ltmp6:
0x8c: {  	_ = 	snop;
	(pc) =	sbr.rel @p0 .LBB1_5-.Ltmp6, $3  }
0x8d: {  	_ =	sdelay $0x1  }
0x8e: {  	[tilespmem:s1+$0x0 ss:$0x81] =	vst.msk $0xffff, v1  }
0x8f: {  	[tilespmem:s0+$0x0 ss:$0x81] =	vst.msk $0xffff, v2  }
0x90: {  	s26 =	sadd.s32 $0x1, s26  }
0x91: {  	p0 =	sne.s32 s26, s21  }
.Ltmp7:
0x92: {  	_ = 	snop;
	(pc) =	sbr.rel @p0 .LBB1_4-.Ltmp7, $4  }
.Ltmp8:
0x93: {  	_ = 	snop;
	(pc) =	sbr.rel @!p0 .LBB1_9-.Ltmp8, $4  }
0x94: {  	_ = 	snop  }
0x95: {  	_ = 	snop  }
0x96: {  	_ = 	snop  }
0x97: {  	_ = 	snop  }
.LBB1_11:
0x98: {  	_ =	sfence.sel $0x180000  }
0x99: {  	s0 =	simm.s32 $0x1;
	[bflag:$0x0] =	sbarrier.arrive $0xFFFF  }
0x9a: {  	s30 =	simm.s32 $0x2;
	[sflag:s0] =	ssyncpa.u1 $0x1  }
0x9b: {  	[sflag:s30] =	ssyncpa.u1 $0x1  }
0x9c: {  	_ =	strace $0x9000004A  }
0x9d: {  	s31 =	stileid.u32;
	[bflag:$0x2] =	sbarrier.arrive $0xFFFF  }
0x9e: {  	p0 =	sne.s32 s31, $0x0;
	s0 =	rddreg [dreg:$0x2]  }
0x9f: {  	s0 =	sadd.s32 @!p0 $0x100000, s0  }
0xa0: {  	[sflag:s0] =	ssyncadd.tile.s32 @!p0 $0x1;
	_ =	shalt  }
.Lfunc_end1:
_tile_overlayer_lowered:
.L_overlay_start_2:
0xa1: {  	(tag) =	ssettag $0x2  }
0xa2: {  	s0 =	rddreg [dreg:$0x0];
	s2 =	stileid.u32  }
0xa3: {  	s1 =	rddreg [dreg:$0x1];
	p0 =	sne.s32 s2, $0x0  }
0xa4: {  	s3 =	rddreg [dreg:$0x2];
	[bflag:$0x3] =	sbarrier.arrive $0xFFFF;
	s2 =	simm.s32 @!p0 $0x1C01  }
0xa5: {  	[timem:s3], [sflag:s2] =	dma.local @!p0 [hbm:s0], s1  }
0xa6: {  	s0 =	simm.s32 @!p0 $0x1  }
0xa7: {  	_ =	swait.ge @!p0 [sflag:s0], s1  }
0xa8: {  	s1 =	ssub.s32 @!p0 $0x0, s1;
	[sflag:s0] =	ssyncset.done @!p0 $0x0  }
0xa9: {  	[sflag:s0] =	ssyncadd.s32 @!p0 s1  }
0xaa: {  	[bflag:$0x3] =	sbarrier.arrive $0xFFFF  }
0xab: {  	_ =	shalt  }

</sc_bundles>
